<compile_context>
chip_gen: v7x
topology: tpu7x:2x2x1
jax: 0.10.2.dev20260603
libtpu: 0.0.44.dev20260713+nightly
codegen_flags: <defaults>
</compile_context>

<pallas_src>
import functools
import math

import jax
import jax.numpy as jnp
from jax import lax
from jax.experimental import pallas as pl
from jax.experimental.pallas import tpu as pltpu
from jax.experimental.pallas import tpu_sc as plsc

NUM_NODES = 1000000
MEM_DIM = 128
TIME_DIM = 128
RAW_DIM = 128


_DBG = 0

NSC = 2
NSUB = 16
CPS = 16



def _enc_body(t_ref, lu_ref, w_ref, b_ref, out_ref):
    rel = t_ref[...] - lu_ref[...]
    out_ref[...] = jnp.cos(rel * w_ref[...] + b_ref[...])


def _time_encode(t, last_update, w_t, b_t, blk=2048):
    e = t.shape[0]
    return pl.pallas_call(
        _enc_body,
        grid=(e // blk,),
        in_specs=[
            pl.BlockSpec((blk, 1), lambda i: (i, 0)),
            pl.BlockSpec((blk, 1), lambda i: (i, 0)),
            pl.BlockSpec((1, TIME_DIM), lambda i: (0, 0)),
            pl.BlockSpec((1, TIME_DIM), lambda i: (0, 0)),
        ],
        out_specs=pl.BlockSpec((blk, TIME_DIM), lambda i: (i, 0)),
        out_shape=jax.ShapeDtypeStruct((e, TIME_DIM), jnp.float32),
    )(t[:, None], last_update[:, None], w_t, b_t[None, :])


def _cell_body(pm_ref, a1_ref, a2_ref, a3_ref, a4_ref, cnt_ref,
               wq_ref, wk_ref, wv_ref, wo_ref, out_ref):
    pm = pm_ref[...]
    inv = 1.0 / jnp.clip(cnt_ref[...][:, 0:1], 1.0, None)
    d = MEM_DIM

    def four_dot(w_ref):
        acc = jnp.dot(a1_ref[...], w_ref[0 * d:1 * d, :],
                      preferred_element_type=jnp.float32)
        acc += jnp.dot(a2_ref[...], w_ref[1 * d:2 * d, :],
                       preferred_element_type=jnp.float32)
        acc += jnp.dot(a3_ref[...], w_ref[2 * d:3 * d, :],
                       preferred_element_type=jnp.float32)
        acc += jnp.dot(a4_ref[...], w_ref[3 * d:4 * d, :],
                       preferred_element_type=jnp.float32)
        return acc * inv

    q = jnp.dot(pm, wq_ref[...], preferred_element_type=jnp.float32)
    k = four_dot(wk_ref)
    v = four_dot(wv_ref)
    score = jax.nn.sigmoid(
        jnp.sum(q * k, axis=-1, keepdims=True) / math.sqrt(float(MEM_DIM)))
    out_ref[...] = jnp.tanh(
        jnp.dot(pm + score * v, wo_ref[...], preferred_element_type=jnp.float32))


def _attention_cell(nid_prev_memory, a1, a2, a3, a4, cnt16, Wq, Wk, Wv, Wo,
                    blk=1024):
    b = nid_prev_memory.shape[0]
    msg_out = Wk.shape[0]
    blk_spec = pl.BlockSpec((blk, MEM_DIM), lambda i: (i, 0))
    return pl.pallas_call(
        _cell_body,
        grid=(b // blk,),
        in_specs=[
            blk_spec, blk_spec, blk_spec, blk_spec, blk_spec,
            blk_spec,
            pl.BlockSpec((MEM_DIM, MEM_DIM), lambda i: (0, 0)),
            pl.BlockSpec((msg_out, MEM_DIM), lambda i: (0, 0)),
            pl.BlockSpec((msg_out, MEM_DIM), lambda i: (0, 0)),
            pl.BlockSpec((MEM_DIM, MEM_DIM), lambda i: (0, 0)),
        ],
        out_specs=blk_spec,
        out_shape=jax.ShapeDtypeStruct((b, MEM_DIM), jnp.float32),
    )(nid_prev_memory, a1, a2, a3, a4, cnt16, Wq, Wk, Wv, Wo)



def _sc_aggregate(a, src_pm, dst_pm, raw2, enc, r_chunk, bs):
    e_sz, d = src_pm.shape
    two_e = a.shape[0]
    b_total = r_chunk * NSC * CPS
    ev_per_tile = two_e // NSUB
    half = NSUB // 2
    rsh = int(math.log2(r_chunk))
    nvec = ev_per_tile // 16
    list_cap = ev_per_tile + 2 * bs
    z_rows = 64
    cp_rows = r_chunk // NSUB

    mesh = plsc.VectorSubcoreMesh(core_axis_name="c", subcore_axis_name="s")
    fdt = jnp.float32

    @functools.partial(
        pl.kernel,
        out_type=[jax.ShapeDtypeStruct((b_total, d), fdt) for _ in range(4)]
        + [jax.ShapeDtypeStruct((b_total, d), fdt)],
        mesh=mesh,
        compiler_params=pltpu.CompilerParams(needs_layout_passes=False),
        scratch_types=[
            pltpu.VMEM((ev_per_tile,), jnp.int32),
            pltpu.VMEM((list_cap,), jnp.int32),
            pltpu.VMEM((bs,), jnp.int32),
            pltpu.VMEM((bs,), jnp.int32),
            pltpu.VMEM((bs,), jnp.int32),
            pltpu.VMEM((bs,), jnp.int32),
            pltpu.VMEM((bs, d), fdt),
            pltpu.VMEM((bs, d), fdt),
            pltpu.VMEM((bs, d), fdt),
            pltpu.VMEM((z_rows, d), fdt),
            pltpu.VMEM_SHARED((r_chunk + 16, d), fdt),
            pltpu.VMEM_SHARED((r_chunk + 16, d), fdt),
            pltpu.SemaphoreType.DMA,
            pltpu.SemaphoreType.DMA,
            pltpu.SemaphoreType.DMA,
            pltpu.SemaphoreType.DMA,
        ],
    )
    def agg_kernel(a_h, spm_h, dpm_h, raw_h, enc_h,
                   o1, o2, o3, o4, ocnt,
                   avec, listbuf, bld_src0, bld_src1, bld_r0, bld_r1,
                   stage0, stage1, ones_st, zbuf, acc, acc_cnt,
                   sem_g0, sem_g1, sem_s0, sem_s1):
        bld_src_t = (bld_src0, bld_src1)
        bld_r_t = (bld_r0, bld_r1)
        stage_t = (stage0, stage1)
        sem_g_t = (sem_g0, sem_g1)
        sem_s_t = (sem_s0, sem_s1)
        cid = lax.axis_index("c")
        sid = lax.axis_index("s")
        iota = lax.iota(jnp.int32, 16)
        outs = (o1, o2, o3, o4)

        pltpu.sync_copy(a_h.at[pl.ds(sid * ev_per_tile, ev_per_tile)], avec)

        zvec = jnp.zeros((16,), fdt)

        def _z_row(i, carry):
            for j in range(d // 16):
                zbuf[i, pl.ds(j * 16, 16)] = zvec
            return carry

        lax.fori_loop(0, z_rows, _z_row, 0)

        one0 = jnp.where(iota == 0, 1.0, 0.0).astype(fdt)

        def _o_row(i, carry):
            ones_st[i, pl.ds(0, 16)] = one0
            for j in range(1, d // 16):
                ones_st[i, pl.ds(j * 16, 16)] = zvec
            return carry

        lax.fori_loop(0, bs, _o_row, 0)

        def _perm(v, idxv):
            return v.at[idxv].get(mode="promise_in_bounds")

        def _prefix16(m01):
            v = m01
            for sh in (1, 2, 4, 8):
                shifted = _perm(v, jnp.maximum(iota - sh, 0))
                v = v + jnp.where(iota >= sh, shifted, 0)
            return v

        full15 = jnp.full((16,), 15, jnp.int32)

        def _bcast_last(v):
            return _perm(v, full15)

        set_off = jnp.where(sid >= half, e_sz, 0).astype(jnp.int32)
        row_base = (sid * ev_per_tile - set_off).astype(jnp.int32)
        stripe = sid * cp_rows
        dummy_pk = lax.shift_left(r_chunk + iota, 17)
        m17 = (1 << 17) - 1

        def chunk_body(ci, carry):
            c = (cid * CPS + ci).astype(jnp.int32)

            def scan_body(j, cnt16v):
                av = avec[pl.ds(j * 16, 16)]
                m = lax.shift_right_logical(av, rsh) == c
                r = jnp.bitwise_and(av, r_chunk - 1)
                row = row_base + j * 16 + iota
                pk = jnp.bitwise_or(row, lax.shift_left(r, 17))
                addr = cnt16v + iota
                plsc.store_scatter(listbuf, [addr], pk, mask=m)
                return cnt16v + jnp.where(m, 16, 0).astype(jnp.int32)

            cnt16v = lax.fori_loop(0, nvec, scan_body,
                                   jnp.zeros((16,), jnp.int32))

            def comp_cond(state):
                k, _ = state
                return jnp.any(cnt16v > k * 16)

            def comp_body(state):
                k, base = state
                rowv = listbuf[pl.ds(k * 16, 16)]
                mk = cnt16v > k * 16
                pref = _prefix16(jnp.where(mk, 1, 0).astype(jnp.int32))
                plsc.store_scatter(listbuf, [base + pref - 1], rowv, mask=mk)
                return k + 1, base + _bcast_last(pref)

            _, base = lax.while_loop(
                comp_cond, comp_body,
                (jnp.int32(0), jnp.zeros((16,), jnp.int32)))

            def pad_cond(base_):
                return jnp.any(jnp.bitwise_and(base_, bs - 1) != 0)

            def pad_body(base_):
                npad = jnp.minimum(bs - jnp.bitwise_and(base_, bs - 1), 16)
                plsc.store_scatter(listbuf, [base_ + iota], dummy_pk,
                                   mask=iota < npad)
                return base_ + npad

            base = lax.while_loop(pad_cond, pad_body, base)
            nbv = lax.shift_right_logical(base, int(math.log2(bs)))

            for arr, src_h in ((0, spm_h), (1, dpm_h), (2, raw_h),
                               (3, enc_h)):
                for zi in range(cp_rows // z_rows):
                    pltpu.sync_copy(
                        zbuf, acc.at[pl.ds(stripe + zi * z_rows, z_rows)])
                if arr == 0:
                    for zi in range(cp_rows // z_rows):
                        pltpu.sync_copy(
                            zbuf,
                            acc_cnt.at[pl.ds(stripe + zi * z_rows, z_rows)])
                plsc.subcore_barrier()

                def batch_cond(k):
                    return jnp.any(k < nbv)

                def batch_body(k):
                    for q in range(bs // 16):
                        pk = listbuf[pl.ds(k * bs + q * 16, 16)]
                        srow = jnp.bitwise_and(pk, m17)
                        if arr >= 2:
                            srow = srow + set_off
                        bld_src0[pl.ds(q * 16, 16)] = srow
                        bld_r0[pl.ds(q * 16, 16)] = (
                            lax.shift_right_logical(pk, 17))

                    pltpu.async_copy(src_h.at[bld_src0], stage0,
                                     sem_g0).wait()
                    cs0 = pltpu.async_copy(stage0, acc.at[bld_r0],
                                           sem_s0, add=True)
                    if arr == 0:
                        cc0 = pltpu.async_copy(ones_st, acc_cnt.at[bld_r0],
                                               sem_s1, add=True)
                    cs0.wait()
                    if arr == 0:
                        cc0.wait()
                    return k + 1

                lax.while_loop(batch_cond, batch_body, jnp.int32(0))

                plsc.subcore_barrier()
                out_row = c * r_chunk + stripe
                pltpu.sync_copy(acc.at[pl.ds(stripe, cp_rows)],
                                outs[arr].at[pl.ds(out_row, cp_rows)])
                if arr == 0:
                    pltpu.sync_copy(acc_cnt.at[pl.ds(stripe, cp_rows)],
                                    ocnt.at[pl.ds(out_row, cp_rows)])
            return carry

        lax.fori_loop(0, CPS, chunk_body, 0)

    return agg_kernel(a, src_pm, dst_pm, raw2, enc)



def kernel(n_id, nid_prev_memory, src_s, dst_s, t_s, raw_msg_s, src_d, dst_d,
           t_d, raw_msg_d, src_prev_memory, dst_prev_memory, last_update,
           assoc, w_t, b_t, Wq, Wk, Wv, Wo):
    bn = n_id.shape[0]

    assoc = assoc.at[n_id].set(jnp.arange(bn, dtype=assoc.dtype))

    t2 = jnp.concatenate([t_s, t_d], axis=0)
    lu2 = jnp.concatenate([last_update, last_update], axis=0)
    enc = _time_encode(t2, lu2, w_t, b_t)

    idx = jnp.concatenate([src_s, src_d], axis=0)
    local_idx = assoc[idx]

    raw2 = jnp.concatenate([raw_msg_s, raw_msg_d], axis=0)
    a1, a2, a3, a4, cnt16 = _sc_aggregate(
        local_idx, src_prev_memory, dst_prev_memory, raw2, enc,
        r_chunk=bn // (NSC * CPS), bs=128)

    updated_memory = _attention_cell(
        nid_prev_memory, a1, a2, a3, a4, cnt16, Wq, Wk, Wv, Wo)

    if _DBG == 1:
        counts = jax.ops.segment_sum(jnp.ones_like(t2), local_idx,
                                     num_segments=bn)
        ref_a1 = jax.ops.segment_sum(
            jnp.concatenate([src_prev_memory, src_prev_memory], axis=0),
            local_idx, num_segments=bn)
        updated_memory = a1 - ref_a1
    elif _DBG == 2:
        counts = jax.ops.segment_sum(jnp.ones_like(t2), local_idx,
                                     num_segments=bn)
        updated_memory = jnp.broadcast_to(
            (cnt16[:, 0] - counts)[:, None], (bn, 128))
    elif _DBG == 3:
        ref_a4 = jax.ops.segment_sum(enc, local_idx, num_segments=bn)
        updated_memory = a4 - ref_a4

    lu = jax.ops.segment_max(t2, idx, num_segments=NUM_NODES)
    lu = jnp.where(jnp.isfinite(lu), lu, 0.0)
    updated_last_update = lu[n_id]

    return updated_memory, updated_last_update, assoc

# --- scband reference (transcript-rebuilt; emitter-appended) ---
"""Pipeline reference for scband-attention-tgn-47562467836659 (READ-ONLY COPY).

The authoritative reference and input builder live on the scoring server;
editing this copy changes nothing except your own understanding.
"""

import jax, jax.numpy as jnp
import numpy as np

NUM_NODES = 1000000
MEM_DIM = 128
TIME_DIM = 128
RAW_DIM = 128
B = 65536
E = 131072
MSG_OUT = 2 * MEM_DIM + RAW_DIM + TIME_DIM  # IdentityMessage out_channels = 512


def setup_inputs(seed: int = 0) -> dict:
    key = jax.random.key(seed)
    ks = jax.random.split(key, 22)
    inp = {}
    inp['n_id'] = jax.random.randint(ks[0], (B,), 0, NUM_NODES, dtype=jnp.int64) if jax.config.jax_enable_x64 else jax.random.randint(ks[0], (B,), 0, NUM_NODES, dtype=jnp.int32)
    inp['nid_prev_memory'] = jax.random.normal(ks[1], (B, MEM_DIM), dtype=jnp.float32)
    inp['src_s'] = jax.random.randint(ks[2], (E,), 0, NUM_NODES)
    inp['dst_s'] = jax.random.randint(ks[3], (E,), 0, NUM_NODES)
    inp['t_s'] = jax.random.uniform(ks[4], (E,), dtype=jnp.float32) * 1000.0
    inp['raw_msg_s'] = jax.random.normal(ks[5], (E, RAW_DIM), dtype=jnp.float32)
    inp['src_d'] = jax.random.randint(ks[6], (E,), 0, NUM_NODES)
    inp['dst_d'] = jax.random.randint(ks[7], (E,), 0, NUM_NODES)
    inp['t_d'] = jax.random.uniform(ks[8], (E,), dtype=jnp.float32) * 1000.0
    inp['raw_msg_d'] = jax.random.normal(ks[9], (E, RAW_DIM), dtype=jnp.float32)
    inp['src_prev_memory'] = jax.random.normal(ks[10], (E, MEM_DIM), dtype=jnp.float32)
    inp['dst_prev_memory'] = jax.random.normal(ks[11], (E, MEM_DIM), dtype=jnp.float32)
    inp['last_update'] = jax.random.uniform(ks[12], (E,), dtype=jnp.float32) * 1000.0
    inp['assoc'] = jax.random.randint(ks[13], (NUM_NODES,), 0, B)
    # learned parameters
    inp['w_t'] = jax.random.normal(ks[14], (1, TIME_DIM), dtype=jnp.float32) * 0.1   # TimeEncoder Linear(1, time_dim) weight
    inp['b_t'] = jax.random.normal(ks[15], (TIME_DIM,), dtype=jnp.float32) * 0.1     # TimeEncoder bias
    inp['Wq'] = jax.random.normal(ks[16], (MEM_DIM, MEM_DIM), dtype=jnp.float32) * (1.0 / np.sqrt(MEM_DIM))
    inp['Wk'] = jax.random.normal(ks[17], (MSG_OUT, MEM_DIM), dtype=jnp.float32) * (1.0 / np.sqrt(MSG_OUT))
    inp['Wv'] = jax.random.normal(ks[18], (MSG_OUT, MEM_DIM), dtype=jnp.float32) * (1.0 / np.sqrt(MSG_OUT))
    inp['Wo'] = jax.random.normal(ks[19], (MEM_DIM, MEM_DIM), dtype=jnp.float32) * (1.0 / np.sqrt(MEM_DIM))
    return inp


def reference(n_id, nid_prev_memory, src_s, dst_s, t_s, raw_msg_s, src_d, dst_d, t_d,
              raw_msg_d, src_prev_memory, dst_prev_memory, last_update, assoc,
              w_t, b_t, Wq, Wk, Wv, Wo):
    Bn = n_id.shape[0]
    # assoc[n_id] = arange(len(n_id))
    assoc = assoc.at[n_id].set(jnp.arange(Bn, dtype=assoc.dtype))

    def compute_msg(src, dst, t, raw_msg):
        # relative time + TimeEncoder: cos(Linear(rel_t))
        rel_t = t - last_update
        rel_t_enc = jnp.cos(rel_t[:, None] @ w_t + b_t)
        # IdentityMessage: concat(src_mem, dst_mem, raw_msg, t_enc)
        msg = jnp.concatenate([src_prev_memory, dst_prev_memory, raw_msg, rel_t_enc], axis=-1)
        return msg, t, src, dst

    msg_s, ts, srcs, _ = compute_msg(src_s, dst_s, t_s, raw_msg_s)
    msg_d, td, srcd, _ = compute_msg(src_d, dst_d, t_d, raw_msg_d)

    idx = jnp.concatenate([srcs, srcd], axis=0)
    msg = jnp.concatenate([msg_s, msg_d], axis=0)
    t = jnp.concatenate([ts, td], axis=0)

    # MeanAggregator: scatter-mean of messages into local node slots
    local_idx = assoc[idx]
    counts = jax.ops.segment_sum(jnp.ones_like(t), local_idx, num_segments=Bn)
    aggr = jax.ops.segment_sum(msg, local_idx, num_segments=Bn) / jnp.clip(counts, 1.0)[:, None]

    # AttentionMessageMemory cell: cross-attention between prev memory (query)
    # and aggregated message (key/value), gated residual update
    q = nid_prev_memory @ Wq
    k = aggr @ Wk
    v = aggr @ Wv
    score = jax.nn.sigmoid(jnp.sum(q * k, axis=-1, keepdims=True) / jnp.sqrt(float(MEM_DIM)))
    updated_memory = jnp.tanh((nid_prev_memory + score * v) @ Wo)

    # scatter-max of event time into full node table, then gather at n_id
    lu = jax.ops.segment_max(t, idx, num_segments=NUM_NODES)
    lu = jnp.where(jnp.isfinite(lu), lu, 0.0)
    updated_last_update = lu[n_id]

    return updated_memory, updated_last_update, assoc

if __name__ == "__main__":
    import jax
    _d = setup_inputs()
    print(jax.jit(kernel)(*tuple(_d.values())))

</pallas_src>

<mosaic_0001>
#map = affine_map<(d0, d1) -> (0)>
#map1 = affine_map<(d0, d1) -> (0, 0)>
module attributes {stable_mosaic.version = 14 : i64} {
  func.func @agg_kernel(%arg0: i32, %arg1: i32, %arg2: memref<262144xi32, #tpu.memory_space<hbm>>, %arg3: memref<131072x128xf32, #tpu.memory_space<hbm>>, %arg4: memref<131072x128xf32, #tpu.memory_space<hbm>>, %arg5: memref<262144x128xf32, #tpu.memory_space<hbm>>, %arg6: memref<262144x128xf32, #tpu.memory_space<hbm>>, %arg7: memref<65536x128xf32, #tpu.memory_space<hbm>>, %arg8: memref<65536x128xf32, #tpu.memory_space<hbm>>, %arg9: memref<65536x128xf32, #tpu.memory_space<hbm>>, %arg10: memref<65536x128xf32, #tpu.memory_space<hbm>>, %arg11: memref<65536x128xf32, #tpu.memory_space<hbm>>, %arg12: memref<16384xi32, #tpu.memory_space<vmem>>, %arg13: memref<16640xi32, #tpu.memory_space<vmem>>, %arg14: memref<128xi32, #tpu.memory_space<vmem>>, %arg15: memref<128xi32, #tpu.memory_space<vmem>>, %arg16: memref<128xi32, #tpu.memory_space<vmem>>, %arg17: memref<128xi32, #tpu.memory_space<vmem>>, %arg18: memref<128x128xf32, #tpu.memory_space<vmem>>, %arg19: memref<128x128xf32, #tpu.memory_space<vmem>>, %arg20: memref<128x128xf32, #tpu.memory_space<vmem>>, %arg21: memref<64x128xf32, #tpu.memory_space<vmem>>, %arg22: memref<2064x128xf32, #tpu.memory_space<vmem_shared>>, %arg23: memref<2064x128xf32, #tpu.memory_space<vmem_shared>>, %arg24: memref<!tpu.dma_semaphore, #tpu.memory_space<semaphore_mem>>, %arg25: memref<!tpu.dma_semaphore, #tpu.memory_space<semaphore_mem>>, %arg26: memref<!tpu.dma_semaphore, #tpu.memory_space<semaphore_mem>>, %arg27: memref<!tpu.dma_semaphore, #tpu.memory_space<semaphore_mem>>) attributes {dimension_semantics = [#tpu.dimension_semantics<core_parallel>, #tpu.dimension_semantics<subcore_parallel>], iteration_bounds = array<i64: 2, 16>, scalar_prefetch = 0 : i64, scratch_operands = 16 : i64, tpu.core_type = #tpu.core_type<sc_vector_subcore>, window_params = [{transform_indices = #map}, {transform_indices = #map1}, {transform_indices = #map1}, {transform_indices = #map1}, {transform_indices = #map1}, {transform_indices = #map1}, {transform_indices = #map1}, {transform_indices = #map1}, {transform_indices = #map1}, {transform_indices = #map1}]} {
    %iota3A = tpu.iota {dimensions = array<i32: 0>} : vector<16xi32>
    %mul3A = arith.constant 16384 : i32
    %mul3A_0 = arith.muli %arg1, %mul3A : i32
    "tpu.region"() ({
      %run_scoped3A = tpu.sem_alloc : memref<!tpu.dma_semaphore, #tpu.memory_space<semaphore_mem>>
      %dma_start3A = tpu.memref_slice %arg2[%mul3A_0] : memref<262144xi32, #tpu.memory_space<hbm>> -> memref<16384xi32, #tpu.memory_space<hbm>>
      %dma_start3A_38 = tpu.memref_slice %arg2[%mul3A_0] : memref<262144xi32, #tpu.memory_space<hbm>> -> memref<16384xi32, #tpu.memory_space<hbm>>
      tpu.enqueue_dma source(%dma_start3A_38 : memref<16384xi32, #tpu.memory_space<hbm>>) target(%arg12 : memref<16384xi32, #tpu.memory_space<vmem>>) target_semaphore(%run_scoped3A : memref<!tpu.dma_semaphore, #tpu.memory_space<semaphore_mem>>)
      %dma_wait3A = tpu.memref_slice %arg2[%mul3A_0] : memref<262144xi32, #tpu.memory_space<hbm>> -> memref<16384xi32, #tpu.memory_space<hbm>>
      %dma_wait3A_39 = tpu.memref_slice %arg2[%mul3A_0] : memref<262144xi32, #tpu.memory_space<hbm>> -> memref<16384xi32, #tpu.memory_space<hbm>>
      tpu.wait_dma2 semaphore(%run_scoped3A : memref<!tpu.dma_semaphore, #tpu.memory_space<semaphore_mem>>) src(%dma_wait3A_39 : memref<16384xi32, #tpu.memory_space<hbm>>) dst(%arg12 : memref<16384xi32, #tpu.memory_space<vmem>>)
      tpu.yield
    }) : () -> ()
    %broadcast_in_dim3A = arith.constant 0.000000e+00 : f32
    %broadcast_in_dim3A_1 = vector.broadcast %broadcast_in_dim3A : f32 to vector<16xf32>
    %scan3A = arith.constant 0 : i32
    %scan3A_2 = arith.constant 0 : i32
    %scan3A_3 = arith.constant 64 : i32
    %scan3A_4 = arith.addi %scan3A_2, %scan3A_3 : i32
    %scan3A_5 = arith.constant 1 : i32
    scf.for %scan3A_38 = %scan3A_2 to %scan3A_4 step %scan3A_5  : i32 {
      %swap3A = arith.index_cast %scan3A_38 : i32 to index
      %swap3A_39 = arith.constant 0 : index
      %swap3A_40 = tpu.vector_load %arg21[%swap3A, %swap3A_39] {strides = array<i32>} : memref<64x128xf32, #tpu.memory_space<vmem>>, vector<16xf32>,
      tpu.vector_store %arg21[%swap3A, %swap3A_39], %broadcast_in_dim3A_1 {strides = array<i32>} : memref<64x128xf32, #tpu.memory_space<vmem>>, vector<16xf32>,
      %swap3A_41 = arith.index_cast %scan3A_38 : i32 to index
      %swap3A_42 = arith.constant 16 : index
      %swap3A_43 = tpu.vector_load %arg21[%swap3A_41, %swap3A_42] {strides = array<i32>} : memref<64x128xf32, #tpu.memory_space<vmem>>, vector<16xf32>,
      tpu.vector_store %arg21[%swap3A_41, %swap3A_42], %broadcast_in_dim3A_1 {strides = array<i32>} : memref<64x128xf32, #tpu.memory_space<vmem>>, vector<16xf32>,
      %swap3A_44 = arith.index_cast %scan3A_38 : i32 to index
      %swap3A_45 = arith.constant 32 : index
      %swap3A_46 = tpu.vector_load %arg21[%swap3A_44, %swap3A_45] {strides = array<i32>} : memref<64x128xf32, #tpu.memory_space<vmem>>, vector<16xf32>,
      tpu.vector_store %arg21[%swap3A_44, %swap3A_45], %broadcast_in_dim3A_1 {strides = array<i32>} : memref<64x128xf32, #tpu.memory_space<vmem>>, vector<16xf32>,
      %swap3A_47 = arith.index_cast %scan3A_38 : i32 to index
      %swap3A_48 = arith.constant 48 : index
      %swap3A_49 = tpu.vector_load %arg21[%swap3A_47, %swap3A_48] {strides = array<i32>} : memref<64x128xf32, #tpu.memory_space<vmem>>, vector<16xf32>,
      tpu.vector_store %arg21[%swap3A_47, %swap3A_48], %broadcast_in_dim3A_1 {strides = array<i32>} : memref<64x128xf32, #tpu.memory_space<vmem>>, vector<16xf32>,
      %swap3A_50 = arith.index_cast %scan3A_38 : i32 to index
      %swap3A_51 = arith.constant 64 : index
      %swap3A_52 = tpu.vector_load %arg21[%swap3A_50, %swap3A_51] {strides = array<i32>} : memref<64x128xf32, #tpu.memory_space<vmem>>, vector<16xf32>,
      tpu.vector_store %arg21[%swap3A_50, %swap3A_51], %broadcast_in_dim3A_1 {strides = array<i32>} : memref<64x128xf32, #tpu.memory_space<vmem>>, vector<16xf32>,
      %swap3A_53 = arith.index_cast %scan3A_38 : i32 to index
      %swap3A_54 = arith.constant 80 : index
      %swap3A_55 = tpu.vector_load %arg21[%swap3A_53, %swap3A_54] {strides = array<i32>} : memref<64x128xf32, #tpu.memory_space<vmem>>, vector<16xf32>,
      tpu.vector_store %arg21[%swap3A_53, %swap3A_54], %broadcast_in_dim3A_1 {strides = array<i32>} : memref<64x128xf32, #tpu.memory_space<vmem>>, vector<16xf32>,
      %swap3A_56 = arith.index_cast %scan3A_38 : i32 to index
      %swap3A_57 = arith.constant 96 : index
      %swap3A_58 = tpu.vector_load %arg21[%swap3A_56, %swap3A_57] {strides = array<i32>} : memref<64x128xf32, #tpu.memory_space<vmem>>, vector<16xf32>,
      tpu.vector_store %arg21[%swap3A_56, %swap3A_57], %broadcast_in_dim3A_1 {strides = array<i32>} : memref<64x128xf32, #tpu.memory_space<vmem>>, vector<16xf32>,
      %swap3A_59 = arith.index_cast %scan3A_38 : i32 to index
      %swap3A_60 = arith.constant 112 : index
      %swap3A_61 = tpu.vector_load %arg21[%swap3A_59, %swap3A_60] {strides = array<i32>} : memref<64x128xf32, #tpu.memory_space<vmem>>, vector<16xf32>,
      tpu.vector_store %arg21[%swap3A_59, %swap3A_60], %broadcast_in_dim3A_1 {strides = array<i32>} : memref<64x128xf32, #tpu.memory_space<vmem>>, vector<16xf32>,
    }
    %scan3A_6 = arith.constant 64 : i32
    %eq3A = arith.constant 0 : i32
    %eq3A_7 = vector.broadcast %eq3A : i32 to vector<16xi32>
    %eq3A_8 = arith.cmpi eq, %iota3A, %eq3A_7 : vector<16xi32>
    %jit3A = arith.constant 1.000000e+00 : f32
    %jit3A_9 = arith.constant 0.000000e+00 : f32
    %broadcast_in_dim3A_10 = vector.broadcast %jit3A : f32 to vector<16xf32>
    %broadcast_in_dim3A_11 = vector.broadcast %jit3A_9 : f32 to vector<16xf32>
    %select_n3A = arith.select %eq3A_8, %broadcast_in_dim3A_10, %broadcast_in_dim3A_11 : vector<16xi1>, vector<16xf32>
    %scan3A_12 = arith.constant 0 : i32
    %scan3A_13 = arith.constant 0 : i32
    %scan3A_14 = arith.constant 128 : i32
    %scan3A_15 = arith.addi %scan3A_13, %scan3A_14 : i32
    %scan3A_16 = arith.constant 1 : i32
    scf.for %scan3A_38 = %scan3A_13 to %scan3A_15 step %scan3A_16  : i32 {
      %swap3A = arith.index_cast %scan3A_38 : i32 to index
      %swap3A_39 = arith.constant 0 : index
      %swap3A_40 = tpu.vector_load %arg20[%swap3A, %swap3A_39] {strides = array<i32>} : memref<128x128xf32, #tpu.memory_space<vmem>>, vector<16xf32>,
      tpu.vector_store %arg20[%swap3A, %swap3A_39], %select_n3A {strides = array<i32>} : memref<128x128xf32, #tpu.memory_space<vmem>>, vector<16xf32>,
      %swap3A_41 = arith.index_cast %scan3A_38 : i32 to index
      %swap3A_42 = arith.constant 16 : index
      %swap3A_43 = tpu.vector_load %arg20[%swap3A_41, %swap3A_42] {strides = array<i32>} : memref<128x128xf32, #tpu.memory_space<vmem>>, vector<16xf32>,
      tpu.vector_store %arg20[%swap3A_41, %swap3A_42], %broadcast_in_dim3A_1 {strides = array<i32>} : memref<128x128xf32, #tpu.memory_space<vmem>>, vector<16xf32>,
      %swap3A_44 = arith.index_cast %scan3A_38 : i32 to index
      %swap3A_45 = arith.constant 32 : index
      %swap3A_46 = tpu.vector_load %arg20[%swap3A_44, %swap3A_45] {strides = array<i32>} : memref<128x128xf32, #tpu.memory_space<vmem>>, vector<16xf32>,
      tpu.vector_store %arg20[%swap3A_44, %swap3A_45], %broadcast_in_dim3A_1 {strides = array<i32>} : memref<128x128xf32, #tpu.memory_space<vmem>>, vector<16xf32>,
      %swap3A_47 = arith.index_cast %scan3A_38 : i32 to index
      %swap3A_48 = arith.constant 48 : index
      %swap3A_49 = tpu.vector_load %arg20[%swap3A_47, %swap3A_48] {strides = array<i32>} : memref<128x128xf32, #tpu.memory_space<vmem>>, vector<16xf32>,
      tpu.vector_store %arg20[%swap3A_47, %swap3A_48], %broadcast_in_dim3A_1 {strides = array<i32>} : memref<128x128xf32, #tpu.memory_space<vmem>>, vector<16xf32>,
      %swap3A_50 = arith.index_cast %scan3A_38 : i32 to index
      %swap3A_51 = arith.constant 64 : index
      %swap3A_52 = tpu.vector_load %arg20[%swap3A_50, %swap3A_51] {strides = array<i32>} : memref<128x128xf32, #tpu.memory_space<vmem>>, vector<16xf32>,
      tpu.vector_store %arg20[%swap3A_50, %swap3A_51], %broadcast_in_dim3A_1 {strides = array<i32>} : memref<128x128xf32, #tpu.memory_space<vmem>>, vector<16xf32>,
      %swap3A_53 = arith.index_cast %scan3A_38 : i32 to index
      %swap3A_54 = arith.constant 80 : index
      %swap3A_55 = tpu.vector_load %arg20[%swap3A_53, %swap3A_54] {strides = array<i32>} : memref<128x128xf32, #tpu.memory_space<vmem>>, vector<16xf32>,
      tpu.vector_store %arg20[%swap3A_53, %swap3A_54], %broadcast_in_dim3A_1 {strides = array<i32>} : memref<128x128xf32, #tpu.memory_space<vmem>>, vector<16xf32>,
      %swap3A_56 = arith.index_cast %scan3A_38 : i32 to index
      %swap3A_57 = arith.constant 96 : index
      %swap3A_58 = tpu.vector_load %arg20[%swap3A_56, %swap3A_57] {strides = array<i32>} : memref<128x128xf32, #tpu.memory_space<vmem>>, vector<16xf32>,
      tpu.vector_store %arg20[%swap3A_56, %swap3A_57], %broadcast_in_dim3A_1 {strides = array<i32>} : memref<128x128xf32, #tpu.memory_space<vmem>>, vector<16xf32>,
      %swap3A_59 = arith.index_cast %scan3A_38 : i32 to index
      %swap3A_60 = arith.constant 112 : index
      %swap3A_61 = tpu.vector_load %arg20[%swap3A_59, %swap3A_60] {strides = array<i32>} : memref<128x128xf32, #tpu.memory_space<vmem>>, vector<16xf32>,
      tpu.vector_store %arg20[%swap3A_59, %swap3A_60], %broadcast_in_dim3A_1 {strides = array<i32>} : memref<128x128xf32, #tpu.memory_space<vmem>>, vector<16xf32>,
    }
    %scan3A_17 = arith.constant 128 : i32
    %broadcast_in_dim3A_18 = arith.constant 15 : i32
    %broadcast_in_dim3A_19 = vector.broadcast %broadcast_in_dim3A_18 : i32 to vector<16xi32>
    %ge3A = arith.constant 8 : i32
    %ge3A_20 = arith.cmpi sge, %arg1, %ge3A : i32
    %jit3A_21 = arith.constant 131072 : i32
    %jit3A_22 = arith.constant 0 : i32
    %select_n3A_23 = arith.select %ge3A_20, %jit3A_21, %jit3A_22 : i32
    %mul3A_24 = arith.constant 16384 : i32
    %mul3A_25 = arith.muli %arg1, %mul3A_24 : i32
    %sub3A = arith.subi %mul3A_25, %select_n3A_23 : i32
    %mul3A_26 = arith.constant 128 : i32
    %mul3A_27 = arith.muli %arg1, %mul3A_26 : i32
    %add3A = arith.constant 2048 : i32
    %add3A_28 = vector.broadcast %add3A : i32 to vector<16xi32>
    %add3A_29 = arith.addi %add3A_28, %iota3A : vector<16xi32>
    %shift_left3A = arith.constant 17 : i32
    %shift_left3A_30 = vector.broadcast %shift_left3A : i32 to vector<16xi32>
    %shift_left3A_31 = arith.shli %add3A_29, %shift_left3A_30 : vector<16xi32>
    %scan3A_32 = arith.constant 0 : i32
    %scan3A_33 = arith.constant 0 : i32
    %scan3A_34 = arith.constant 16 : i32
    %scan3A_35 = arith.addi %scan3A_33, %scan3A_34 : i32
    %scan3A_36 = arith.constant 1 : i32
    scf.for %scan3A_38 = %scan3A_33 to %scan3A_35 step %scan3A_36  : i32 {
      %mul3A_39 = arith.constant 16 : i32
      %mul3A_40 = arith.muli %arg0, %mul3A_39 : i32
      %add3A_41 = arith.addi %mul3A_40, %scan3A_38 : i32
      %broadcast_in_dim3A_42 = arith.constant 0 : i32
      %broadcast_in_dim3A_43 = vector.broadcast %broadcast_in_dim3A_42 : i32 to vector<16xi32>
      %scan3A_44 = arith.constant 0 : i32
      %scan3A_45 = arith.constant 1024 : i32
      %scan3A_46 = arith.addi %scan3A_44, %scan3A_45 : i32
      %scan3A_47 = arith.constant 1 : i32
      %scan3A_48 = scf.for %scan3A_103 = %scan3A_44 to %scan3A_46 step %scan3A_47 iter_args(%scan3A_104 = %broadcast_in_dim3A_43) -> (vector<16xi32>)  : i32 {
        %mul3A_105 = arith.constant 16 : i32
        %mul3A_106 = arith.muli %scan3A_103, %mul3A_105 : i32
        %get3A = arith.index_cast %mul3A_106 : i32 to index
        %get3A_107 = tpu.vector_load %arg12[%get3A] {strides = array<i32>} : memref<16384xi32, #tpu.memory_space<vmem>>, vector<16xi32>,
        %shift_right_logical3A_108 = arith.constant 11 : i32
        %shift_right_logical3A_109 = vector.broadcast %shift_right_logical3A_108 : i32 to vector<16xi32>
        %shift_right_logical3A_110 = arith.shrui %get3A_107, %shift_right_logical3A_109 : vector<16xi32>
        %eq3A_111 = vector.broadcast %add3A_41 : i32 to vector<16xi32>
        %eq3A_112 = arith.cmpi eq, %shift_right_logical3A_110, %eq3A_111 : vector<16xi32>
        %and3A = arith.constant 2047 : i32
        %and3A_113 = vector.broadcast %and3A : i32 to vector<16xi32>
        %and3A_114 = arith.andi %get3A_107, %and3A_113 : vector<16xi32>
        %mul3A_115 = arith.constant 16 : i32
        %mul3A_116 = arith.muli %scan3A_103, %mul3A_115 : i32
        %add3A_117 = arith.addi %sub3A, %mul3A_116 : i32
        %add3A_118 = vector.broadcast %add3A_117 : i32 to vector<16xi32>
        %add3A_119 = arith.addi %add3A_118, %iota3A : vector<16xi32>
        %shift_left3A_120 = arith.constant 17 : i32
        %shift_left3A_121 = vector.broadcast %shift_left3A_120 : i32 to vector<16xi32>
        %shift_left3A_122 = arith.shli %and3A_114, %shift_left3A_121 : vector<16xi32>
        %or3A = arith.ori %add3A_119, %shift_left3A_122 : vector<16xi32>
        %add3A_123 = arith.addi %scan3A_104, %iota3A : vector<16xi32>
        tpu.vector_store_idx %arg13[%add3A_123], %or3A masked %eq3A_112 : memref<16640xi32, #tpu.memory_space<vmem>>[vector<16xi32>], vector<16xi32>, vector<16xi1>
        %jit3A_124 = arith.constant 16 : i32
        %jit3A_125 = arith.constant 0 : i32
        %broadcast_in_dim3A_126 = vector.broadcast %jit3A_124 : i32 to vector<16xi32>
        %broadcast_in_dim3A_127 = vector.broadcast %jit3A_125 : i32 to vector<16xi32>
        %select_n3A_128 = arith.select %eq3A_112, %broadcast_in_dim3A_126, %broadcast_in_dim3A_127 : vector<16xi1>, vector<16xi32>
        %add3A_129 = arith.addi %scan3A_104, %select_n3A_128 : vector<16xi32>
        scf.yield %add3A_129 : vector<16xi32>
      }
      %scan3A_49 = arith.constant 1024 : i32
      %broadcast_in_dim3A_50 = arith.constant 0 : i32
      %broadcast_in_dim3A_51 = vector.broadcast %broadcast_in_dim3A_50 : i32 to vector<16xi32>
      %while3A = arith.constant 0 : i32
      %while3A_52:2 = scf.while (%while3A_103 = %while3A, %while3A_104 = %broadcast_in_dim3A_51) : (i32, vector<16xi32>) -> (i32, vector<16xi32>) {
        %mul3A_105 = arith.constant 16 : i32
        %mul3A_106 = arith.muli %while3A_103, %mul3A_105 : i32
        %gt3A = vector.broadcast %mul3A_106 : i32 to vector<16xi32>
        %gt3A_107 = arith.cmpi sgt, %scan3A_48, %gt3A : vector<16xi32>
        %reduce_or3A = arith.constant 1.000000e+00 : f32
        %reduce_or3A_108 = arith.constant 0.000000e+00 : f32
        %reduce_or3A_109 = vector.broadcast %reduce_or3A : f32 to vector<16xf32>
        %reduce_or3A_110 = vector.broadcast %reduce_or3A_108 : f32 to vector<16xf32>
        %reduce_or3A_111 = arith.select %gt3A_107, %reduce_or3A_109, %reduce_or3A_110 : vector<16xi1>, vector<16xf32>
        %reduce_or3A_112 = arith.constant true
        %reduce_or3A_113 = vector.broadcast %reduce_or3A_112 : i1 to vector<16xi1>
        %reduce_or3A_114 = tpu.scan <max>, %reduce_or3A_111 masked %reduce_or3A_113 : vector<16xf32>, vector<16xi1> -> vector<16xf32>
        %reduce_or3A_115 = vector.extract %reduce_or3A_114[15] : f32 from vector<16xf32>
        %reduce_or3A_116 = arith.constant 0.000000e+00 : f32
        %reduce_or3A_117 = arith.cmpf ogt, %reduce_or3A_115, %reduce_or3A_116 : f32
        scf.condition(%reduce_or3A_117) %while3A_103, %while3A_104 : i32, vector<16xi32>
      } do {
      ^bb0(%while3A_103: i32, %while3A_104: vector<16xi32>):
        %mul3A_105 = arith.constant 16 : i32
        %mul3A_106 = arith.muli %while3A_103, %mul3A_105 : i32
        %get3A = arith.index_cast %mul3A_106 : i32 to index
        %get3A_107 = tpu.vector_load %arg13[%get3A] {strides = array<i32>} : memref<16640xi32, #tpu.memory_space<vmem>>, vector<16xi32>,
        %mul3A_108 = arith.constant 16 : i32
        %mul3A_109 = arith.muli %while3A_103, %mul3A_108 : i32
        %gt3A = vector.broadcast %mul3A_109 : i32 to vector<16xi32>
        %gt3A_110 = arith.cmpi sgt, %scan3A_48, %gt3A : vector<16xi32>
        %jit3A_111 = arith.constant 1 : i32
        %jit3A_112 = arith.constant 0 : i32
        %broadcast_in_dim3A_113 = vector.broadcast %jit3A_111 : i32 to vector<16xi32>
        %broadcast_in_dim3A_114 = vector.broadcast %jit3A_112 : i32 to vector<16xi32>
        %select_n3A_115 = arith.select %gt3A_110, %broadcast_in_dim3A_113, %broadcast_in_dim3A_114 : vector<16xi1>, vector<16xi32>
        %sub3A_116 = arith.constant 1 : i32
        %sub3A_117 = vector.broadcast %sub3A_116 : i32 to vector<16xi32>
        %sub3A_118 = arith.subi %iota3A, %sub3A_117 : vector<16xi32>
        %max3A = arith.constant 0 : i32
        %max3A_119 = vector.broadcast %max3A : i32 to vector<16xi32>
        %max3A_120 = arith.maxsi %sub3A_118, %max3A_119 : vector<16xi32>
        %lt3A = arith.constant 0 : i32
        %lt3A_121 = vector.broadcast %lt3A : i32 to vector<16xi32>
        %lt3A_122 = arith.cmpi slt, %max3A_120, %lt3A_121 : vector<16xi32>
        %add3A_123 = arith.constant 16 : i32
        %add3A_124 = vector.broadcast %add3A_123 : i32 to vector<16xi32>
        %add3A_125 = arith.addi %max3A_120, %add3A_124 : vector<16xi32>
        %select_n3A_126 = arith.select %lt3A_122, %add3A_125, %max3A_120 : vector<16xi1>, vector<16xi32>
        %broadcast_in_dim3A_127 = vector.shape_cast %select_n3A_126 : vector<16xi32> to vector<16x1xi32>
        %gather3A = vector.shape_cast %broadcast_in_dim3A_127 : vector<16x1xi32> to vector<16xi32>
        %gather3A_128 = tpu.dynamic_gather %select_n3A_115[%gather3A] in [0] : vector<16xi32>, vector<16xi32> -> vector<16xi32>
        %ge3A_129 = arith.constant 1 : i32
        %ge3A_130 = vector.broadcast %ge3A_129 : i32 to vector<16xi32>
        %ge3A_131 = arith.cmpi sge, %iota3A, %ge3A_130 : vector<16xi32>
        %jit3A_132 = arith.constant 0 : i32
        %broadcast_in_dim3A_133 = vector.broadcast %jit3A_132 : i32 to vector<16xi32>
        %select_n3A_134 = arith.select %ge3A_131, %gather3A_128, %broadcast_in_dim3A_133 : vector<16xi1>, vector<16xi32>
        %add3A_135 = arith.addi %select_n3A_115, %select_n3A_134 : vector<16xi32>
        %sub3A_136 = arith.constant 2 : i32
        %sub3A_137 = vector.broadcast %sub3A_136 : i32 to vector<16xi32>
        %sub3A_138 = arith.subi %iota3A, %sub3A_137 : vector<16xi32>
        %max3A_139 = arith.constant 0 : i32
        %max3A_140 = vector.broadcast %max3A_139 : i32 to vector<16xi32>
        %max3A_141 = arith.maxsi %sub3A_138, %max3A_140 : vector<16xi32>
        %lt3A_142 = arith.constant 0 : i32
        %lt3A_143 = vector.broadcast %lt3A_142 : i32 to vector<16xi32>
        %lt3A_144 = arith.cmpi slt, %max3A_141, %lt3A_143 : vector<16xi32>
        %add3A_145 = arith.constant 16 : i32
        %add3A_146 = vector.broadcast %add3A_145 : i32 to vector<16xi32>
        %add3A_147 = arith.addi %max3A_141, %add3A_146 : vector<16xi32>
        %select_n3A_148 = arith.select %lt3A_144, %add3A_147, %max3A_141 : vector<16xi1>, vector<16xi32>
        %broadcast_in_dim3A_149 = vector.shape_cast %select_n3A_148 : vector<16xi32> to vector<16x1xi32>
        %gather3A_150 = vector.shape_cast %broadcast_in_dim3A_149 : vector<16x1xi32> to vector<16xi32>
        %gather3A_151 = tpu.dynamic_gather %add3A_135[%gather3A_150] in [0] : vector<16xi32>, vector<16xi32> -> vector<16xi32>
        %ge3A_152 = arith.constant 2 : i32
        %ge3A_153 = vector.broadcast %ge3A_152 : i32 to vector<16xi32>
        %ge3A_154 = arith.cmpi sge, %iota3A, %ge3A_153 : vector<16xi32>
        %jit3A_155 = arith.constant 0 : i32
        %broadcast_in_dim3A_156 = vector.broadcast %jit3A_155 : i32 to vector<16xi32>
        %select_n3A_157 = arith.select %ge3A_154, %gather3A_151, %broadcast_in_dim3A_156 : vector<16xi1>, vector<16xi32>
        %add3A_158 = arith.addi %add3A_135, %select_n3A_157 : vector<16xi32>
        %sub3A_159 = arith.constant 4 : i32
        %sub3A_160 = vector.broadcast %sub3A_159 : i32 to vector<16xi32>
        %sub3A_161 = arith.subi %iota3A, %sub3A_160 : vector<16xi32>
        %max3A_162 = arith.constant 0 : i32
        %max3A_163 = vector.broadcast %max3A_162 : i32 to vector<16xi32>
        %max3A_164 = arith.maxsi %sub3A_161, %max3A_163 : vector<16xi32>
        %lt3A_165 = arith.constant 0 : i32
        %lt3A_166 = vector.broadcast %lt3A_165 : i32 to vector<16xi32>
        %lt3A_167 = arith.cmpi slt, %max3A_164, %lt3A_166 : vector<16xi32>
        %add3A_168 = arith.constant 16 : i32
        %add3A_169 = vector.broadcast %add3A_168 : i32 to vector<16xi32>
        %add3A_170 = arith.addi %max3A_164, %add3A_169 : vector<16xi32>
        %select_n3A_171 = arith.select %lt3A_167, %add3A_170, %max3A_164 : vector<16xi1>, vector<16xi32>
        %broadcast_in_dim3A_172 = vector.shape_cast %select_n3A_171 : vector<16xi32> to vector<16x1xi32>
        %gather3A_173 = vector.shape_cast %broadcast_in_dim3A_172 : vector<16x1xi32> to vector<16xi32>
        %gather3A_174 = tpu.dynamic_gather %add3A_158[%gather3A_173] in [0] : vector<16xi32>, vector<16xi32> -> vector<16xi32>
        %ge3A_175 = arith.constant 4 : i32
        %ge3A_176 = vector.broadcast %ge3A_175 : i32 to vector<16xi32>
        %ge3A_177 = arith.cmpi sge, %iota3A, %ge3A_176 : vector<16xi32>
        %jit3A_178 = arith.constant 0 : i32
        %broadcast_in_dim3A_179 = vector.broadcast %jit3A_178 : i32 to vector<16xi32>
        %select_n3A_180 = arith.select %ge3A_177, %gather3A_174, %broadcast_in_dim3A_179 : vector<16xi1>, vector<16xi32>
        %add3A_181 = arith.addi %add3A_158, %select_n3A_180 : vector<16xi32>
        %sub3A_182 = arith.constant 8 : i32
        %sub3A_183 = vector.broadcast %sub3A_182 : i32 to vector<16xi32>
        %sub3A_184 = arith.subi %iota3A, %sub3A_183 : vector<16xi32>
        %max3A_185 = arith.constant 0 : i32
        %max3A_186 = vector.broadcast %max3A_185 : i32 to vector<16xi32>
        %max3A_187 = arith.maxsi %sub3A_184, %max3A_186 : vector<16xi32>
        %lt3A_188 = arith.constant 0 : i32
        %lt3A_189 = vector.broadcast %lt3A_188 : i32 to vector<16xi32>
        %lt3A_190 = arith.cmpi slt, %max3A_187, %lt3A_189 : vector<16xi32>
        %add3A_191 = arith.constant 16 : i32
        %add3A_192 = vector.broadcast %add3A_191 : i32 to vector<16xi32>
        %add3A_193 = arith.addi %max3A_187, %add3A_192 : vector<16xi32>
        %select_n3A_194 = arith.select %lt3A_190, %add3A_193, %max3A_187 : vector<16xi1>, vector<16xi32>
        %broadcast_in_dim3A_195 = vector.shape_cast %select_n3A_194 : vector<16xi32> to vector<16x1xi32>
        %gather3A_196 = vector.shape_cast %broadcast_in_dim3A_195 : vector<16x1xi32> to vector<16xi32>
        %gather3A_197 = tpu.dynamic_gather %add3A_181[%gather3A_196] in [0] : vector<16xi32>, vector<16xi32> -> vector<16xi32>
        %ge3A_198 = arith.constant 8 : i32
        %ge3A_199 = vector.broadcast %ge3A_198 : i32 to vector<16xi32>
        %ge3A_200 = arith.cmpi sge, %iota3A, %ge3A_199 : vector<16xi32>
        %jit3A_201 = arith.constant 0 : i32
        %broadcast_in_dim3A_202 = vector.broadcast %jit3A_201 : i32 to vector<16xi32>
        %select_n3A_203 = arith.select %ge3A_200, %gather3A_197, %broadcast_in_dim3A_202 : vector<16xi1>, vector<16xi32>
        %add3A_204 = arith.addi %add3A_181, %select_n3A_203 : vector<16xi32>
        %add3A_205 = arith.addi %while3A_104, %add3A_204 : vector<16xi32>
        %sub3A_206 = arith.constant 1 : i32
        %sub3A_207 = vector.broadcast %sub3A_206 : i32 to vector<16xi32>
        %sub3A_208 = arith.subi %add3A_205, %sub3A_207 : vector<16xi32>
        tpu.vector_store_idx %arg13[%sub3A_208], %get3A_107 masked %gt3A_110 : memref<16640xi32, #tpu.memory_space<vmem>>[vector<16xi32>], vector<16xi32>, vector<16xi1>
        %add3A_209 = arith.constant 1 : i32
        %add3A_210 = arith.addi %while3A_103, %add3A_209 : i32
        %lt3A_211 = arith.constant 0 : i32
        %lt3A_212 = vector.broadcast %lt3A_211 : i32 to vector<16xi32>
        %lt3A_213 = arith.cmpi slt, %broadcast_in_dim3A_19, %lt3A_212 : vector<16xi32>
        %add3A_214 = arith.constant 16 : i32
        %add3A_215 = vector.broadcast %add3A_214 : i32 to vector<16xi32>
        %add3A_216 = arith.addi %broadcast_in_dim3A_19, %add3A_215 : vector<16xi32>
        %select_n3A_217 = arith.select %lt3A_213, %add3A_216, %broadcast_in_dim3A_19 : vector<16xi1>, vector<16xi32>
        %broadcast_in_dim3A_218 = vector.shape_cast %select_n3A_217 : vector<16xi32> to vector<16x1xi32>
        %gather3A_219 = vector.shape_cast %broadcast_in_dim3A_218 : vector<16x1xi32> to vector<16xi32>
        %gather3A_220 = tpu.dynamic_gather %add3A_204[%gather3A_219] in [0] : vector<16xi32>, vector<16xi32> -> vector<16xi32>
        %add3A_221 = arith.addi %while3A_104, %gather3A_220 : vector<16xi32>
        scf.yield %add3A_210, %add3A_221 : i32, vector<16xi32>
      }
      %while3A_53 = scf.while (%while3A_103 = %while3A_52#1) : (vector<16xi32>) -> vector<16xi32> {
        %and3A = arith.constant 127 : i32
        %and3A_104 = vector.broadcast %and3A : i32 to vector<16xi32>
        %and3A_105 = arith.andi %while3A_103, %and3A_104 : vector<16xi32>
        %ne3A = arith.constant 0 : i32
        %ne3A_106 = vector.broadcast %ne3A : i32 to vector<16xi32>
        %ne3A_107 = arith.cmpi ne, %and3A_105, %ne3A_106 : vector<16xi32>
        %reduce_or3A = arith.constant 1.000000e+00 : f32
        %reduce_or3A_108 = arith.constant 0.000000e+00 : f32
        %reduce_or3A_109 = vector.broadcast %reduce_or3A : f32 to vector<16xf32>
        %reduce_or3A_110 = vector.broadcast %reduce_or3A_108 : f32 to vector<16xf32>
        %reduce_or3A_111 = arith.select %ne3A_107, %reduce_or3A_109, %reduce_or3A_110 : vector<16xi1>, vector<16xf32>
        %reduce_or3A_112 = arith.constant true
        %reduce_or3A_113 = vector.broadcast %reduce_or3A_112 : i1 to vector<16xi1>
        %reduce_or3A_114 = tpu.scan <max>, %reduce_or3A_111 masked %reduce_or3A_113 : vector<16xf32>, vector<16xi1> -> vector<16xf32>
        %reduce_or3A_115 = vector.extract %reduce_or3A_114[15] : f32 from vector<16xf32>
        %reduce_or3A_116 = arith.constant 0.000000e+00 : f32
        %reduce_or3A_117 = arith.cmpf ogt, %reduce_or3A_115, %reduce_or3A_116 : f32
        scf.condition(%reduce_or3A_117) %while3A_103 : vector<16xi32>
      } do {
      ^bb0(%while3A_103: vector<16xi32>):
        %and3A = arith.constant 127 : i32
        %and3A_104 = vector.broadcast %and3A : i32 to vector<16xi32>
        %and3A_105 = arith.andi %while3A_103, %and3A_104 : vector<16xi32>
        %sub3A_106 = arith.constant 128 : i32
        %sub3A_107 = vector.broadcast %sub3A_106 : i32 to vector<16xi32>
        %sub3A_108 = arith.subi %sub3A_107, %and3A_105 : vector<16xi32>
        %min3A = arith.constant 16 : i32
        %min3A_109 = vector.broadcast %min3A : i32 to vector<16xi32>
        %min3A_110 = arith.minsi %sub3A_108, %min3A_109 : vector<16xi32>
        %add3A_111 = arith.addi %while3A_103, %iota3A : vector<16xi32>
        %lt3A = arith.cmpi slt, %iota3A, %min3A_110 : vector<16xi32>
        tpu.vector_store_idx %arg13[%add3A_111], %shift_left3A_31 masked %lt3A : memref<16640xi32, #tpu.memory_space<vmem>>[vector<16xi32>], vector<16xi32>, vector<16xi1>
        %add3A_112 = arith.addi %while3A_103, %min3A_110 : vector<16xi32>
        scf.yield %add3A_112 : vector<16xi32>
      }
      %shift_right_logical3A = arith.constant 7 : i32
      %shift_right_logical3A_54 = vector.broadcast %shift_right_logical3A : i32 to vector<16xi32>
      %shift_right_logical3A_55 = arith.shrui %while3A_53, %shift_right_logical3A_54 : vector<16xi32>
      %add3A_56 = arith.constant 0 : i32
      %add3A_57 = arith.addi %mul3A_27, %add3A_56 : i32
      "tpu.region"() ({
        %run_scoped3A = tpu.sem_alloc : memref<!tpu.dma_semaphore, #tpu.memory_space<semaphore_mem>>
        %dma_start3A = arith.constant 0 : i32
        %dma_start3A_103 = tpu.memref_slice %arg22[%add3A_57, %dma_start3A] : memref<2064x128xf32, #tpu.memory_space<vmem_shared>> -> memref<64x128xf32, #tpu.memory_space<vmem_shared>>
        %dma_start3A_104 = arith.constant 0 : i32
        %dma_start3A_105 = tpu.memref_slice %arg22[%add3A_57, %dma_start3A_104] : memref<2064x128xf32, #tpu.memory_space<vmem_shared>> -> memref<64x128xf32, #tpu.memory_space<vmem_shared>>
        tpu.enqueue_dma source(%arg21 : memref<64x128xf32, #tpu.memory_space<vmem>>) target(%dma_start3A_105 : memref<64x128xf32, #tpu.memory_space<vmem_shared>>) target_semaphore(%run_scoped3A : memref<!tpu.dma_semaphore, #tpu.memory_space<semaphore_mem>>)
        %dma_wait3A = arith.constant 0 : i32
        %dma_wait3A_106 = tpu.memref_slice %arg22[%add3A_57, %dma_wait3A] : memref<2064x128xf32, #tpu.memory_space<vmem_shared>> -> memref<64x128xf32, #tpu.memory_space<vmem_shared>>
        %dma_wait3A_107 = arith.constant 0 : i32
        %dma_wait3A_108 = tpu.memref_slice %arg22[%add3A_57, %dma_wait3A_107] : memref<2064x128xf32, #tpu.memory_space<vmem_shared>> -> memref<64x128xf32, #tpu.memory_space<vmem_shared>>
        tpu.wait_dma2 semaphore(%run_scoped3A : memref<!tpu.dma_semaphore, #tpu.memory_space<semaphore_mem>>) src(%arg21 : memref<64x128xf32, #tpu.memory_space<vmem>>) dst(%dma_wait3A_108 : memref<64x128xf32, #tpu.memory_space<vmem_shared>>)
        tpu.yield
      }) : () -> ()
      %add3A_58 = arith.constant 64 : i32
      %add3A_59 = arith.addi %mul3A_27, %add3A_58 : i32
      "tpu.region"() ({
        %run_scoped3A = tpu.sem_alloc : memref<!tpu.dma_semaphore, #tpu.memory_space<semaphore_mem>>
        %dma_start3A = arith.constant 0 : i32
        %dma_start3A_103 = tpu.memref_slice %arg22[%add3A_59, %dma_start3A] : memref<2064x128xf32, #tpu.memory_space<vmem_shared>> -> memref<64x128xf32, #tpu.memory_space<vmem_shared>>
        %dma_start3A_104 = arith.constant 0 : i32
        %dma_start3A_105 = tpu.memref_slice %arg22[%add3A_59, %dma_start3A_104] : memref<2064x128xf32, #tpu.memory_space<vmem_shared>> -> memref<64x128xf32, #tpu.memory_space<vmem_shared>>
        tpu.enqueue_dma source(%arg21 : memref<64x128xf32, #tpu.memory_space<vmem>>) target(%dma_start3A_105 : memref<64x128xf32, #tpu.memory_space<vmem_shared>>) target_semaphore(%run_scoped3A : memref<!tpu.dma_semaphore, #tpu.memory_space<semaphore_mem>>)
        %dma_wait3A = arith.constant 0 : i32
        %dma_wait3A_106 = tpu.memref_slice %arg22[%add3A_59, %dma_wait3A] : memref<2064x128xf32, #tpu.memory_space<vmem_shared>> -> memref<64x128xf32, #tpu.memory_space<vmem_shared>>
        %dma_wait3A_107 = arith.constant 0 : i32
        %dma_wait3A_108 = tpu.memref_slice %arg22[%add3A_59, %dma_wait3A_107] : memref<2064x128xf32, #tpu.memory_space<vmem_shared>> -> memref<64x128xf32, #tpu.memory_space<vmem_shared>>
        tpu.wait_dma2 semaphore(%run_scoped3A : memref<!tpu.dma_semaphore, #tpu.memory_space<semaphore_mem>>) src(%arg21 : memref<64x128xf32, #tpu.memory_space<vmem>>) dst(%dma_wait3A_108 : memref<64x128xf32, #tpu.memory_space<vmem_shared>>)
        tpu.yield
      }) : () -> ()
      %add3A_60 = arith.constant 0 : i32
      %add3A_61 = arith.addi %mul3A_27, %add3A_60 : i32
      "tpu.region"() ({
        %run_scoped3A = tpu.sem_alloc : memref<!tpu.dma_semaphore, #tpu.memory_space<semaphore_mem>>
        %dma_start3A = arith.constant 0 : i32
        %dma_start3A_103 = tpu.memref_slice %arg23[%add3A_61, %dma_start3A] : memref<2064x128xf32, #tpu.memory_space<vmem_shared>> -> memref<64x128xf32, #tpu.memory_space<vmem_shared>>
        %dma_start3A_104 = arith.constant 0 : i32
        %dma_start3A_105 = tpu.memref_slice %arg23[%add3A_61, %dma_start3A_104] : memref<2064x128xf32, #tpu.memory_space<vmem_shared>> -> memref<64x128xf32, #tpu.memory_space<vmem_shared>>
        tpu.enqueue_dma source(%arg21 : memref<64x128xf32, #tpu.memory_space<vmem>>) target(%dma_start3A_105 : memref<64x128xf32, #tpu.memory_space<vmem_shared>>) target_semaphore(%run_scoped3A : memref<!tpu.dma_semaphore, #tpu.memory_space<semaphore_mem>>)
        %dma_wait3A = arith.constant 0 : i32
        %dma_wait3A_106 = tpu.memref_slice %arg23[%add3A_61, %dma_wait3A] : memref<2064x128xf32, #tpu.memory_space<vmem_shared>> -> memref<64x128xf32, #tpu.memory_space<vmem_shared>>
        %dma_wait3A_107 = arith.constant 0 : i32
        %dma_wait3A_108 = tpu.memref_slice %arg23[%add3A_61, %dma_wait3A_107] : memref<2064x128xf32, #tpu.memory_space<vmem_shared>> -> memref<64x128xf32, #tpu.memory_space<vmem_shared>>
        tpu.wait_dma2 semaphore(%run_scoped3A : memref<!tpu.dma_semaphore, #tpu.memory_space<semaphore_mem>>) src(%arg21 : memref<64x128xf32, #tpu.memory_space<vmem>>) dst(%dma_wait3A_108 : memref<64x128xf32, #tpu.memory_space<vmem_shared>>)
        tpu.yield
      }) : () -> ()
      %add3A_62 = arith.constant 64 : i32
      %add3A_63 = arith.addi %mul3A_27, %add3A_62 : i32
      "tpu.region"() ({
        %run_scoped3A = tpu.sem_alloc : memref<!tpu.dma_semaphore, #tpu.memory_space<semaphore_mem>>
        %dma_start3A = arith.constant 0 : i32
        %dma_start3A_103 = tpu.memref_slice %arg23[%add3A_63, %dma_start3A] : memref<2064x128xf32, #tpu.memory_space<vmem_shared>> -> memref<64x128xf32, #tpu.memory_space<vmem_shared>>
        %dma_start3A_104 = arith.constant 0 : i32
        %dma_start3A_105 = tpu.memref_slice %arg23[%add3A_63, %dma_start3A_104] : memref<2064x128xf32, #tpu.memory_space<vmem_shared>> -> memref<64x128xf32, #tpu.memory_space<vmem_shared>>
        tpu.enqueue_dma source(%arg21 : memref<64x128xf32, #tpu.memory_space<vmem>>) target(%dma_start3A_105 : memref<64x128xf32, #tpu.memory_space<vmem_shared>>) target_semaphore(%run_scoped3A : memref<!tpu.dma_semaphore, #tpu.memory_space<semaphore_mem>>)
        %dma_wait3A = arith.constant 0 : i32
        %dma_wait3A_106 = tpu.memref_slice %arg23[%add3A_63, %dma_wait3A] : memref<2064x128xf32, #tpu.memory_space<vmem_shared>> -> memref<64x128xf32, #tpu.memory_space<vmem_shared>>
        %dma_wait3A_107 = arith.constant 0 : i32
        %dma_wait3A_108 = tpu.memref_slice %arg23[%add3A_63, %dma_wait3A_107] : memref<2064x128xf32, #tpu.memory_space<vmem_shared>> -> memref<64x128xf32, #tpu.memory_space<vmem_shared>>
        tpu.wait_dma2 semaphore(%run_scoped3A : memref<!tpu.dma_semaphore, #tpu.memory_space<semaphore_mem>>) src(%arg21 : memref<64x128xf32, #tpu.memory_space<vmem>>) dst(%dma_wait3A_108 : memref<64x128xf32, #tpu.memory_space<vmem_shared>>)
        tpu.yield
      }) : () -> ()
      %barrier3A = arith.constant 0 : index
      tpu.barrier barrier_id(%barrier3A)
      %while3A_64 = arith.constant 0 : i32
      %while3A_65 = scf.while (%while3A_103 = %while3A_64) : (i32) -> i32 {
        %lt3A = vector.broadcast %while3A_103 : i32 to vector<16xi32>
        %lt3A_104 = arith.cmpi slt, %lt3A, %shift_right_logical3A_55 : vector<16xi32>
        %reduce_or3A = arith.constant 1.000000e+00 : f32
        %reduce_or3A_105 = arith.constant 0.000000e+00 : f32
        %reduce_or3A_106 = vector.broadcast %reduce_or3A : f32 to vector<16xf32>
        %reduce_or3A_107 = vector.broadcast %reduce_or3A_105 : f32 to vector<16xf32>
        %reduce_or3A_108 = arith.select %lt3A_104, %reduce_or3A_106, %reduce_or3A_107 : vector<16xi1>, vector<16xf32>
        %reduce_or3A_109 = arith.constant true
        %reduce_or3A_110 = vector.broadcast %reduce_or3A_109 : i1 to vector<16xi1>
        %reduce_or3A_111 = tpu.scan <max>, %reduce_or3A_108 masked %reduce_or3A_110 : vector<16xf32>, vector<16xi1> -> vector<16xf32>
        %reduce_or3A_112 = vector.extract %reduce_or3A_111[15] : f32 from vector<16xf32>
        %reduce_or3A_113 = arith.constant 0.000000e+00 : f32
        %reduce_or3A_114 = arith.cmpf ogt, %reduce_or3A_112, %reduce_or3A_113 : f32
        scf.condition(%reduce_or3A_114) %while3A_103 : i32
      } do {
      ^bb0(%while3A_103: i32):
        %mul3A_104 = arith.constant 128 : i32
        %mul3A_105 = arith.muli %while3A_103, %mul3A_104 : i32
        %add3A_106 = arith.constant 0 : i32
        %add3A_107 = arith.addi %mul3A_105, %add3A_106 : i32
        %get3A = arith.index_cast %add3A_107 : i32 to index
        %get3A_108 = tpu.vector_load %arg13[%get3A] {strides = array<i32>} : memref<16640xi32, #tpu.memory_space<vmem>>, vector<16xi32>,
        %and3A = arith.constant 131071 : i32
        %and3A_109 = vector.broadcast %and3A : i32 to vector<16xi32>
        %and3A_110 = arith.andi %get3A_108, %and3A_109 : vector<16xi32>
        %swap3A = arith.constant 0 : index
        %swap3A_111 = tpu.vector_load %arg14[%swap3A] {strides = array<i32>} : memref<128xi32, #tpu.memory_space<vmem>>, vector<16xi32>,
        tpu.vector_store %arg14[%swap3A], %and3A_110 {strides = array<i32>} : memref<128xi32, #tpu.memory_space<vmem>>, vector<16xi32>,
        %shift_right_logical3A_112 = arith.constant 17 : i32
        %shift_right_logical3A_113 = vector.broadcast %shift_right_logical3A_112 : i32 to vector<16xi32>
        %shift_right_logical3A_114 = arith.shrui %get3A_108, %shift_right_logical3A_113 : vector<16xi32>
        %swap3A_115 = arith.constant 0 : index
        %swap3A_116 = tpu.vector_load %arg16[%swap3A_115] {strides = array<i32>} : memref<128xi32, #tpu.memory_space<vmem>>, vector<16xi32>,
        tpu.vector_store %arg16[%swap3A_115], %shift_right_logical3A_114 {strides = array<i32>} : memref<128xi32, #tpu.memory_space<vmem>>, vector<16xi32>,
        %mul3A_117 = arith.constant 128 : i32
        %mul3A_118 = arith.muli %while3A_103, %mul3A_117 : i32
        %add3A_119 = arith.constant 16 : i32
        %add3A_120 = arith.addi %mul3A_118, %add3A_119 : i32
        %get3A_121 = arith.index_cast %add3A_120 : i32 to index
        %get3A_122 = tpu.vector_load %arg13[%get3A_121] {strides = array<i32>} : memref<16640xi32, #tpu.memory_space<vmem>>, vector<16xi32>,
        %and3A_123 = arith.constant 131071 : i32
        %and3A_124 = vector.broadcast %and3A_123 : i32 to vector<16xi32>
        %and3A_125 = arith.andi %get3A_122, %and3A_124 : vector<16xi32>
        %swap3A_126 = arith.constant 16 : index
        %swap3A_127 = tpu.vector_load %arg14[%swap3A_126] {strides = array<i32>} : memref<128xi32, #tpu.memory_space<vmem>>, vector<16xi32>,
        tpu.vector_store %arg14[%swap3A_126], %and3A_125 {strides = array<i32>} : memref<128xi32, #tpu.memory_space<vmem>>, vector<16xi32>,
        %shift_right_logical3A_128 = arith.constant 17 : i32
        %shift_right_logical3A_129 = vector.broadcast %shift_right_logical3A_128 : i32 to vector<16xi32>
        %shift_right_logical3A_130 = arith.shrui %get3A_122, %shift_right_logical3A_129 : vector<16xi32>
        %swap3A_131 = arith.constant 16 : index
        %swap3A_132 = tpu.vector_load %arg16[%swap3A_131] {strides = array<i32>} : memref<128xi32, #tpu.memory_space<vmem>>, vector<16xi32>,
        tpu.vector_store %arg16[%swap3A_131], %shift_right_logical3A_130 {strides = array<i32>} : memref<128xi32, #tpu.memory_space<vmem>>, vector<16xi32>,
        %mul3A_133 = arith.constant 128 : i32
        %mul3A_134 = arith.muli %while3A_103, %mul3A_133 : i32
        %add3A_135 = arith.constant 32 : i32
        %add3A_136 = arith.addi %mul3A_134, %add3A_135 : i32
        %get3A_137 = arith.index_cast %add3A_136 : i32 to index
        %get3A_138 = tpu.vector_load %arg13[%get3A_137] {strides = array<i32>} : memref<16640xi32, #tpu.memory_space<vmem>>, vector<16xi32>,
        %and3A_139 = arith.constant 131071 : i32
        %and3A_140 = vector.broadcast %and3A_139 : i32 to vector<16xi32>
        %and3A_141 = arith.andi %get3A_138, %and3A_140 : vector<16xi32>
        %swap3A_142 = arith.constant 32 : index
        %swap3A_143 = tpu.vector_load %arg14[%swap3A_142] {strides = array<i32>} : memref<128xi32, #tpu.memory_space<vmem>>, vector<16xi32>,
        tpu.vector_store %arg14[%swap3A_142], %and3A_141 {strides = array<i32>} : memref<128xi32, #tpu.memory_space<vmem>>, vector<16xi32>,
        %shift_right_logical3A_144 = arith.constant 17 : i32
        %shift_right_logical3A_145 = vector.broadcast %shift_right_logical3A_144 : i32 to vector<16xi32>
        %shift_right_logical3A_146 = arith.shrui %get3A_138, %shift_right_logical3A_145 : vector<16xi32>
        %swap3A_147 = arith.constant 32 : index
        %swap3A_148 = tpu.vector_load %arg16[%swap3A_147] {strides = array<i32>} : memref<128xi32, #tpu.memory_space<vmem>>, vector<16xi32>,
        tpu.vector_store %arg16[%swap3A_147], %shift_right_logical3A_146 {strides = array<i32>} : memref<128xi32, #tpu.memory_space<vmem>>, vector<16xi32>,
        %mul3A_149 = arith.constant 128 : i32
        %mul3A_150 = arith.muli %while3A_103, %mul3A_149 : i32
        %add3A_151 = arith.constant 48 : i32
        %add3A_152 = arith.addi %mul3A_150, %add3A_151 : i32
        %get3A_153 = arith.index_cast %add3A_152 : i32 to index
        %get3A_154 = tpu.vector_load %arg13[%get3A_153] {strides = array<i32>} : memref<16640xi32, #tpu.memory_space<vmem>>, vector<16xi32>,
        %and3A_155 = arith.constant 131071 : i32
        %and3A_156 = vector.broadcast %and3A_155 : i32 to vector<16xi32>
        %and3A_157 = arith.andi %get3A_154, %and3A_156 : vector<16xi32>
        %swap3A_158 = arith.constant 48 : index
        %swap3A_159 = tpu.vector_load %arg14[%swap3A_158] {strides = array<i32>} : memref<128xi32, #tpu.memory_space<vmem>>, vector<16xi32>,
        tpu.vector_store %arg14[%swap3A_158], %and3A_157 {strides = array<i32>} : memref<128xi32, #tpu.memory_space<vmem>>, vector<16xi32>,
        %shift_right_logical3A_160 = arith.constant 17 : i32
        %shift_right_logical3A_161 = vector.broadcast %shift_right_logical3A_160 : i32 to vector<16xi32>
        %shift_right_logical3A_162 = arith.shrui %get3A_154, %shift_right_logical3A_161 : vector<16xi32>
        %swap3A_163 = arith.constant 48 : index
        %swap3A_164 = tpu.vector_load %arg16[%swap3A_163] {strides = array<i32>} : memref<128xi32, #tpu.memory_space<vmem>>, vector<16xi32>,
        tpu.vector_store %arg16[%swap3A_163], %shift_right_logical3A_162 {strides = array<i32>} : memref<128xi32, #tpu.memory_space<vmem>>, vector<16xi32>,
        %mul3A_165 = arith.constant 128 : i32
        %mul3A_166 = arith.muli %while3A_103, %mul3A_165 : i32
        %add3A_167 = arith.constant 64 : i32
        %add3A_168 = arith.addi %mul3A_166, %add3A_167 : i32
        %get3A_169 = arith.index_cast %add3A_168 : i32 to index
        %get3A_170 = tpu.vector_load %arg13[%get3A_169] {strides = array<i32>} : memref<16640xi32, #tpu.memory_space<vmem>>, vector<16xi32>,
        %and3A_171 = arith.constant 131071 : i32
        %and3A_172 = vector.broadcast %and3A_171 : i32 to vector<16xi32>
        %and3A_173 = arith.andi %get3A_170, %and3A_172 : vector<16xi32>
        %swap3A_174 = arith.constant 64 : index
        %swap3A_175 = tpu.vector_load %arg14[%swap3A_174] {strides = array<i32>} : memref<128xi32, #tpu.memory_space<vmem>>, vector<16xi32>,
        tpu.vector_store %arg14[%swap3A_174], %and3A_173 {strides = array<i32>} : memref<128xi32, #tpu.memory_space<vmem>>, vector<16xi32>,
        %shift_right_logical3A_176 = arith.constant 17 : i32
        %shift_right_logical3A_177 = vector.broadcast %shift_right_logical3A_176 : i32 to vector<16xi32>
        %shift_right_logical3A_178 = arith.shrui %get3A_170, %shift_right_logical3A_177 : vector<16xi32>
        %swap3A_179 = arith.constant 64 : index
        %swap3A_180 = tpu.vector_load %arg16[%swap3A_179] {strides = array<i32>} : memref<128xi32, #tpu.memory_space<vmem>>, vector<16xi32>,
        tpu.vector_store %arg16[%swap3A_179], %shift_right_logical3A_178 {strides = array<i32>} : memref<128xi32, #tpu.memory_space<vmem>>, vector<16xi32>,
        %mul3A_181 = arith.constant 128 : i32
        %mul3A_182 = arith.muli %while3A_103, %mul3A_181 : i32
        %add3A_183 = arith.constant 80 : i32
        %add3A_184 = arith.addi %mul3A_182, %add3A_183 : i32
        %get3A_185 = arith.index_cast %add3A_184 : i32 to index
        %get3A_186 = tpu.vector_load %arg13[%get3A_185] {strides = array<i32>} : memref<16640xi32, #tpu.memory_space<vmem>>, vector<16xi32>,
        %and3A_187 = arith.constant 131071 : i32
        %and3A_188 = vector.broadcast %and3A_187 : i32 to vector<16xi32>
        %and3A_189 = arith.andi %get3A_186, %and3A_188 : vector<16xi32>
        %swap3A_190 = arith.constant 80 : index
        %swap3A_191 = tpu.vector_load %arg14[%swap3A_190] {strides = array<i32>} : memref<128xi32, #tpu.memory_space<vmem>>, vector<16xi32>,
        tpu.vector_store %arg14[%swap3A_190], %and3A_189 {strides = array<i32>} : memref<128xi32, #tpu.memory_space<vmem>>, vector<16xi32>,
        %shift_right_logical3A_192 = arith.constant 17 : i32
        %shift_right_logical3A_193 = vector.broadcast %shift_right_logical3A_192 : i32 to vector<16xi32>
        %shift_right_logical3A_194 = arith.shrui %get3A_186, %shift_right_logical3A_193 : vector<16xi32>
        %swap3A_195 = arith.constant 80 : index
        %swap3A_196 = tpu.vector_load %arg16[%swap3A_195] {strides = array<i32>} : memref<128xi32, #tpu.memory_space<vmem>>, vector<16xi32>,
        tpu.vector_store %arg16[%swap3A_195], %shift_right_logical3A_194 {strides = array<i32>} : memref<128xi32, #tpu.memory_space<vmem>>, vector<16xi32>,
        %mul3A_197 = arith.constant 128 : i32
        %mul3A_198 = arith.muli %while3A_103, %mul3A_197 : i32
        %add3A_199 = arith.constant 96 : i32
        %add3A_200 = arith.addi %mul3A_198, %add3A_199 : i32
        %get3A_201 = arith.index_cast %add3A_200 : i32 to index
        %get3A_202 = tpu.vector_load %arg13[%get3A_201] {strides = array<i32>} : memref<16640xi32, #tpu.memory_space<vmem>>, vector<16xi32>,
        %and3A_203 = arith.constant 131071 : i32
        %and3A_204 = vector.broadcast %and3A_203 : i32 to vector<16xi32>
        %and3A_205 = arith.andi %get3A_202, %and3A_204 : vector<16xi32>
        %swap3A_206 = arith.constant 96 : index
        %swap3A_207 = tpu.vector_load %arg14[%swap3A_206] {strides = array<i32>} : memref<128xi32, #tpu.memory_space<vmem>>, vector<16xi32>,
        tpu.vector_store %arg14[%swap3A_206], %and3A_205 {strides = array<i32>} : memref<128xi32, #tpu.memory_space<vmem>>, vector<16xi32>,
        %shift_right_logical3A_208 = arith.constant 17 : i32
        %shift_right_logical3A_209 = vector.broadcast %shift_right_logical3A_208 : i32 to vector<16xi32>
        %shift_right_logical3A_210 = arith.shrui %get3A_202, %shift_right_logical3A_209 : vector<16xi32>
        %swap3A_211 = arith.constant 96 : index
        %swap3A_212 = tpu.vector_load %arg16[%swap3A_211] {strides = array<i32>} : memref<128xi32, #tpu.memory_space<vmem>>, vector<16xi32>,
        tpu.vector_store %arg16[%swap3A_211], %shift_right_logical3A_210 {strides = array<i32>} : memref<128xi32, #tpu.memory_space<vmem>>, vector<16xi32>,
        %mul3A_213 = arith.constant 128 : i32
        %mul3A_214 = arith.muli %while3A_103, %mul3A_213 : i32
        %add3A_215 = arith.constant 112 : i32
        %add3A_216 = arith.addi %mul3A_214, %add3A_215 : i32
        %get3A_217 = arith.index_cast %add3A_216 : i32 to index
        %get3A_218 = tpu.vector_load %arg13[%get3A_217] {strides = array<i32>} : memref<16640xi32, #tpu.memory_space<vmem>>, vector<16xi32>,
        %and3A_219 = arith.constant 131071 : i32
        %and3A_220 = vector.broadcast %and3A_219 : i32 to vector<16xi32>
        %and3A_221 = arith.andi %get3A_218, %and3A_220 : vector<16xi32>
        %swap3A_222 = arith.constant 112 : index
        %swap3A_223 = tpu.vector_load %arg14[%swap3A_222] {strides = array<i32>} : memref<128xi32, #tpu.memory_space<vmem>>, vector<16xi32>,
        tpu.vector_store %arg14[%swap3A_222], %and3A_221 {strides = array<i32>} : memref<128xi32, #tpu.memory_space<vmem>>, vector<16xi32>,
        %shift_right_logical3A_224 = arith.constant 17 : i32
        %shift_right_logical3A_225 = vector.broadcast %shift_right_logical3A_224 : i32 to vector<16xi32>
        %shift_right_logical3A_226 = arith.shrui %get3A_218, %shift_right_logical3A_225 : vector<16xi32>
        %swap3A_227 = arith.constant 112 : index
        %swap3A_228 = tpu.vector_load %arg16[%swap3A_227] {strides = array<i32>} : memref<128xi32, #tpu.memory_space<vmem>>, vector<16xi32>,
        tpu.vector_store %arg16[%swap3A_227], %shift_right_logical3A_226 {strides = array<i32>} : memref<128xi32, #tpu.memory_space<vmem>>, vector<16xi32>,
        %dma_start3A = arith.constant 0 : i32
        %dma_start3A_229 = arith.constant 0 : i32
        %dma_start3A_230 = tpu.memref_slice %arg3[%dma_start3A, %dma_start3A_229] : memref<131072x128xf32, #tpu.memory_space<hbm>> -> memref<131072x128xf32, #tpu.memory_space<hbm>>
        tpu.enqueue_indirect_dma source(%dma_start3A_230 : memref<131072x128xf32, #tpu.memory_space<hbm>>) target(%arg18 : memref<128x128xf32, #tpu.memory_space<vmem>>) offsets(%arg14 : memref<128xi32, #tpu.memory_space<vmem>>) semaphore(%arg24 : memref<!tpu.dma_semaphore, #tpu.memory_space<semaphore_mem>>)
        %dma_wait3A = arith.constant 0 : i32
        %dma_wait3A_231 = arith.constant 0 : i32
        %dma_wait3A_232 = tpu.memref_slice %arg3[%dma_wait3A, %dma_wait3A_231] : memref<131072x128xf32, #tpu.memory_space<hbm>> -> memref<131072x128xf32, #tpu.memory_space<hbm>>
        tpu.wait_indirect_dma semaphore(%arg24 : memref<!tpu.dma_semaphore, #tpu.memory_space<semaphore_mem>>) src(%dma_wait3A_232 : memref<131072x128xf32, #tpu.memory_space<hbm>>) dst(%arg18 : memref<128x128xf32, #tpu.memory_space<vmem>>)
        %dma_start3A_233 = arith.constant 0 : i32
        %dma_start3A_234 = arith.constant 0 : i32
        %dma_start3A_235 = tpu.memref_slice %arg22[%dma_start3A_233, %dma_start3A_234] : memref<2064x128xf32, #tpu.memory_space<vmem_shared>> -> memref<2064x128xf32, #tpu.memory_space<vmem_shared>>
        tpu.enqueue_indirect_dma source(%arg18 : memref<128x128xf32, #tpu.memory_space<vmem>>) target(%dma_start3A_235 : memref<2064x128xf32, #tpu.memory_space<vmem_shared>>) offsets(%arg16 : memref<128xi32, #tpu.memory_space<vmem>>) semaphore(%arg26 : memref<!tpu.dma_semaphore, #tpu.memory_space<semaphore_mem>>) {add = true}
        %dma_start3A_236 = arith.constant 0 : i32
        %dma_start3A_237 = arith.constant 0 : i32
        %dma_start3A_238 = tpu.memref_slice %arg23[%dma_start3A_236, %dma_start3A_237] : memref<2064x128xf32, #tpu.memory_space<vmem_shared>> -> memref<2064x128xf32, #tpu.memory_space<vmem_shared>>
        tpu.enqueue_indirect_dma source(%arg20 : memref<128x128xf32, #tpu.memory_space<vmem>>) target(%dma_start3A_238 : memref<2064x128xf32, #tpu.memory_space<vmem_shared>>) offsets(%arg16 : memref<128xi32, #tpu.memory_space<vmem>>) semaphore(%arg27 : memref<!tpu.dma_semaphore, #tpu.memory_space<semaphore_mem>>) {add = true}
        %dma_wait3A_239 = arith.constant 0 : i32
        %dma_wait3A_240 = arith.constant 0 : i32
        %dma_wait3A_241 = tpu.memref_slice %arg22[%dma_wait3A_239, %dma_wait3A_240] : memref<2064x128xf32, #tpu.memory_space<vmem_shared>> -> memref<2064x128xf32, #tpu.memory_space<vmem_shared>>
        tpu.wait_indirect_dma semaphore(%arg26 : memref<!tpu.dma_semaphore, #tpu.memory_space<semaphore_mem>>) src(%arg18 : memref<128x128xf32, #tpu.memory_space<vmem>>) dst(%dma_wait3A_241 : memref<2064x128xf32, #tpu.memory_space<vmem_shared>>)
        %dma_wait3A_242 = arith.constant 0 : i32
        %dma_wait3A_243 = arith.constant 0 : i32
        %dma_wait3A_244 = tpu.memref_slice %arg23[%dma_wait3A_242, %dma_wait3A_243] : memref<2064x128xf32, #tpu.memory_space<vmem_shared>> -> memref<2064x128xf32, #tpu.memory_space<vmem_shared>>
        tpu.wait_indirect_dma semaphore(%arg27 : memref<!tpu.dma_semaphore, #tpu.memory_space<semaphore_mem>>) src(%arg20 : memref<128x128xf32, #tpu.memory_space<vmem>>) dst(%dma_wait3A_244 : memref<2064x128xf32, #tpu.memory_space<vmem_shared>>)
        %add3A_245 = arith.constant 1 : i32
        %add3A_246 = arith.addi %while3A_103, %add3A_245 : i32
        scf.yield %add3A_246 : i32
      }
      %barrier3A_66 = arith.constant 0 : index
      tpu.barrier barrier_id(%barrier3A_66)
      %mul3A_67 = arith.constant 2048 : i32
      %mul3A_68 = arith.muli %add3A_41, %mul3A_67 : i32
      %add3A_69 = arith.addi %mul3A_68, %mul3A_27 : i32
      "tpu.region"() ({
        %run_scoped3A = tpu.sem_alloc : memref<!tpu.dma_semaphore, #tpu.memory_space<semaphore_mem>>
        %dma_start3A = arith.constant 0 : i32
        %dma_start3A_103 = tpu.memref_slice %arg7[%add3A_69, %dma_start3A] : memref<65536x128xf32, #tpu.memory_space<hbm>> -> memref<128x128xf32, #tpu.memory_space<hbm>>
        %dma_start3A_104 = arith.constant 0 : i32
        %dma_start3A_105 = tpu.memref_slice %arg22[%mul3A_27, %dma_start3A_104] : memref<2064x128xf32, #tpu.memory_space<vmem_shared>> -> memref<128x128xf32, #tpu.memory_space<vmem_shared>>
        tpu.enqueue_dma source(%dma_start3A_105 : memref<128x128xf32, #tpu.memory_space<vmem_shared>>) target(%dma_start3A_103 : memref<128x128xf32, #tpu.memory_space<hbm>>) target_semaphore(%run_scoped3A : memref<!tpu.dma_semaphore, #tpu.memory_space<semaphore_mem>>)
        %dma_wait3A = arith.constant 0 : i32
        %dma_wait3A_106 = tpu.memref_slice %arg7[%add3A_69, %dma_wait3A] : memref<65536x128xf32, #tpu.memory_space<hbm>> -> memref<128x128xf32, #tpu.memory_space<hbm>>
        %dma_wait3A_107 = arith.constant 0 : i32
        %dma_wait3A_108 = tpu.memref_slice %arg22[%mul3A_27, %dma_wait3A_107] : memref<2064x128xf32, #tpu.memory_space<vmem_shared>> -> memref<128x128xf32, #tpu.memory_space<vmem_shared>>
        tpu.wait_dma2 semaphore(%run_scoped3A : memref<!tpu.dma_semaphore, #tpu.memory_space<semaphore_mem>>) src(%dma_wait3A_108 : memref<128x128xf32, #tpu.memory_space<vmem_shared>>) dst(%dma_wait3A_106 : memref<128x128xf32, #tpu.memory_space<hbm>>)
        tpu.yield
      }) : () -> ()
      "tpu.region"() ({
        %run_scoped3A = tpu.sem_alloc : memref<!tpu.dma_semaphore, #tpu.memory_space<semaphore_mem>>
        %dma_start3A = arith.constant 0 : i32
        %dma_start3A_103 = tpu.memref_slice %arg11[%add3A_69, %dma_start3A] : memref<65536x128xf32, #tpu.memory_space<hbm>> -> memref<128x128xf32, #tpu.memory_space<hbm>>
        %dma_start3A_104 = arith.constant 0 : i32
        %dma_start3A_105 = tpu.memref_slice %arg23[%mul3A_27, %dma_start3A_104] : memref<2064x128xf32, #tpu.memory_space<vmem_shared>> -> memref<128x128xf32, #tpu.memory_space<vmem_shared>>
        tpu.enqueue_dma source(%dma_start3A_105 : memref<128x128xf32, #tpu.memory_space<vmem_shared>>) target(%dma_start3A_103 : memref<128x128xf32, #tpu.memory_space<hbm>>) target_semaphore(%run_scoped3A : memref<!tpu.dma_semaphore, #tpu.memory_space<semaphore_mem>>)
        %dma_wait3A = arith.constant 0 : i32
        %dma_wait3A_106 = tpu.memref_slice %arg11[%add3A_69, %dma_wait3A] : memref<65536x128xf32, #tpu.memory_space<hbm>> -> memref<128x128xf32, #tpu.memory_space<hbm>>
        %dma_wait3A_107 = arith.constant 0 : i32
        %dma_wait3A_108 = tpu.memref_slice %arg23[%mul3A_27, %dma_wait3A_107] : memref<2064x128xf32, #tpu.memory_space<vmem_shared>> -> memref<128x128xf32, #tpu.memory_space<vmem_shared>>
        tpu.wait_dma2 semaphore(%run_scoped3A : memref<!tpu.dma_semaphore, #tpu.memory_space<semaphore_mem>>) src(%dma_wait3A_108 : memref<128x128xf32, #tpu.memory_space<vmem_shared>>) dst(%dma_wait3A_106 : memref<128x128xf32, #tpu.memory_space<hbm>>)
        tpu.yield
      }) : () -> ()
      %add3A_70 = arith.constant 0 : i32
      %add3A_71 = arith.addi %mul3A_27, %add3A_70 : i32
      "tpu.region"() ({
        %run_scoped3A = tpu.sem_alloc : memref<!tpu.dma_semaphore, #tpu.memory_space<semaphore_mem>>
        %dma_start3A = arith.constant 0 : i32
        %dma_start3A_103 = tpu.memref_slice %arg22[%add3A_71, %dma_start3A] : memref<2064x128xf32, #tpu.memory_space<vmem_shared>> -> memref<64x128xf32, #tpu.memory_space<vmem_shared>>
        %dma_start3A_104 = arith.constant 0 : i32
        %dma_start3A_105 = tpu.memref_slice %arg22[%add3A_71, %dma_start3A_104] : memref<2064x128xf32, #tpu.memory_space<vmem_shared>> -> memref<64x128xf32, #tpu.memory_space<vmem_shared>>
        tpu.enqueue_dma source(%arg21 : memref<64x128xf32, #tpu.memory_space<vmem>>) target(%dma_start3A_105 : memref<64x128xf32, #tpu.memory_space<vmem_shared>>) target_semaphore(%run_scoped3A : memref<!tpu.dma_semaphore, #tpu.memory_space<semaphore_mem>>)
        %dma_wait3A = arith.constant 0 : i32
        %dma_wait3A_106 = tpu.memref_slice %arg22[%add3A_71, %dma_wait3A] : memref<2064x128xf32, #tpu.memory_space<vmem_shared>> -> memref<64x128xf32, #tpu.memory_space<vmem_shared>>
        %dma_wait3A_107 = arith.constant 0 : i32
        %dma_wait3A_108 = tpu.memref_slice %arg22[%add3A_71, %dma_wait3A_107] : memref<2064x128xf32, #tpu.memory_space<vmem_shared>> -> memref<64x128xf32, #tpu.memory_space<vmem_shared>>
        tpu.wait_dma2 semaphore(%run_scoped3A : memref<!tpu.dma_semaphore, #tpu.memory_space<semaphore_mem>>) src(%arg21 : memref<64x128xf32, #tpu.memory_space<vmem>>) dst(%dma_wait3A_108 : memref<64x128xf32, #tpu.memory_space<vmem_shared>>)
        tpu.yield
      }) : () -> ()
      %add3A_72 = arith.constant 64 : i32
      %add3A_73 = arith.addi %mul3A_27, %add3A_72 : i32
      "tpu.region"() ({
        %run_scoped3A = tpu.sem_alloc : memref<!tpu.dma_semaphore, #tpu.memory_space<semaphore_mem>>
        %dma_start3A = arith.constant 0 : i32
        %dma_start3A_103 = tpu.memref_slice %arg22[%add3A_73, %dma_start3A] : memref<2064x128xf32, #tpu.memory_space<vmem_shared>> -> memref<64x128xf32, #tpu.memory_space<vmem_shared>>
        %dma_start3A_104 = arith.constant 0 : i32
        %dma_start3A_105 = tpu.memref_slice %arg22[%add3A_73, %dma_start3A_104] : memref<2064x128xf32, #tpu.memory_space<vmem_shared>> -> memref<64x128xf32, #tpu.memory_space<vmem_shared>>
        tpu.enqueue_dma source(%arg21 : memref<64x128xf32, #tpu.memory_space<vmem>>) target(%dma_start3A_105 : memref<64x128xf32, #tpu.memory_space<vmem_shared>>) target_semaphore(%run_scoped3A : memref<!tpu.dma_semaphore, #tpu.memory_space<semaphore_mem>>)
        %dma_wait3A = arith.constant 0 : i32
        %dma_wait3A_106 = tpu.memref_slice %arg22[%add3A_73, %dma_wait3A] : memref<2064x128xf32, #tpu.memory_space<vmem_shared>> -> memref<64x128xf32, #tpu.memory_space<vmem_shared>>
        %dma_wait3A_107 = arith.constant 0 : i32
        %dma_wait3A_108 = tpu.memref_slice %arg22[%add3A_73, %dma_wait3A_107] : memref<2064x128xf32, #tpu.memory_space<vmem_shared>> -> memref<64x128xf32, #tpu.memory_space<vmem_shared>>
        tpu.wait_dma2 semaphore(%run_scoped3A : memref<!tpu.dma_semaphore, #tpu.memory_space<semaphore_mem>>) src(%arg21 : memref<64x128xf32, #tpu.memory_space<vmem>>) dst(%dma_wait3A_108 : memref<64x128xf32, #tpu.memory_space<vmem_shared>>)
        tpu.yield
      }) : () -> ()
      %barrier3A_74 = arith.constant 0 : index
      tpu.barrier barrier_id(%barrier3A_74)
      %while3A_75 = arith.constant 0 : i32
      %while3A_76 = scf.while (%while3A_103 = %while3A_75) : (i32) -> i32 {
        %lt3A = vector.broadcast %while3A_103 : i32 to vector<16xi32>
        %lt3A_104 = arith.cmpi slt, %lt3A, %shift_right_logical3A_55 : vector<16xi32>
        %reduce_or3A = arith.constant 1.000000e+00 : f32
        %reduce_or3A_105 = arith.constant 0.000000e+00 : f32
        %reduce_or3A_106 = vector.broadcast %reduce_or3A : f32 to vector<16xf32>
        %reduce_or3A_107 = vector.broadcast %reduce_or3A_105 : f32 to vector<16xf32>
        %reduce_or3A_108 = arith.select %lt3A_104, %reduce_or3A_106, %reduce_or3A_107 : vector<16xi1>, vector<16xf32>
        %reduce_or3A_109 = arith.constant true
        %reduce_or3A_110 = vector.broadcast %reduce_or3A_109 : i1 to vector<16xi1>
        %reduce_or3A_111 = tpu.scan <max>, %reduce_or3A_108 masked %reduce_or3A_110 : vector<16xf32>, vector<16xi1> -> vector<16xf32>
        %reduce_or3A_112 = vector.extract %reduce_or3A_111[15] : f32 from vector<16xf32>
        %reduce_or3A_113 = arith.constant 0.000000e+00 : f32
        %reduce_or3A_114 = arith.cmpf ogt, %reduce_or3A_112, %reduce_or3A_113 : f32
        scf.condition(%reduce_or3A_114) %while3A_103 : i32
      } do {
      ^bb0(%while3A_103: i32):
        %mul3A_104 = arith.constant 128 : i32
        %mul3A_105 = arith.muli %while3A_103, %mul3A_104 : i32
        %add3A_106 = arith.constant 0 : i32
        %add3A_107 = arith.addi %mul3A_105, %add3A_106 : i32
        %get3A = arith.index_cast %add3A_107 : i32 to index
        %get3A_108 = tpu.vector_load %arg13[%get3A] {strides = array<i32>} : memref<16640xi32, #tpu.memory_space<vmem>>, vector<16xi32>,
        %and3A = arith.constant 131071 : i32
        %and3A_109 = vector.broadcast %and3A : i32 to vector<16xi32>
        %and3A_110 = arith.andi %get3A_108, %and3A_109 : vector<16xi32>
        %swap3A = arith.constant 0 : index
        %swap3A_111 = tpu.vector_load %arg14[%swap3A] {strides = array<i32>} : memref<128xi32, #tpu.memory_space<vmem>>, vector<16xi32>,
        tpu.vector_store %arg14[%swap3A], %and3A_110 {strides = array<i32>} : memref<128xi32, #tpu.memory_space<vmem>>, vector<16xi32>,
        %shift_right_logical3A_112 = arith.constant 17 : i32
        %shift_right_logical3A_113 = vector.broadcast %shift_right_logical3A_112 : i32 to vector<16xi32>
        %shift_right_logical3A_114 = arith.shrui %get3A_108, %shift_right_logical3A_113 : vector<16xi32>
        %swap3A_115 = arith.constant 0 : index
        %swap3A_116 = tpu.vector_load %arg16[%swap3A_115] {strides = array<i32>} : memref<128xi32, #tpu.memory_space<vmem>>, vector<16xi32>,
        tpu.vector_store %arg16[%swap3A_115], %shift_right_logical3A_114 {strides = array<i32>} : memref<128xi32, #tpu.memory_space<vmem>>, vector<16xi32>,
        %mul3A_117 = arith.constant 128 : i32
        %mul3A_118 = arith.muli %while3A_103, %mul3A_117 : i32
        %add3A_119 = arith.constant 16 : i32
        %add3A_120 = arith.addi %mul3A_118, %add3A_119 : i32
        %get3A_121 = arith.index_cast %add3A_120 : i32 to index
        %get3A_122 = tpu.vector_load %arg13[%get3A_121] {strides = array<i32>} : memref<16640xi32, #tpu.memory_space<vmem>>, vector<16xi32>,
        %and3A_123 = arith.constant 131071 : i32
        %and3A_124 = vector.broadcast %and3A_123 : i32 to vector<16xi32>
        %and3A_125 = arith.andi %get3A_122, %and3A_124 : vector<16xi32>
        %swap3A_126 = arith.constant 16 : index
        %swap3A_127 = tpu.vector_load %arg14[%swap3A_126] {strides = array<i32>} : memref<128xi32, #tpu.memory_space<vmem>>, vector<16xi32>,
        tpu.vector_store %arg14[%swap3A_126], %and3A_125 {strides = array<i32>} : memref<128xi32, #tpu.memory_space<vmem>>, vector<16xi32>,
        %shift_right_logical3A_128 = arith.constant 17 : i32
        %shift_right_logical3A_129 = vector.broadcast %shift_right_logical3A_128 : i32 to vector<16xi32>
        %shift_right_logical3A_130 = arith.shrui %get3A_122, %shift_right_logical3A_129 : vector<16xi32>
        %swap3A_131 = arith.constant 16 : index
        %swap3A_132 = tpu.vector_load %arg16[%swap3A_131] {strides = array<i32>} : memref<128xi32, #tpu.memory_space<vmem>>, vector<16xi32>,
        tpu.vector_store %arg16[%swap3A_131], %shift_right_logical3A_130 {strides = array<i32>} : memref<128xi32, #tpu.memory_space<vmem>>, vector<16xi32>,
        %mul3A_133 = arith.constant 128 : i32
        %mul3A_134 = arith.muli %while3A_103, %mul3A_133 : i32
        %add3A_135 = arith.constant 32 : i32
        %add3A_136 = arith.addi %mul3A_134, %add3A_135 : i32
        %get3A_137 = arith.index_cast %add3A_136 : i32 to index
        %get3A_138 = tpu.vector_load %arg13[%get3A_137] {strides = array<i32>} : memref<16640xi32, #tpu.memory_space<vmem>>, vector<16xi32>,
        %and3A_139 = arith.constant 131071 : i32
        %and3A_140 = vector.broadcast %and3A_139 : i32 to vector<16xi32>
        %and3A_141 = arith.andi %get3A_138, %and3A_140 : vector<16xi32>
        %swap3A_142 = arith.constant 32 : index
        %swap3A_143 = tpu.vector_load %arg14[%swap3A_142] {strides = array<i32>} : memref<128xi32, #tpu.memory_space<vmem>>, vector<16xi32>,
        tpu.vector_store %arg14[%swap3A_142], %and3A_141 {strides = array<i32>} : memref<128xi32, #tpu.memory_space<vmem>>, vector<16xi32>,
        %shift_right_logical3A_144 = arith.constant 17 : i32
        %shift_right_logical3A_145 = vector.broadcast %shift_right_logical3A_144 : i32 to vector<16xi32>
        %shift_right_logical3A_146 = arith.shrui %get3A_138, %shift_right_logical3A_145 : vector<16xi32>
        %swap3A_147 = arith.constant 32 : index
        %swap3A_148 = tpu.vector_load %arg16[%swap3A_147] {strides = array<i32>} : memref<128xi32, #tpu.memory_space<vmem>>, vector<16xi32>,
        tpu.vector_store %arg16[%swap3A_147], %shift_right_logical3A_146 {strides = array<i32>} : memref<128xi32, #tpu.memory_space<vmem>>, vector<16xi32>,
        %mul3A_149 = arith.constant 128 : i32
        %mul3A_150 = arith.muli %while3A_103, %mul3A_149 : i32
        %add3A_151 = arith.constant 48 : i32
        %add3A_152 = arith.addi %mul3A_150, %add3A_151 : i32
        %get3A_153 = arith.index_cast %add3A_152 : i32 to index
        %get3A_154 = tpu.vector_load %arg13[%get3A_153] {strides = array<i32>} : memref<16640xi32, #tpu.memory_space<vmem>>, vector<16xi32>,
        %and3A_155 = arith.constant 131071 : i32
        %and3A_156 = vector.broadcast %and3A_155 : i32 to vector<16xi32>
        %and3A_157 = arith.andi %get3A_154, %and3A_156 : vector<16xi32>
        %swap3A_158 = arith.constant 48 : index
        %swap3A_159 = tpu.vector_load %arg14[%swap3A_158] {strides = array<i32>} : memref<128xi32, #tpu.memory_space<vmem>>, vector<16xi32>,
        tpu.vector_store %arg14[%swap3A_158], %and3A_157 {strides = array<i32>} : memref<128xi32, #tpu.memory_space<vmem>>, vector<16xi32>,
        %shift_right_logical3A_160 = arith.constant 17 : i32
        %shift_right_logical3A_161 = vector.broadcast %shift_right_logical3A_160 : i32 to vector<16xi32>
        %shift_right_logical3A_162 = arith.shrui %get3A_154, %shift_right_logical3A_161 : vector<16xi32>
        %swap3A_163 = arith.constant 48 : index
        %swap3A_164 = tpu.vector_load %arg16[%swap3A_163] {strides = array<i32>} : memref<128xi32, #tpu.memory_space<vmem>>, vector<16xi32>,
        tpu.vector_store %arg16[%swap3A_163], %shift_right_logical3A_162 {strides = array<i32>} : memref<128xi32, #tpu.memory_space<vmem>>, vector<16xi32>,
        %mul3A_165 = arith.constant 128 : i32
        %mul3A_166 = arith.muli %while3A_103, %mul3A_165 : i32
        %add3A_167 = arith.constant 64 : i32
        %add3A_168 = arith.addi %mul3A_166, %add3A_167 : i32
        %get3A_169 = arith.index_cast %add3A_168 : i32 to index
        %get3A_170 = tpu.vector_load %arg13[%get3A_169] {strides = array<i32>} : memref<16640xi32, #tpu.memory_space<vmem>>, vector<16xi32>,
        %and3A_171 = arith.constant 131071 : i32
        %and3A_172 = vector.broadcast %and3A_171 : i32 to vector<16xi32>
        %and3A_173 = arith.andi %get3A_170, %and3A_172 : vector<16xi32>
        %swap3A_174 = arith.constant 64 : index
        %swap3A_175 = tpu.vector_load %arg14[%swap3A_174] {strides = array<i32>} : memref<128xi32, #tpu.memory_space<vmem>>, vector<16xi32>,
        tpu.vector_store %arg14[%swap3A_174], %and3A_173 {strides = array<i32>} : memref<128xi32, #tpu.memory_space<vmem>>, vector<16xi32>,
        %shift_right_logical3A_176 = arith.constant 17 : i32
        %shift_right_logical3A_177 = vector.broadcast %shift_right_logical3A_176 : i32 to vector<16xi32>
        %shift_right_logical3A_178 = arith.shrui %get3A_170, %shift_right_logical3A_177 : vector<16xi32>
        %swap3A_179 = arith.constant 64 : index
        %swap3A_180 = tpu.vector_load %arg16[%swap3A_179] {strides = array<i32>} : memref<128xi32, #tpu.memory_space<vmem>>, vector<16xi32>,
        tpu.vector_store %arg16[%swap3A_179], %shift_right_logical3A_178 {strides = array<i32>} : memref<128xi32, #tpu.memory_space<vmem>>, vector<16xi32>,
        %mul3A_181 = arith.constant 128 : i32
        %mul3A_182 = arith.muli %while3A_103, %mul3A_181 : i32
        %add3A_183 = arith.constant 80 : i32
        %add3A_184 = arith.addi %mul3A_182, %add3A_183 : i32
        %get3A_185 = arith.index_cast %add3A_184 : i32 to index
        %get3A_186 = tpu.vector_load %arg13[%get3A_185] {strides = array<i32>} : memref<16640xi32, #tpu.memory_space<vmem>>, vector<16xi32>,
        %and3A_187 = arith.constant 131071 : i32
        %and3A_188 = vector.broadcast %and3A_187 : i32 to vector<16xi32>
        %and3A_189 = arith.andi %get3A_186, %and3A_188 : vector<16xi32>
        %swap3A_190 = arith.constant 80 : index
        %swap3A_191 = tpu.vector_load %arg14[%swap3A_190] {strides = array<i32>} : memref<128xi32, #tpu.memory_space<vmem>>, vector<16xi32>,
        tpu.vector_store %arg14[%swap3A_190], %and3A_189 {strides = array<i32>} : memref<128xi32, #tpu.memory_space<vmem>>, vector<16xi32>,
        %shift_right_logical3A_192 = arith.constant 17 : i32
        %shift_right_logical3A_193 = vector.broadcast %shift_right_logical3A_192 : i32 to vector<16xi32>
        %shift_right_logical3A_194 = arith.shrui %get3A_186, %shift_right_logical3A_193 : vector<16xi32>
        %swap3A_195 = arith.constant 80 : index
        %swap3A_196 = tpu.vector_load %arg16[%swap3A_195] {strides = array<i32>} : memref<128xi32, #tpu.memory_space<vmem>>, vector<16xi32>,
        tpu.vector_store %arg16[%swap3A_195], %shift_right_logical3A_194 {strides = array<i32>} : memref<128xi32, #tpu.memory_space<vmem>>, vector<16xi32>,
        %mul3A_197 = arith.constant 128 : i32
        %mul3A_198 = arith.muli %while3A_103, %mul3A_197 : i32
        %add3A_199 = arith.constant 96 : i32
        %add3A_200 = arith.addi %mul3A_198, %add3A_199 : i32
        %get3A_201 = arith.index_cast %add3A_200 : i32 to index
        %get3A_202 = tpu.vector_load %arg13[%get3A_201] {strides = array<i32>} : memref<16640xi32, #tpu.memory_space<vmem>>, vector<16xi32>,
        %and3A_203 = arith.constant 131071 : i32
        %and3A_204 = vector.broadcast %and3A_203 : i32 to vector<16xi32>
        %and3A_205 = arith.andi %get3A_202, %and3A_204 : vector<16xi32>
        %swap3A_206 = arith.constant 96 : index
        %swap3A_207 = tpu.vector_load %arg14[%swap3A_206] {strides = array<i32>} : memref<128xi32, #tpu.memory_space<vmem>>, vector<16xi32>,
        tpu.vector_store %arg14[%swap3A_206], %and3A_205 {strides = array<i32>} : memref<128xi32, #tpu.memory_space<vmem>>, vector<16xi32>,
        %shift_right_logical3A_208 = arith.constant 17 : i32
        %shift_right_logical3A_209 = vector.broadcast %shift_right_logical3A_208 : i32 to vector<16xi32>
        %shift_right_logical3A_210 = arith.shrui %get3A_202, %shift_right_logical3A_209 : vector<16xi32>
        %swap3A_211 = arith.constant 96 : index
        %swap3A_212 = tpu.vector_load %arg16[%swap3A_211] {strides = array<i32>} : memref<128xi32, #tpu.memory_space<vmem>>, vector<16xi32>,
        tpu.vector_store %arg16[%swap3A_211], %shift_right_logical3A_210 {strides = array<i32>} : memref<128xi32, #tpu.memory_space<vmem>>, vector<16xi32>,
        %mul3A_213 = arith.constant 128 : i32
        %mul3A_214 = arith.muli %while3A_103, %mul3A_213 : i32
        %add3A_215 = arith.constant 112 : i32
        %add3A_216 = arith.addi %mul3A_214, %add3A_215 : i32
        %get3A_217 = arith.index_cast %add3A_216 : i32 to index
        %get3A_218 = tpu.vector_load %arg13[%get3A_217] {strides = array<i32>} : memref<16640xi32, #tpu.memory_space<vmem>>, vector<16xi32>,
        %and3A_219 = arith.constant 131071 : i32
        %and3A_220 = vector.broadcast %and3A_219 : i32 to vector<16xi32>
        %and3A_221 = arith.andi %get3A_218, %and3A_220 : vector<16xi32>
        %swap3A_222 = arith.constant 112 : index
        %swap3A_223 = tpu.vector_load %arg14[%swap3A_222] {strides = array<i32>} : memref<128xi32, #tpu.memory_space<vmem>>, vector<16xi32>,
        tpu.vector_store %arg14[%swap3A_222], %and3A_221 {strides = array<i32>} : memref<128xi32, #tpu.memory_space<vmem>>, vector<16xi32>,
        %shift_right_logical3A_224 = arith.constant 17 : i32
        %shift_right_logical3A_225 = vector.broadcast %shift_right_logical3A_224 : i32 to vector<16xi32>
        %shift_right_logical3A_226 = arith.shrui %get3A_218, %shift_right_logical3A_225 : vector<16xi32>
        %swap3A_227 = arith.constant 112 : index
        %swap3A_228 = tpu.vector_load %arg16[%swap3A_227] {strides = array<i32>} : memref<128xi32, #tpu.memory_space<vmem>>, vector<16xi32>,
        tpu.vector_store %arg16[%swap3A_227], %shift_right_logical3A_226 {strides = array<i32>} : memref<128xi32, #tpu.memory_space<vmem>>, vector<16xi32>,
        %dma_start3A = arith.constant 0 : i32
        %dma_start3A_229 = arith.constant 0 : i32
        %dma_start3A_230 = tpu.memref_slice %arg4[%dma_start3A, %dma_start3A_229] : memref<131072x128xf32, #tpu.memory_space<hbm>> -> memref<131072x128xf32, #tpu.memory_space<hbm>>
        tpu.enqueue_indirect_dma source(%dma_start3A_230 : memref<131072x128xf32, #tpu.memory_space<hbm>>) target(%arg18 : memref<128x128xf32, #tpu.memory_space<vmem>>) offsets(%arg14 : memref<128xi32, #tpu.memory_space<vmem>>) semaphore(%arg24 : memref<!tpu.dma_semaphore, #tpu.memory_space<semaphore_mem>>)
        %dma_wait3A = arith.constant 0 : i32
        %dma_wait3A_231 = arith.constant 0 : i32
        %dma_wait3A_232 = tpu.memref_slice %arg4[%dma_wait3A, %dma_wait3A_231] : memref<131072x128xf32, #tpu.memory_space<hbm>> -> memref<131072x128xf32, #tpu.memory_space<hbm>>
        tpu.wait_indirect_dma semaphore(%arg24 : memref<!tpu.dma_semaphore, #tpu.memory_space<semaphore_mem>>) src(%dma_wait3A_232 : memref<131072x128xf32, #tpu.memory_space<hbm>>) dst(%arg18 : memref<128x128xf32, #tpu.memory_space<vmem>>)
        %dma_start3A_233 = arith.constant 0 : i32
        %dma_start3A_234 = arith.constant 0 : i32
        %dma_start3A_235 = tpu.memref_slice %arg22[%dma_start3A_233, %dma_start3A_234] : memref<2064x128xf32, #tpu.memory_space<vmem_shared>> -> memref<2064x128xf32, #tpu.memory_space<vmem_shared>>
        tpu.enqueue_indirect_dma source(%arg18 : memref<128x128xf32, #tpu.memory_space<vmem>>) target(%dma_start3A_235 : memref<2064x128xf32, #tpu.memory_space<vmem_shared>>) offsets(%arg16 : memref<128xi32, #tpu.memory_space<vmem>>) semaphore(%arg26 : memref<!tpu.dma_semaphore, #tpu.memory_space<semaphore_mem>>) {add = true}
        %dma_wait3A_236 = arith.constant 0 : i32
        %dma_wait3A_237 = arith.constant 0 : i32
        %dma_wait3A_238 = tpu.memref_slice %arg22[%dma_wait3A_236, %dma_wait3A_237] : memref<2064x128xf32, #tpu.memory_space<vmem_shared>> -> memref<2064x128xf32, #tpu.memory_space<vmem_shared>>
        tpu.wait_indirect_dma semaphore(%arg26 : memref<!tpu.dma_semaphore, #tpu.memory_space<semaphore_mem>>) src(%arg18 : memref<128x128xf32, #tpu.memory_space<vmem>>) dst(%dma_wait3A_238 : memref<2064x128xf32, #tpu.memory_space<vmem_shared>>)
        %add3A_239 = arith.constant 1 : i32
        %add3A_240 = arith.addi %while3A_103, %add3A_239 : i32
        scf.yield %add3A_240 : i32
      }
      %barrier3A_77 = arith.constant 0 : index
      tpu.barrier barrier_id(%barrier3A_77)
      %mul3A_78 = arith.constant 2048 : i32
      %mul3A_79 = arith.muli %add3A_41, %mul3A_78 : i32
      %add3A_80 = arith.addi %mul3A_79, %mul3A_27 : i32
      "tpu.region"() ({
        %run_scoped3A = tpu.sem_alloc : memref<!tpu.dma_semaphore, #tpu.memory_space<semaphore_mem>>
        %dma_start3A = arith.constant 0 : i32
        %dma_start3A_103 = tpu.memref_slice %arg8[%add3A_80, %dma_start3A] : memref<65536x128xf32, #tpu.memory_space<hbm>> -> memref<128x128xf32, #tpu.memory_space<hbm>>
        %dma_start3A_104 = arith.constant 0 : i32
        %dma_start3A_105 = tpu.memref_slice %arg22[%mul3A_27, %dma_start3A_104] : memref<2064x128xf32, #tpu.memory_space<vmem_shared>> -> memref<128x128xf32, #tpu.memory_space<vmem_shared>>
        tpu.enqueue_dma source(%dma_start3A_105 : memref<128x128xf32, #tpu.memory_space<vmem_shared>>) target(%dma_start3A_103 : memref<128x128xf32, #tpu.memory_space<hbm>>) target_semaphore(%run_scoped3A : memref<!tpu.dma_semaphore, #tpu.memory_space<semaphore_mem>>)
        %dma_wait3A = arith.constant 0 : i32
        %dma_wait3A_106 = tpu.memref_slice %arg8[%add3A_80, %dma_wait3A] : memref<65536x128xf32, #tpu.memory_space<hbm>> -> memref<128x128xf32, #tpu.memory_space<hbm>>
        %dma_wait3A_107 = arith.constant 0 : i32
        %dma_wait3A_108 = tpu.memref_slice %arg22[%mul3A_27, %dma_wait3A_107] : memref<2064x128xf32, #tpu.memory_space<vmem_shared>> -> memref<128x128xf32, #tpu.memory_space<vmem_shared>>
        tpu.wait_dma2 semaphore(%run_scoped3A : memref<!tpu.dma_semaphore, #tpu.memory_space<semaphore_mem>>) src(%dma_wait3A_108 : memref<128x128xf32, #tpu.memory_space<vmem_shared>>) dst(%dma_wait3A_106 : memref<128x128xf32, #tpu.memory_space<hbm>>)
        tpu.yield
      }) : () -> ()
      %add3A_81 = arith.constant 0 : i32
      %add3A_82 = arith.addi %mul3A_27, %add3A_81 : i32
      "tpu.region"() ({
        %run_scoped3A = tpu.sem_alloc : memref<!tpu.dma_semaphore, #tpu.memory_space<semaphore_mem>>
        %dma_start3A = arith.constant 0 : i32
        %dma_start3A_103 = tpu.memref_slice %arg22[%add3A_82, %dma_start3A] : memref<2064x128xf32, #tpu.memory_space<vmem_shared>> -> memref<64x128xf32, #tpu.memory_space<vmem_shared>>
        %dma_start3A_104 = arith.constant 0 : i32
        %dma_start3A_105 = tpu.memref_slice %arg22[%add3A_82, %dma_start3A_104] : memref<2064x128xf32, #tpu.memory_space<vmem_shared>> -> memref<64x128xf32, #tpu.memory_space<vmem_shared>>
        tpu.enqueue_dma source(%arg21 : memref<64x128xf32, #tpu.memory_space<vmem>>) target(%dma_start3A_105 : memref<64x128xf32, #tpu.memory_space<vmem_shared>>) target_semaphore(%run_scoped3A : memref<!tpu.dma_semaphore, #tpu.memory_space<semaphore_mem>>)
        %dma_wait3A = arith.constant 0 : i32
        %dma_wait3A_106 = tpu.memref_slice %arg22[%add3A_82, %dma_wait3A] : memref<2064x128xf32, #tpu.memory_space<vmem_shared>> -> memref<64x128xf32, #tpu.memory_space<vmem_shared>>
        %dma_wait3A_107 = arith.constant 0 : i32
        %dma_wait3A_108 = tpu.memref_slice %arg22[%add3A_82, %dma_wait3A_107] : memref<2064x128xf32, #tpu.memory_space<vmem_shared>> -> memref<64x128xf32, #tpu.memory_space<vmem_shared>>
        tpu.wait_dma2 semaphore(%run_scoped3A : memref<!tpu.dma_semaphore, #tpu.memory_space<semaphore_mem>>) src(%arg21 : memref<64x128xf32, #tpu.memory_space<vmem>>) dst(%dma_wait3A_108 : memref<64x128xf32, #tpu.memory_space<vmem_shared>>)
        tpu.yield
      }) : () -> ()
      %add3A_83 = arith.constant 64 : i32
      %add3A_84 = arith.addi %mul3A_27, %add3A_83 : i32
      "tpu.region"() ({
        %run_scoped3A = tpu.sem_alloc : memref<!tpu.dma_semaphore, #tpu.memory_space<semaphore_mem>>
        %dma_start3A = arith.constant 0 : i32
        %dma_start3A_103 = tpu.memref_slice %arg22[%add3A_84, %dma_start3A] : memref<2064x128xf32, #tpu.memory_space<vmem_shared>> -> memref<64x128xf32, #tpu.memory_space<vmem_shared>>
        %dma_start3A_104 = arith.constant 0 : i32
        %dma_start3A_105 = tpu.memref_slice %arg22[%add3A_84, %dma_start3A_104] : memref<2064x128xf32, #tpu.memory_space<vmem_shared>> -> memref<64x128xf32, #tpu.memory_space<vmem_shared>>
        tpu.enqueue_dma source(%arg21 : memref<64x128xf32, #tpu.memory_space<vmem>>) target(%dma_start3A_105 : memref<64x128xf32, #tpu.memory_space<vmem_shared>>) target_semaphore(%run_scoped3A : memref<!tpu.dma_semaphore, #tpu.memory_space<semaphore_mem>>)
        %dma_wait3A = arith.constant 0 : i32
        %dma_wait3A_106 = tpu.memref_slice %arg22[%add3A_84, %dma_wait3A] : memref<2064x128xf32, #tpu.memory_space<vmem_shared>> -> memref<64x128xf32, #tpu.memory_space<vmem_shared>>
        %dma_wait3A_107 = arith.constant 0 : i32
        %dma_wait3A_108 = tpu.memref_slice %arg22[%add3A_84, %dma_wait3A_107] : memref<2064x128xf32, #tpu.memory_space<vmem_shared>> -> memref<64x128xf32, #tpu.memory_space<vmem_shared>>
        tpu.wait_dma2 semaphore(%run_scoped3A : memref<!tpu.dma_semaphore, #tpu.memory_space<semaphore_mem>>) src(%arg21 : memref<64x128xf32, #tpu.memory_space<vmem>>) dst(%dma_wait3A_108 : memref<64x128xf32, #tpu.memory_space<vmem_shared>>)
        tpu.yield
      }) : () -> ()
      %barrier3A_85 = arith.constant 0 : index
      tpu.barrier barrier_id(%barrier3A_85)
      %while3A_86 = arith.constant 0 : i32
      %while3A_87 = scf.while (%while3A_103 = %while3A_86) : (i32) -> i32 {
        %lt3A = vector.broadcast %while3A_103 : i32 to vector<16xi32>
        %lt3A_104 = arith.cmpi slt, %lt3A, %shift_right_logical3A_55 : vector<16xi32>
        %reduce_or3A = arith.constant 1.000000e+00 : f32
        %reduce_or3A_105 = arith.constant 0.000000e+00 : f32
        %reduce_or3A_106 = vector.broadcast %reduce_or3A : f32 to vector<16xf32>
        %reduce_or3A_107 = vector.broadcast %reduce_or3A_105 : f32 to vector<16xf32>
        %reduce_or3A_108 = arith.select %lt3A_104, %reduce_or3A_106, %reduce_or3A_107 : vector<16xi1>, vector<16xf32>
        %reduce_or3A_109 = arith.constant true
        %reduce_or3A_110 = vector.broadcast %reduce_or3A_109 : i1 to vector<16xi1>
        %reduce_or3A_111 = tpu.scan <max>, %reduce_or3A_108 masked %reduce_or3A_110 : vector<16xf32>, vector<16xi1> -> vector<16xf32>
        %reduce_or3A_112 = vector.extract %reduce_or3A_111[15] : f32 from vector<16xf32>
        %reduce_or3A_113 = arith.constant 0.000000e+00 : f32
        %reduce_or3A_114 = arith.cmpf ogt, %reduce_or3A_112, %reduce_or3A_113 : f32
        scf.condition(%reduce_or3A_114) %while3A_103 : i32
      } do {
      ^bb0(%while3A_103: i32):
        %mul3A_104 = arith.constant 128 : i32
        %mul3A_105 = arith.muli %while3A_103, %mul3A_104 : i32
        %add3A_106 = arith.constant 0 : i32
        %add3A_107 = arith.addi %mul3A_105, %add3A_106 : i32
        %get3A = arith.index_cast %add3A_107 : i32 to index
        %get3A_108 = tpu.vector_load %arg13[%get3A] {strides = array<i32>} : memref<16640xi32, #tpu.memory_space<vmem>>, vector<16xi32>,
        %and3A = arith.constant 131071 : i32
        %and3A_109 = vector.broadcast %and3A : i32 to vector<16xi32>
        %and3A_110 = arith.andi %get3A_108, %and3A_109 : vector<16xi32>
        %add3A_111 = vector.broadcast %select_n3A_23 : i32 to vector<16xi32>
        %add3A_112 = arith.addi %and3A_110, %add3A_111 : vector<16xi32>
        %swap3A = arith.constant 0 : index
        %swap3A_113 = tpu.vector_load %arg14[%swap3A] {strides = array<i32>} : memref<128xi32, #tpu.memory_space<vmem>>, vector<16xi32>,
        tpu.vector_store %arg14[%swap3A], %add3A_112 {strides = array<i32>} : memref<128xi32, #tpu.memory_space<vmem>>, vector<16xi32>,
        %shift_right_logical3A_114 = arith.constant 17 : i32
        %shift_right_logical3A_115 = vector.broadcast %shift_right_logical3A_114 : i32 to vector<16xi32>
        %shift_right_logical3A_116 = arith.shrui %get3A_108, %shift_right_logical3A_115 : vector<16xi32>
        %swap3A_117 = arith.constant 0 : index
        %swap3A_118 = tpu.vector_load %arg16[%swap3A_117] {strides = array<i32>} : memref<128xi32, #tpu.memory_space<vmem>>, vector<16xi32>,
        tpu.vector_store %arg16[%swap3A_117], %shift_right_logical3A_116 {strides = array<i32>} : memref<128xi32, #tpu.memory_space<vmem>>, vector<16xi32>,
        %mul3A_119 = arith.constant 128 : i32
        %mul3A_120 = arith.muli %while3A_103, %mul3A_119 : i32
        %add3A_121 = arith.constant 16 : i32
        %add3A_122 = arith.addi %mul3A_120, %add3A_121 : i32
        %get3A_123 = arith.index_cast %add3A_122 : i32 to index
        %get3A_124 = tpu.vector_load %arg13[%get3A_123] {strides = array<i32>} : memref<16640xi32, #tpu.memory_space<vmem>>, vector<16xi32>,
        %and3A_125 = arith.constant 131071 : i32
        %and3A_126 = vector.broadcast %and3A_125 : i32 to vector<16xi32>
        %and3A_127 = arith.andi %get3A_124, %and3A_126 : vector<16xi32>
        %add3A_128 = vector.broadcast %select_n3A_23 : i32 to vector<16xi32>
        %add3A_129 = arith.addi %and3A_127, %add3A_128 : vector<16xi32>
        %swap3A_130 = arith.constant 16 : index
        %swap3A_131 = tpu.vector_load %arg14[%swap3A_130] {strides = array<i32>} : memref<128xi32, #tpu.memory_space<vmem>>, vector<16xi32>,
        tpu.vector_store %arg14[%swap3A_130], %add3A_129 {strides = array<i32>} : memref<128xi32, #tpu.memory_space<vmem>>, vector<16xi32>,
        %shift_right_logical3A_132 = arith.constant 17 : i32
        %shift_right_logical3A_133 = vector.broadcast %shift_right_logical3A_132 : i32 to vector<16xi32>
        %shift_right_logical3A_134 = arith.shrui %get3A_124, %shift_right_logical3A_133 : vector<16xi32>
        %swap3A_135 = arith.constant 16 : index
        %swap3A_136 = tpu.vector_load %arg16[%swap3A_135] {strides = array<i32>} : memref<128xi32, #tpu.memory_space<vmem>>, vector<16xi32>,
        tpu.vector_store %arg16[%swap3A_135], %shift_right_logical3A_134 {strides = array<i32>} : memref<128xi32, #tpu.memory_space<vmem>>, vector<16xi32>,
        %mul3A_137 = arith.constant 128 : i32
        %mul3A_138 = arith.muli %while3A_103, %mul3A_137 : i32
        %add3A_139 = arith.constant 32 : i32
        %add3A_140 = arith.addi %mul3A_138, %add3A_139 : i32
        %get3A_141 = arith.index_cast %add3A_140 : i32 to index
        %get3A_142 = tpu.vector_load %arg13[%get3A_141] {strides = array<i32>} : memref<16640xi32, #tpu.memory_space<vmem>>, vector<16xi32>,
        %and3A_143 = arith.constant 131071 : i32
        %and3A_144 = vector.broadcast %and3A_143 : i32 to vector<16xi32>
        %and3A_145 = arith.andi %get3A_142, %and3A_144 : vector<16xi32>
        %add3A_146 = vector.broadcast %select_n3A_23 : i32 to vector<16xi32>
        %add3A_147 = arith.addi %and3A_145, %add3A_146 : vector<16xi32>
        %swap3A_148 = arith.constant 32 : index
        %swap3A_149 = tpu.vector_load %arg14[%swap3A_148] {strides = array<i32>} : memref<128xi32, #tpu.memory_space<vmem>>, vector<16xi32>,
        tpu.vector_store %arg14[%swap3A_148], %add3A_147 {strides = array<i32>} : memref<128xi32, #tpu.memory_space<vmem>>, vector<16xi32>,
        %shift_right_logical3A_150 = arith.constant 17 : i32
        %shift_right_logical3A_151 = vector.broadcast %shift_right_logical3A_150 : i32 to vector<16xi32>
        %shift_right_logical3A_152 = arith.shrui %get3A_142, %shift_right_logical3A_151 : vector<16xi32>
        %swap3A_153 = arith.constant 32 : index
        %swap3A_154 = tpu.vector_load %arg16[%swap3A_153] {strides = array<i32>} : memref<128xi32, #tpu.memory_space<vmem>>, vector<16xi32>,
        tpu.vector_store %arg16[%swap3A_153], %shift_right_logical3A_152 {strides = array<i32>} : memref<128xi32, #tpu.memory_space<vmem>>, vector<16xi32>,
        %mul3A_155 = arith.constant 128 : i32
        %mul3A_156 = arith.muli %while3A_103, %mul3A_155 : i32
        %add3A_157 = arith.constant 48 : i32
        %add3A_158 = arith.addi %mul3A_156, %add3A_157 : i32
        %get3A_159 = arith.index_cast %add3A_158 : i32 to index
        %get3A_160 = tpu.vector_load %arg13[%get3A_159] {strides = array<i32>} : memref<16640xi32, #tpu.memory_space<vmem>>, vector<16xi32>,
        %and3A_161 = arith.constant 131071 : i32
        %and3A_162 = vector.broadcast %and3A_161 : i32 to vector<16xi32>
        %and3A_163 = arith.andi %get3A_160, %and3A_162 : vector<16xi32>
        %add3A_164 = vector.broadcast %select_n3A_23 : i32 to vector<16xi32>
        %add3A_165 = arith.addi %and3A_163, %add3A_164 : vector<16xi32>
        %swap3A_166 = arith.constant 48 : index
        %swap3A_167 = tpu.vector_load %arg14[%swap3A_166] {strides = array<i32>} : memref<128xi32, #tpu.memory_space<vmem>>, vector<16xi32>,
        tpu.vector_store %arg14[%swap3A_166], %add3A_165 {strides = array<i32>} : memref<128xi32, #tpu.memory_space<vmem>>, vector<16xi32>,
        %shift_right_logical3A_168 = arith.constant 17 : i32
        %shift_right_logical3A_169 = vector.broadcast %shift_right_logical3A_168 : i32 to vector<16xi32>
        %shift_right_logical3A_170 = arith.shrui %get3A_160, %shift_right_logical3A_169 : vector<16xi32>
        %swap3A_171 = arith.constant 48 : index
        %swap3A_172 = tpu.vector_load %arg16[%swap3A_171] {strides = array<i32>} : memref<128xi32, #tpu.memory_space<vmem>>, vector<16xi32>,
        tpu.vector_store %arg16[%swap3A_171], %shift_right_logical3A_170 {strides = array<i32>} : memref<128xi32, #tpu.memory_space<vmem>>, vector<16xi32>,
        %mul3A_173 = arith.constant 128 : i32
        %mul3A_174 = arith.muli %while3A_103, %mul3A_173 : i32
        %add3A_175 = arith.constant 64 : i32
        %add3A_176 = arith.addi %mul3A_174, %add3A_175 : i32
        %get3A_177 = arith.index_cast %add3A_176 : i32 to index
        %get3A_178 = tpu.vector_load %arg13[%get3A_177] {strides = array<i32>} : memref<16640xi32, #tpu.memory_space<vmem>>, vector<16xi32>,
        %and3A_179 = arith.constant 131071 : i32
        %and3A_180 = vector.broadcast %and3A_179 : i32 to vector<16xi32>
        %and3A_181 = arith.andi %get3A_178, %and3A_180 : vector<16xi32>
        %add3A_182 = vector.broadcast %select_n3A_23 : i32 to vector<16xi32>
        %add3A_183 = arith.addi %and3A_181, %add3A_182 : vector<16xi32>
        %swap3A_184 = arith.constant 64 : index
        %swap3A_185 = tpu.vector_load %arg14[%swap3A_184] {strides = array<i32>} : memref<128xi32, #tpu.memory_space<vmem>>, vector<16xi32>,
        tpu.vector_store %arg14[%swap3A_184], %add3A_183 {strides = array<i32>} : memref<128xi32, #tpu.memory_space<vmem>>, vector<16xi32>,
        %shift_right_logical3A_186 = arith.constant 17 : i32
        %shift_right_logical3A_187 = vector.broadcast %shift_right_logical3A_186 : i32 to vector<16xi32>
        %shift_right_logical3A_188 = arith.shrui %get3A_178, %shift_right_logical3A_187 : vector<16xi32>
        %swap3A_189 = arith.constant 64 : index
        %swap3A_190 = tpu.vector_load %arg16[%swap3A_189] {strides = array<i32>} : memref<128xi32, #tpu.memory_space<vmem>>, vector<16xi32>,
        tpu.vector_store %arg16[%swap3A_189], %shift_right_logical3A_188 {strides = array<i32>} : memref<128xi32, #tpu.memory_space<vmem>>, vector<16xi32>,
        %mul3A_191 = arith.constant 128 : i32
        %mul3A_192 = arith.muli %while3A_103, %mul3A_191 : i32
        %add3A_193 = arith.constant 80 : i32
        %add3A_194 = arith.addi %mul3A_192, %add3A_193 : i32
        %get3A_195 = arith.index_cast %add3A_194 : i32 to index
        %get3A_196 = tpu.vector_load %arg13[%get3A_195] {strides = array<i32>} : memref<16640xi32, #tpu.memory_space<vmem>>, vector<16xi32>,
        %and3A_197 = arith.constant 131071 : i32
        %and3A_198 = vector.broadcast %and3A_197 : i32 to vector<16xi32>
        %and3A_199 = arith.andi %get3A_196, %and3A_198 : vector<16xi32>
        %add3A_200 = vector.broadcast %select_n3A_23 : i32 to vector<16xi32>
        %add3A_201 = arith.addi %and3A_199, %add3A_200 : vector<16xi32>
        %swap3A_202 = arith.constant 80 : index
        %swap3A_203 = tpu.vector_load %arg14[%swap3A_202] {strides = array<i32>} : memref<128xi32, #tpu.memory_space<vmem>>, vector<16xi32>,
        tpu.vector_store %arg14[%swap3A_202], %add3A_201 {strides = array<i32>} : memref<128xi32, #tpu.memory_space<vmem>>, vector<16xi32>,
        %shift_right_logical3A_204 = arith.constant 17 : i32
        %shift_right_logical3A_205 = vector.broadcast %shift_right_logical3A_204 : i32 to vector<16xi32>
        %shift_right_logical3A_206 = arith.shrui %get3A_196, %shift_right_logical3A_205 : vector<16xi32>
        %swap3A_207 = arith.constant 80 : index
        %swap3A_208 = tpu.vector_load %arg16[%swap3A_207] {strides = array<i32>} : memref<128xi32, #tpu.memory_space<vmem>>, vector<16xi32>,
        tpu.vector_store %arg16[%swap3A_207], %shift_right_logical3A_206 {strides = array<i32>} : memref<128xi32, #tpu.memory_space<vmem>>, vector<16xi32>,
        %mul3A_209 = arith.constant 128 : i32
        %mul3A_210 = arith.muli %while3A_103, %mul3A_209 : i32
        %add3A_211 = arith.constant 96 : i32
        %add3A_212 = arith.addi %mul3A_210, %add3A_211 : i32
        %get3A_213 = arith.index_cast %add3A_212 : i32 to index
        %get3A_214 = tpu.vector_load %arg13[%get3A_213] {strides = array<i32>} : memref<16640xi32, #tpu.memory_space<vmem>>, vector<16xi32>,
        %and3A_215 = arith.constant 131071 : i32
        %and3A_216 = vector.broadcast %and3A_215 : i32 to vector<16xi32>
        %and3A_217 = arith.andi %get3A_214, %and3A_216 : vector<16xi32>
        %add3A_218 = vector.broadcast %select_n3A_23 : i32 to vector<16xi32>
        %add3A_219 = arith.addi %and3A_217, %add3A_218 : vector<16xi32>
        %swap3A_220 = arith.constant 96 : index
        %swap3A_221 = tpu.vector_load %arg14[%swap3A_220] {strides = array<i32>} : memref<128xi32, #tpu.memory_space<vmem>>, vector<16xi32>,
        tpu.vector_store %arg14[%swap3A_220], %add3A_219 {strides = array<i32>} : memref<128xi32, #tpu.memory_space<vmem>>, vector<16xi32>,
        %shift_right_logical3A_222 = arith.constant 17 : i32
        %shift_right_logical3A_223 = vector.broadcast %shift_right_logical3A_222 : i32 to vector<16xi32>
        %shift_right_logical3A_224 = arith.shrui %get3A_214, %shift_right_logical3A_223 : vector<16xi32>
        %swap3A_225 = arith.constant 96 : index
        %swap3A_226 = tpu.vector_load %arg16[%swap3A_225] {strides = array<i32>} : memref<128xi32, #tpu.memory_space<vmem>>, vector<16xi32>,
        tpu.vector_store %arg16[%swap3A_225], %shift_right_logical3A_224 {strides = array<i32>} : memref<128xi32, #tpu.memory_space<vmem>>, vector<16xi32>,
        %mul3A_227 = arith.constant 128 : i32
        %mul3A_228 = arith.muli %while3A_103, %mul3A_227 : i32
        %add3A_229 = arith.constant 112 : i32
        %add3A_230 = arith.addi %mul3A_228, %add3A_229 : i32
        %get3A_231 = arith.index_cast %add3A_230 : i32 to index
        %get3A_232 = tpu.vector_load %arg13[%get3A_231] {strides = array<i32>} : memref<16640xi32, #tpu.memory_space<vmem>>, vector<16xi32>,
        %and3A_233 = arith.constant 131071 : i32
        %and3A_234 = vector.broadcast %and3A_233 : i32 to vector<16xi32>
        %and3A_235 = arith.andi %get3A_232, %and3A_234 : vector<16xi32>
        %add3A_236 = vector.broadcast %select_n3A_23 : i32 to vector<16xi32>
        %add3A_237 = arith.addi %and3A_235, %add3A_236 : vector<16xi32>
        %swap3A_238 = arith.constant 112 : index
        %swap3A_239 = tpu.vector_load %arg14[%swap3A_238] {strides = array<i32>} : memref<128xi32, #tpu.memory_space<vmem>>, vector<16xi32>,
        tpu.vector_store %arg14[%swap3A_238], %add3A_237 {strides = array<i32>} : memref<128xi32, #tpu.memory_space<vmem>>, vector<16xi32>,
        %shift_right_logical3A_240 = arith.constant 17 : i32
        %shift_right_logical3A_241 = vector.broadcast %shift_right_logical3A_240 : i32 to vector<16xi32>
        %shift_right_logical3A_242 = arith.shrui %get3A_232, %shift_right_logical3A_241 : vector<16xi32>
        %swap3A_243 = arith.constant 112 : index
        %swap3A_244 = tpu.vector_load %arg16[%swap3A_243] {strides = array<i32>} : memref<128xi32, #tpu.memory_space<vmem>>, vector<16xi32>,
        tpu.vector_store %arg16[%swap3A_243], %shift_right_logical3A_242 {strides = array<i32>} : memref<128xi32, #tpu.memory_space<vmem>>, vector<16xi32>,
        %dma_start3A = arith.constant 0 : i32
        %dma_start3A_245 = arith.constant 0 : i32
        %dma_start3A_246 = tpu.memref_slice %arg5[%dma_start3A, %dma_start3A_245] : memref<262144x128xf32, #tpu.memory_space<hbm>> -> memref<262144x128xf32, #tpu.memory_space<hbm>>
        tpu.enqueue_indirect_dma source(%dma_start3A_246 : memref<262144x128xf32, #tpu.memory_space<hbm>>) target(%arg18 : memref<128x128xf32, #tpu.memory_space<vmem>>) offsets(%arg14 : memref<128xi32, #tpu.memory_space<vmem>>) semaphore(%arg24 : memref<!tpu.dma_semaphore, #tpu.memory_space<semaphore_mem>>)
        %dma_wait3A = arith.constant 0 : i32
        %dma_wait3A_247 = arith.constant 0 : i32
        %dma_wait3A_248 = tpu.memref_slice %arg5[%dma_wait3A, %dma_wait3A_247] : memref<262144x128xf32, #tpu.memory_space<hbm>> -> memref<262144x128xf32, #tpu.memory_space<hbm>>
        tpu.wait_indirect_dma semaphore(%arg24 : memref<!tpu.dma_semaphore, #tpu.memory_space<semaphore_mem>>) src(%dma_wait3A_248 : memref<262144x128xf32, #tpu.memory_space<hbm>>) dst(%arg18 : memref<128x128xf32, #tpu.memory_space<vmem>>)
        %dma_start3A_249 = arith.constant 0 : i32
        %dma_start3A_250 = arith.constant 0 : i32
        %dma_start3A_251 = tpu.memref_slice %arg22[%dma_start3A_249, %dma_start3A_250] : memref<2064x128xf32, #tpu.memory_space<vmem_shared>> -> memref<2064x128xf32, #tpu.memory_space<vmem_shared>>
        tpu.enqueue_indirect_dma source(%arg18 : memref<128x128xf32, #tpu.memory_space<vmem>>) target(%dma_start3A_251 : memref<2064x128xf32, #tpu.memory_space<vmem_shared>>) offsets(%arg16 : memref<128xi32, #tpu.memory_space<vmem>>) semaphore(%arg26 : memref<!tpu.dma_semaphore, #tpu.memory_space<semaphore_mem>>) {add = true}
        %dma_wait3A_252 = arith.constant 0 : i32
        %dma_wait3A_253 = arith.constant 0 : i32
        %dma_wait3A_254 = tpu.memref_slice %arg22[%dma_wait3A_252, %dma_wait3A_253] : memref<2064x128xf32, #tpu.memory_space<vmem_shared>> -> memref<2064x128xf32, #tpu.memory_space<vmem_shared>>
        tpu.wait_indirect_dma semaphore(%arg26 : memref<!tpu.dma_semaphore, #tpu.memory_space<semaphore_mem>>) src(%arg18 : memref<128x128xf32, #tpu.memory_space<vmem>>) dst(%dma_wait3A_254 : memref<2064x128xf32, #tpu.memory_space<vmem_shared>>)
        %add3A_255 = arith.constant 1 : i32
        %add3A_256 = arith.addi %while3A_103, %add3A_255 : i32
        scf.yield %add3A_256 : i32
      }
      %barrier3A_88 = arith.constant 0 : index
      tpu.barrier barrier_id(%barrier3A_88)
      %mul3A_89 = arith.constant 2048 : i32
      %mul3A_90 = arith.muli %add3A_41, %mul3A_89 : i32
      %add3A_91 = arith.addi %mul3A_90, %mul3A_27 : i32
      "tpu.region"() ({
        %run_scoped3A = tpu.sem_alloc : memref<!tpu.dma_semaphore, #tpu.memory_space<semaphore_mem>>
        %dma_start3A = arith.constant 0 : i32
        %dma_start3A_103 = tpu.memref_slice %arg9[%add3A_91, %dma_start3A] : memref<65536x128xf32, #tpu.memory_space<hbm>> -> memref<128x128xf32, #tpu.memory_space<hbm>>
        %dma_start3A_104 = arith.constant 0 : i32
        %dma_start3A_105 = tpu.memref_slice %arg22[%mul3A_27, %dma_start3A_104] : memref<2064x128xf32, #tpu.memory_space<vmem_shared>> -> memref<128x128xf32, #tpu.memory_space<vmem_shared>>
        tpu.enqueue_dma source(%dma_start3A_105 : memref<128x128xf32, #tpu.memory_space<vmem_shared>>) target(%dma_start3A_103 : memref<128x128xf32, #tpu.memory_space<hbm>>) target_semaphore(%run_scoped3A : memref<!tpu.dma_semaphore, #tpu.memory_space<semaphore_mem>>)
        %dma_wait3A = arith.constant 0 : i32
        %dma_wait3A_106 = tpu.memref_slice %arg9[%add3A_91, %dma_wait3A] : memref<65536x128xf32, #tpu.memory_space<hbm>> -> memref<128x128xf32, #tpu.memory_space<hbm>>
        %dma_wait3A_107 = arith.constant 0 : i32
        %dma_wait3A_108 = tpu.memref_slice %arg22[%mul3A_27, %dma_wait3A_107] : memref<2064x128xf32, #tpu.memory_space<vmem_shared>> -> memref<128x128xf32, #tpu.memory_space<vmem_shared>>
        tpu.wait_dma2 semaphore(%run_scoped3A : memref<!tpu.dma_semaphore, #tpu.memory_space<semaphore_mem>>) src(%dma_wait3A_108 : memref<128x128xf32, #tpu.memory_space<vmem_shared>>) dst(%dma_wait3A_106 : memref<128x128xf32, #tpu.memory_space<hbm>>)
        tpu.yield
      }) : () -> ()
      %add3A_92 = arith.constant 0 : i32
      %add3A_93 = arith.addi %mul3A_27, %add3A_92 : i32
      "tpu.region"() ({
        %run_scoped3A = tpu.sem_alloc : memref<!tpu.dma_semaphore, #tpu.memory_space<semaphore_mem>>
        %dma_start3A = arith.constant 0 : i32
        %dma_start3A_103 = tpu.memref_slice %arg22[%add3A_93, %dma_start3A] : memref<2064x128xf32, #tpu.memory_space<vmem_shared>> -> memref<64x128xf32, #tpu.memory_space<vmem_shared>>
        %dma_start3A_104 = arith.constant 0 : i32
        %dma_start3A_105 = tpu.memref_slice %arg22[%add3A_93, %dma_start3A_104] : memref<2064x128xf32, #tpu.memory_space<vmem_shared>> -> memref<64x128xf32, #tpu.memory_space<vmem_shared>>
        tpu.enqueue_dma source(%arg21 : memref<64x128xf32, #tpu.memory_space<vmem>>) target(%dma_start3A_105 : memref<64x128xf32, #tpu.memory_space<vmem_shared>>) target_semaphore(%run_scoped3A : memref<!tpu.dma_semaphore, #tpu.memory_space<semaphore_mem>>)
        %dma_wait3A = arith.constant 0 : i32
        %dma_wait3A_106 = tpu.memref_slice %arg22[%add3A_93, %dma_wait3A] : memref<2064x128xf32, #tpu.memory_space<vmem_shared>> -> memref<64x128xf32, #tpu.memory_space<vmem_shared>>
        %dma_wait3A_107 = arith.constant 0 : i32
        %dma_wait3A_108 = tpu.memref_slice %arg22[%add3A_93, %dma_wait3A_107] : memref<2064x128xf32, #tpu.memory_space<vmem_shared>> -> memref<64x128xf32, #tpu.memory_space<vmem_shared>>
        tpu.wait_dma2 semaphore(%run_scoped3A : memref<!tpu.dma_semaphore, #tpu.memory_space<semaphore_mem>>) src(%arg21 : memref<64x128xf32, #tpu.memory_space<vmem>>) dst(%dma_wait3A_108 : memref<64x128xf32, #tpu.memory_space<vmem_shared>>)
        tpu.yield
      }) : () -> ()
      %add3A_94 = arith.constant 64 : i32
      %add3A_95 = arith.addi %mul3A_27, %add3A_94 : i32
      "tpu.region"() ({
        %run_scoped3A = tpu.sem_alloc : memref<!tpu.dma_semaphore, #tpu.memory_space<semaphore_mem>>
        %dma_start3A = arith.constant 0 : i32
        %dma_start3A_103 = tpu.memref_slice %arg22[%add3A_95, %dma_start3A] : memref<2064x128xf32, #tpu.memory_space<vmem_shared>> -> memref<64x128xf32, #tpu.memory_space<vmem_shared>>
        %dma_start3A_104 = arith.constant 0 : i32
        %dma_start3A_105 = tpu.memref_slice %arg22[%add3A_95, %dma_start3A_104] : memref<2064x128xf32, #tpu.memory_space<vmem_shared>> -> memref<64x128xf32, #tpu.memory_space<vmem_shared>>
        tpu.enqueue_dma source(%arg21 : memref<64x128xf32, #tpu.memory_space<vmem>>) target(%dma_start3A_105 : memref<64x128xf32, #tpu.memory_space<vmem_shared>>) target_semaphore(%run_scoped3A : memref<!tpu.dma_semaphore, #tpu.memory_space<semaphore_mem>>)
        %dma_wait3A = arith.constant 0 : i32
        %dma_wait3A_106 = tpu.memref_slice %arg22[%add3A_95, %dma_wait3A] : memref<2064x128xf32, #tpu.memory_space<vmem_shared>> -> memref<64x128xf32, #tpu.memory_space<vmem_shared>>
        %dma_wait3A_107 = arith.constant 0 : i32
        %dma_wait3A_108 = tpu.memref_slice %arg22[%add3A_95, %dma_wait3A_107] : memref<2064x128xf32, #tpu.memory_space<vmem_shared>> -> memref<64x128xf32, #tpu.memory_space<vmem_shared>>
        tpu.wait_dma2 semaphore(%run_scoped3A : memref<!tpu.dma_semaphore, #tpu.memory_space<semaphore_mem>>) src(%arg21 : memref<64x128xf32, #tpu.memory_space<vmem>>) dst(%dma_wait3A_108 : memref<64x128xf32, #tpu.memory_space<vmem_shared>>)
        tpu.yield
      }) : () -> ()
      %barrier3A_96 = arith.constant 0 : index
      tpu.barrier barrier_id(%barrier3A_96)
      %while3A_97 = arith.constant 0 : i32
      %while3A_98 = scf.while (%while3A_103 = %while3A_97) : (i32) -> i32 {
        %lt3A = vector.broadcast %while3A_103 : i32 to vector<16xi32>
        %lt3A_104 = arith.cmpi slt, %lt3A, %shift_right_logical3A_55 : vector<16xi32>
        %reduce_or3A = arith.constant 1.000000e+00 : f32
        %reduce_or3A_105 = arith.constant 0.000000e+00 : f32
        %reduce_or3A_106 = vector.broadcast %reduce_or3A : f32 to vector<16xf32>
        %reduce_or3A_107 = vector.broadcast %reduce_or3A_105 : f32 to vector<16xf32>
        %reduce_or3A_108 = arith.select %lt3A_104, %reduce_or3A_106, %reduce_or3A_107 : vector<16xi1>, vector<16xf32>
        %reduce_or3A_109 = arith.constant true
        %reduce_or3A_110 = vector.broadcast %reduce_or3A_109 : i1 to vector<16xi1>
        %reduce_or3A_111 = tpu.scan <max>, %reduce_or3A_108 masked %reduce_or3A_110 : vector<16xf32>, vector<16xi1> -> vector<16xf32>
        %reduce_or3A_112 = vector.extract %reduce_or3A_111[15] : f32 from vector<16xf32>
        %reduce_or3A_113 = arith.constant 0.000000e+00 : f32
        %reduce_or3A_114 = arith.cmpf ogt, %reduce_or3A_112, %reduce_or3A_113 : f32
        scf.condition(%reduce_or3A_114) %while3A_103 : i32
      } do {
      ^bb0(%while3A_103: i32):
        %mul3A_104 = arith.constant 128 : i32
        %mul3A_105 = arith.muli %while3A_103, %mul3A_104 : i32
        %add3A_106 = arith.constant 0 : i32
        %add3A_107 = arith.addi %mul3A_105, %add3A_106 : i32
        %get3A = arith.index_cast %add3A_107 : i32 to index
        %get3A_108 = tpu.vector_load %arg13[%get3A] {strides = array<i32>} : memref<16640xi32, #tpu.memory_space<vmem>>, vector<16xi32>,
        %and3A = arith.constant 131071 : i32
        %and3A_109 = vector.broadcast %and3A : i32 to vector<16xi32>
        %and3A_110 = arith.andi %get3A_108, %and3A_109 : vector<16xi32>
        %add3A_111 = vector.broadcast %select_n3A_23 : i32 to vector<16xi32>
        %add3A_112 = arith.addi %and3A_110, %add3A_111 : vector<16xi32>
        %swap3A = arith.constant 0 : index
        %swap3A_113 = tpu.vector_load %arg14[%swap3A] {strides = array<i32>} : memref<128xi32, #tpu.memory_space<vmem>>, vector<16xi32>,
        tpu.vector_store %arg14[%swap3A], %add3A_112 {strides = array<i32>} : memref<128xi32, #tpu.memory_space<vmem>>, vector<16xi32>,
        %shift_right_logical3A_114 = arith.constant 17 : i32
        %shift_right_logical3A_115 = vector.broadcast %shift_right_logical3A_114 : i32 to vector<16xi32>
        %shift_right_logical3A_116 = arith.shrui %get3A_108, %shift_right_logical3A_115 : vector<16xi32>
        %swap3A_117 = arith.constant 0 : index
        %swap3A_118 = tpu.vector_load %arg16[%swap3A_117] {strides = array<i32>} : memref<128xi32, #tpu.memory_space<vmem>>, vector<16xi32>,
        tpu.vector_store %arg16[%swap3A_117], %shift_right_logical3A_116 {strides = array<i32>} : memref<128xi32, #tpu.memory_space<vmem>>, vector<16xi32>,
        %mul3A_119 = arith.constant 128 : i32
        %mul3A_120 = arith.muli %while3A_103, %mul3A_119 : i32
        %add3A_121 = arith.constant 16 : i32
        %add3A_122 = arith.addi %mul3A_120, %add3A_121 : i32
        %get3A_123 = arith.index_cast %add3A_122 : i32 to index
        %get3A_124 = tpu.vector_load %arg13[%get3A_123] {strides = array<i32>} : memref<16640xi32, #tpu.memory_space<vmem>>, vector<16xi32>,
        %and3A_125 = arith.constant 131071 : i32
        %and3A_126 = vector.broadcast %and3A_125 : i32 to vector<16xi32>
        %and3A_127 = arith.andi %get3A_124, %and3A_126 : vector<16xi32>
        %add3A_128 = vector.broadcast %select_n3A_23 : i32 to vector<16xi32>
        %add3A_129 = arith.addi %and3A_127, %add3A_128 : vector<16xi32>
        %swap3A_130 = arith.constant 16 : index
        %swap3A_131 = tpu.vector_load %arg14[%swap3A_130] {strides = array<i32>} : memref<128xi32, #tpu.memory_space<vmem>>, vector<16xi32>,
        tpu.vector_store %arg14[%swap3A_130], %add3A_129 {strides = array<i32>} : memref<128xi32, #tpu.memory_space<vmem>>, vector<16xi32>,
        %shift_right_logical3A_132 = arith.constant 17 : i32
        %shift_right_logical3A_133 = vector.broadcast %shift_right_logical3A_132 : i32 to vector<16xi32>
        %shift_right_logical3A_134 = arith.shrui %get3A_124, %shift_right_logical3A_133 : vector<16xi32>
        %swap3A_135 = arith.constant 16 : index
        %swap3A_136 = tpu.vector_load %arg16[%swap3A_135] {strides = array<i32>} : memref<128xi32, #tpu.memory_space<vmem>>, vector<16xi32>,
        tpu.vector_store %arg16[%swap3A_135], %shift_right_logical3A_134 {strides = array<i32>} : memref<128xi32, #tpu.memory_space<vmem>>, vector<16xi32>,
        %mul3A_137 = arith.constant 128 : i32
        %mul3A_138 = arith.muli %while3A_103, %mul3A_137 : i32
        %add3A_139 = arith.constant 32 : i32
        %add3A_140 = arith.addi %mul3A_138, %add3A_139 : i32
        %get3A_141 = arith.index_cast %add3A_140 : i32 to index
        %get3A_142 = tpu.vector_load %arg13[%get3A_141] {strides = array<i32>} : memref<16640xi32, #tpu.memory_space<vmem>>, vector<16xi32>,
        %and3A_143 = arith.constant 131071 : i32
        %and3A_144 = vector.broadcast %and3A_143 : i32 to vector<16xi32>
        %and3A_145 = arith.andi %get3A_142, %and3A_144 : vector<16xi32>
        %add3A_146 = vector.broadcast %select_n3A_23 : i32 to vector<16xi32>
        %add3A_147 = arith.addi %and3A_145, %add3A_146 : vector<16xi32>
        %swap3A_148 = arith.constant 32 : index
        %swap3A_149 = tpu.vector_load %arg14[%swap3A_148] {strides = array<i32>} : memref<128xi32, #tpu.memory_space<vmem>>, vector<16xi32>,
        tpu.vector_store %arg14[%swap3A_148], %add3A_147 {strides = array<i32>} : memref<128xi32, #tpu.memory_space<vmem>>, vector<16xi32>,
        %shift_right_logical3A_150 = arith.constant 17 : i32
        %shift_right_logical3A_151 = vector.broadcast %shift_right_logical3A_150 : i32 to vector<16xi32>
        %shift_right_logical3A_152 = arith.shrui %get3A_142, %shift_right_logical3A_151 : vector<16xi32>
        %swap3A_153 = arith.constant 32 : index
        %swap3A_154 = tpu.vector_load %arg16[%swap3A_153] {strides = array<i32>} : memref<128xi32, #tpu.memory_space<vmem>>, vector<16xi32>,
        tpu.vector_store %arg16[%swap3A_153], %shift_right_logical3A_152 {strides = array<i32>} : memref<128xi32, #tpu.memory_space<vmem>>, vector<16xi32>,
        %mul3A_155 = arith.constant 128 : i32
        %mul3A_156 = arith.muli %while3A_103, %mul3A_155 : i32
        %add3A_157 = arith.constant 48 : i32
        %add3A_158 = arith.addi %mul3A_156, %add3A_157 : i32
        %get3A_159 = arith.index_cast %add3A_158 : i32 to index
        %get3A_160 = tpu.vector_load %arg13[%get3A_159] {strides = array<i32>} : memref<16640xi32, #tpu.memory_space<vmem>>, vector<16xi32>,
        %and3A_161 = arith.constant 131071 : i32
        %and3A_162 = vector.broadcast %and3A_161 : i32 to vector<16xi32>
        %and3A_163 = arith.andi %get3A_160, %and3A_162 : vector<16xi32>
        %add3A_164 = vector.broadcast %select_n3A_23 : i32 to vector<16xi32>
        %add3A_165 = arith.addi %and3A_163, %add3A_164 : vector<16xi32>
        %swap3A_166 = arith.constant 48 : index
        %swap3A_167 = tpu.vector_load %arg14[%swap3A_166] {strides = array<i32>} : memref<128xi32, #tpu.memory_space<vmem>>, vector<16xi32>,
        tpu.vector_store %arg14[%swap3A_166], %add3A_165 {strides = array<i32>} : memref<128xi32, #tpu.memory_space<vmem>>, vector<16xi32>,
        %shift_right_logical3A_168 = arith.constant 17 : i32
        %shift_right_logical3A_169 = vector.broadcast %shift_right_logical3A_168 : i32 to vector<16xi32>
        %shift_right_logical3A_170 = arith.shrui %get3A_160, %shift_right_logical3A_169 : vector<16xi32>
        %swap3A_171 = arith.constant 48 : index
        %swap3A_172 = tpu.vector_load %arg16[%swap3A_171] {strides = array<i32>} : memref<128xi32, #tpu.memory_space<vmem>>, vector<16xi32>,
        tpu.vector_store %arg16[%swap3A_171], %shift_right_logical3A_170 {strides = array<i32>} : memref<128xi32, #tpu.memory_space<vmem>>, vector<16xi32>,
        %mul3A_173 = arith.constant 128 : i32
        %mul3A_174 = arith.muli %while3A_103, %mul3A_173 : i32
        %add3A_175 = arith.constant 64 : i32
        %add3A_176 = arith.addi %mul3A_174, %add3A_175 : i32
        %get3A_177 = arith.index_cast %add3A_176 : i32 to index
        %get3A_178 = tpu.vector_load %arg13[%get3A_177] {strides = array<i32>} : memref<16640xi32, #tpu.memory_space<vmem>>, vector<16xi32>,
        %and3A_179 = arith.constant 131071 : i32
        %and3A_180 = vector.broadcast %and3A_179 : i32 to vector<16xi32>
        %and3A_181 = arith.andi %get3A_178, %and3A_180 : vector<16xi32>
        %add3A_182 = vector.broadcast %select_n3A_23 : i32 to vector<16xi32>
        %add3A_183 = arith.addi %and3A_181, %add3A_182 : vector<16xi32>
        %swap3A_184 = arith.constant 64 : index
        %swap3A_185 = tpu.vector_load %arg14[%swap3A_184] {strides = array<i32>} : memref<128xi32, #tpu.memory_space<vmem>>, vector<16xi32>,
        tpu.vector_store %arg14[%swap3A_184], %add3A_183 {strides = array<i32>} : memref<128xi32, #tpu.memory_space<vmem>>, vector<16xi32>,
        %shift_right_logical3A_186 = arith.constant 17 : i32
        %shift_right_logical3A_187 = vector.broadcast %shift_right_logical3A_186 : i32 to vector<16xi32>
        %shift_right_logical3A_188 = arith.shrui %get3A_178, %shift_right_logical3A_187 : vector<16xi32>
        %swap3A_189 = arith.constant 64 : index
        %swap3A_190 = tpu.vector_load %arg16[%swap3A_189] {strides = array<i32>} : memref<128xi32, #tpu.memory_space<vmem>>, vector<16xi32>,
        tpu.vector_store %arg16[%swap3A_189], %shift_right_logical3A_188 {strides = array<i32>} : memref<128xi32, #tpu.memory_space<vmem>>, vector<16xi32>,
        %mul3A_191 = arith.constant 128 : i32
        %mul3A_192 = arith.muli %while3A_103, %mul3A_191 : i32
        %add3A_193 = arith.constant 80 : i32
        %add3A_194 = arith.addi %mul3A_192, %add3A_193 : i32
        %get3A_195 = arith.index_cast %add3A_194 : i32 to index
        %get3A_196 = tpu.vector_load %arg13[%get3A_195] {strides = array<i32>} : memref<16640xi32, #tpu.memory_space<vmem>>, vector<16xi32>,
        %and3A_197 = arith.constant 131071 : i32
        %and3A_198 = vector.broadcast %and3A_197 : i32 to vector<16xi32>
        %and3A_199 = arith.andi %get3A_196, %and3A_198 : vector<16xi32>
        %add3A_200 = vector.broadcast %select_n3A_23 : i32 to vector<16xi32>
        %add3A_201 = arith.addi %and3A_199, %add3A_200 : vector<16xi32>
        %swap3A_202 = arith.constant 80 : index
        %swap3A_203 = tpu.vector_load %arg14[%swap3A_202] {strides = array<i32>} : memref<128xi32, #tpu.memory_space<vmem>>, vector<16xi32>,
        tpu.vector_store %arg14[%swap3A_202], %add3A_201 {strides = array<i32>} : memref<128xi32, #tpu.memory_space<vmem>>, vector<16xi32>,
        %shift_right_logical3A_204 = arith.constant 17 : i32
        %shift_right_logical3A_205 = vector.broadcast %shift_right_logical3A_204 : i32 to vector<16xi32>
        %shift_right_logical3A_206 = arith.shrui %get3A_196, %shift_right_logical3A_205 : vector<16xi32>
        %swap3A_207 = arith.constant 80 : index
        %swap3A_208 = tpu.vector_load %arg16[%swap3A_207] {strides = array<i32>} : memref<128xi32, #tpu.memory_space<vmem>>, vector<16xi32>,
        tpu.vector_store %arg16[%swap3A_207], %shift_right_logical3A_206 {strides = array<i32>} : memref<128xi32, #tpu.memory_space<vmem>>, vector<16xi32>,
        %mul3A_209 = arith.constant 128 : i32
        %mul3A_210 = arith.muli %while3A_103, %mul3A_209 : i32
        %add3A_211 = arith.constant 96 : i32
        %add3A_212 = arith.addi %mul3A_210, %add3A_211 : i32
        %get3A_213 = arith.index_cast %add3A_212 : i32 to index
        %get3A_214 = tpu.vector_load %arg13[%get3A_213] {strides = array<i32>} : memref<16640xi32, #tpu.memory_space<vmem>>, vector<16xi32>,
        %and3A_215 = arith.constant 131071 : i32
        %and3A_216 = vector.broadcast %and3A_215 : i32 to vector<16xi32>
        %and3A_217 = arith.andi %get3A_214, %and3A_216 : vector<16xi32>
        %add3A_218 = vector.broadcast %select_n3A_23 : i32 to vector<16xi32>
        %add3A_219 = arith.addi %and3A_217, %add3A_218 : vector<16xi32>
        %swap3A_220 = arith.constant 96 : index
        %swap3A_221 = tpu.vector_load %arg14[%swap3A_220] {strides = array<i32>} : memref<128xi32, #tpu.memory_space<vmem>>, vector<16xi32>,
        tpu.vector_store %arg14[%swap3A_220], %add3A_219 {strides = array<i32>} : memref<128xi32, #tpu.memory_space<vmem>>, vector<16xi32>,
        %shift_right_logical3A_222 = arith.constant 17 : i32
        %shift_right_logical3A_223 = vector.broadcast %shift_right_logical3A_222 : i32 to vector<16xi32>
        %shift_right_logical3A_224 = arith.shrui %get3A_214, %shift_right_logical3A_223 : vector<16xi32>
        %swap3A_225 = arith.constant 96 : index
        %swap3A_226 = tpu.vector_load %arg16[%swap3A_225] {strides = array<i32>} : memref<128xi32, #tpu.memory_space<vmem>>, vector<16xi32>,
        tpu.vector_store %arg16[%swap3A_225], %shift_right_logical3A_224 {strides = array<i32>} : memref<128xi32, #tpu.memory_space<vmem>>, vector<16xi32>,
        %mul3A_227 = arith.constant 128 : i32
        %mul3A_228 = arith.muli %while3A_103, %mul3A_227 : i32
        %add3A_229 = arith.constant 112 : i32
        %add3A_230 = arith.addi %mul3A_228, %add3A_229 : i32
        %get3A_231 = arith.index_cast %add3A_230 : i32 to index
        %get3A_232 = tpu.vector_load %arg13[%get3A_231] {strides = array<i32>} : memref<16640xi32, #tpu.memory_space<vmem>>, vector<16xi32>,
        %and3A_233 = arith.constant 131071 : i32
        %and3A_234 = vector.broadcast %and3A_233 : i32 to vector<16xi32>
        %and3A_235 = arith.andi %get3A_232, %and3A_234 : vector<16xi32>
        %add3A_236 = vector.broadcast %select_n3A_23 : i32 to vector<16xi32>
        %add3A_237 = arith.addi %and3A_235, %add3A_236 : vector<16xi32>
        %swap3A_238 = arith.constant 112 : index
        %swap3A_239 = tpu.vector_load %arg14[%swap3A_238] {strides = array<i32>} : memref<128xi32, #tpu.memory_space<vmem>>, vector<16xi32>,
        tpu.vector_store %arg14[%swap3A_238], %add3A_237 {strides = array<i32>} : memref<128xi32, #tpu.memory_space<vmem>>, vector<16xi32>,
        %shift_right_logical3A_240 = arith.constant 17 : i32
        %shift_right_logical3A_241 = vector.broadcast %shift_right_logical3A_240 : i32 to vector<16xi32>
        %shift_right_logical3A_242 = arith.shrui %get3A_232, %shift_right_logical3A_241 : vector<16xi32>
        %swap3A_243 = arith.constant 112 : index
        %swap3A_244 = tpu.vector_load %arg16[%swap3A_243] {strides = array<i32>} : memref<128xi32, #tpu.memory_space<vmem>>, vector<16xi32>,
        tpu.vector_store %arg16[%swap3A_243], %shift_right_logical3A_242 {strides = array<i32>} : memref<128xi32, #tpu.memory_space<vmem>>, vector<16xi32>,
        %dma_start3A = arith.constant 0 : i32
        %dma_start3A_245 = arith.constant 0 : i32
        %dma_start3A_246 = tpu.memref_slice %arg6[%dma_start3A, %dma_start3A_245] : memref<262144x128xf32, #tpu.memory_space<hbm>> -> memref<262144x128xf32, #tpu.memory_space<hbm>>
        tpu.enqueue_indirect_dma source(%dma_start3A_246 : memref<262144x128xf32, #tpu.memory_space<hbm>>) target(%arg18 : memref<128x128xf32, #tpu.memory_space<vmem>>) offsets(%arg14 : memref<128xi32, #tpu.memory_space<vmem>>) semaphore(%arg24 : memref<!tpu.dma_semaphore, #tpu.memory_space<semaphore_mem>>)
        %dma_wait3A = arith.constant 0 : i32
        %dma_wait3A_247 = arith.constant 0 : i32
        %dma_wait3A_248 = tpu.memref_slice %arg6[%dma_wait3A, %dma_wait3A_247] : memref<262144x128xf32, #tpu.memory_space<hbm>> -> memref<262144x128xf32, #tpu.memory_space<hbm>>
        tpu.wait_indirect_dma semaphore(%arg24 : memref<!tpu.dma_semaphore, #tpu.memory_space<semaphore_mem>>) src(%dma_wait3A_248 : memref<262144x128xf32, #tpu.memory_space<hbm>>) dst(%arg18 : memref<128x128xf32, #tpu.memory_space<vmem>>)
        %dma_start3A_249 = arith.constant 0 : i32
        %dma_start3A_250 = arith.constant 0 : i32
        %dma_start3A_251 = tpu.memref_slice %arg22[%dma_start3A_249, %dma_start3A_250] : memref<2064x128xf32, #tpu.memory_space<vmem_shared>> -> memref<2064x128xf32, #tpu.memory_space<vmem_shared>>
        tpu.enqueue_indirect_dma source(%arg18 : memref<128x128xf32, #tpu.memory_space<vmem>>) target(%dma_start3A_251 : memref<2064x128xf32, #tpu.memory_space<vmem_shared>>) offsets(%arg16 : memref<128xi32, #tpu.memory_space<vmem>>) semaphore(%arg26 : memref<!tpu.dma_semaphore, #tpu.memory_space<semaphore_mem>>) {add = true}
        %dma_wait3A_252 = arith.constant 0 : i32
        %dma_wait3A_253 = arith.constant 0 : i32
        %dma_wait3A_254 = tpu.memref_slice %arg22[%dma_wait3A_252, %dma_wait3A_253] : memref<2064x128xf32, #tpu.memory_space<vmem_shared>> -> memref<2064x128xf32, #tpu.memory_space<vmem_shared>>
        tpu.wait_indirect_dma semaphore(%arg26 : memref<!tpu.dma_semaphore, #tpu.memory_space<semaphore_mem>>) src(%arg18 : memref<128x128xf32, #tpu.memory_space<vmem>>) dst(%dma_wait3A_254 : memref<2064x128xf32, #tpu.memory_space<vmem_shared>>)
        %add3A_255 = arith.constant 1 : i32
        %add3A_256 = arith.addi %while3A_103, %add3A_255 : i32
        scf.yield %add3A_256 : i32
      }
      %barrier3A_99 = arith.constant 0 : index
      tpu.barrier barrier_id(%barrier3A_99)
      %mul3A_100 = arith.constant 2048 : i32
      %mul3A_101 = arith.muli %add3A_41, %mul3A_100 : i32
      %add3A_102 = arith.addi %mul3A_101, %mul3A_27 : i32
      "tpu.region"() ({
        %run_scoped3A = tpu.sem_alloc : memref<!tpu.dma_semaphore, #tpu.memory_space<semaphore_mem>>
        %dma_start3A = arith.constant 0 : i32
        %dma_start3A_103 = tpu.memref_slice %arg10[%add3A_102, %dma_start3A] : memref<65536x128xf32, #tpu.memory_space<hbm>> -> memref<128x128xf32, #tpu.memory_space<hbm>>
        %dma_start3A_104 = arith.constant 0 : i32
        %dma_start3A_105 = tpu.memref_slice %arg22[%mul3A_27, %dma_start3A_104] : memref<2064x128xf32, #tpu.memory_space<vmem_shared>> -> memref<128x128xf32, #tpu.memory_space<vmem_shared>>
        tpu.enqueue_dma source(%dma_start3A_105 : memref<128x128xf32, #tpu.memory_space<vmem_shared>>) target(%dma_start3A_103 : memref<128x128xf32, #tpu.memory_space<hbm>>) target_semaphore(%run_scoped3A : memref<!tpu.dma_semaphore, #tpu.memory_space<semaphore_mem>>)
        %dma_wait3A = arith.constant 0 : i32
        %dma_wait3A_106 = tpu.memref_slice %arg10[%add3A_102, %dma_wait3A] : memref<65536x128xf32, #tpu.memory_space<hbm>> -> memref<128x128xf32, #tpu.memory_space<hbm>>
        %dma_wait3A_107 = arith.constant 0 : i32
        %dma_wait3A_108 = tpu.memref_slice %arg22[%mul3A_27, %dma_wait3A_107] : memref<2064x128xf32, #tpu.memory_space<vmem_shared>> -> memref<128x128xf32, #tpu.memory_space<vmem_shared>>
        tpu.wait_dma2 semaphore(%run_scoped3A : memref<!tpu.dma_semaphore, #tpu.memory_space<semaphore_mem>>) src(%dma_wait3A_108 : memref<128x128xf32, #tpu.memory_space<vmem_shared>>) dst(%dma_wait3A_106 : memref<128x128xf32, #tpu.memory_space<hbm>>)
        tpu.yield
      }) : () -> ()
    }
    %scan3A_37 = arith.constant 16 : i32
    return
  }
}

module attributes {stable_mosaic.version = 14 : i64} {
  func.func @_enc_body(%arg0: i32, %arg1: memref<2048x1xf32, #tpu.memory_space<vmem>>, %arg2: memref<2048x1xf32, #tpu.memory_space<vmem>>, %arg3: memref<1x128xf32, #tpu.memory_space<vmem>>, %arg4: memref<1x128xf32, #tpu.memory_space<vmem>>, %arg5: memref<2048x128xf32, #tpu.memory_space<vmem>>) attributes {dimension_semantics = [#tpu.dimension_semantics<arbitrary>], iteration_bounds = array<i64: 128>, scalar_prefetch = 0 : i64, scratch_operands = 0 : i64, tpu.core_type = #tpu.core_type<tc>, window_params = [{transform_indices = @transform_0, window_bounds = array<i64: 2048, 1>}, {transform_indices = @transform_1, window_bounds = array<i64: 2048, 1>}, {pipeline_mode = #tpu.pipeline_mode<synchronous>, transform_indices = @transform_2, window_bounds = array<i64: 1, 128>}, {pipeline_mode = #tpu.pipeline_mode<synchronous>, transform_indices = @transform_3, window_bounds = array<i64: 1, 128>}, {transform_indices = @transform_4, window_bounds = array<i64: 2048, 128>}]} {
    %get3A = arith.constant 0 : index
    %get3A_0 = arith.constant 0 : index
    %get3A_1 = vector.load %arg1[%get3A, %get3A_0] : memref<2048x1xf32, #tpu.memory_space<vmem>>, vector<2048x1xf32>
    %get3A_2 = arith.constant 0 : index
    %get3A_3 = arith.constant 0 : index
    %get3A_4 = vector.load %arg2[%get3A_2, %get3A_3] : memref<2048x1xf32, #tpu.memory_space<vmem>>, vector<2048x1xf32>
    %sub3A = arith.subf %get3A_1, %get3A_4 : vector<2048x1xf32>
    %get3A_5 = arith.constant 0 : index
    %get3A_6 = arith.constant 0 : index
    %get3A_7 = vector.load %arg3[%get3A_5, %get3A_6] : memref<1x128xf32, #tpu.memory_space<vmem>>, vector<1x128xf32>
    %mul3A = vector.broadcast %sub3A : vector<2048x1xf32> to vector<2048x128xf32>
    %mul3A_8 = vector.broadcast %get3A_7 : vector<1x128xf32> to vector<2048x128xf32>
    %mul3A_9 = arith.mulf %mul3A, %mul3A_8 : vector<2048x128xf32>
    %get3A_10 = arith.constant 0 : index
    %get3A_11 = arith.constant 0 : index
    %get3A_12 = vector.load %arg4[%get3A_10, %get3A_11] : memref<1x128xf32, #tpu.memory_space<vmem>>, vector<1x128xf32>
    %add3A = vector.broadcast %get3A_12 : vector<1x128xf32> to vector<2048x128xf32>
    %add3A_13 = arith.addf %mul3A_9, %add3A : vector<2048x128xf32>
    %cos3A = math.cos %add3A_13 : vector<2048x128xf32>
    %swap3A = arith.constant 0 : index
    %swap3A_14 = arith.constant 0 : index
    %swap3A_15 = vector.load %arg5[%swap3A, %swap3A_14] : memref<2048x128xf32, #tpu.memory_space<vmem>>, vector<2048x128xf32>
    tpu.vector_store %arg5[%swap3A, %swap3A_14], %cos3A {strides = array<i32>} : memref<2048x128xf32, #tpu.memory_space<vmem>>, vector<2048x128xf32>,
    return
  }
  func.func @transform_0(%arg0: i32) -> (i32, i32) {
    %c0_i32 = arith.constant 0 : i32
    %c0_i32_0 = arith.constant 0 : i32
    return %arg0, %c0_i32 : i32, i32
  }
  func.func @transform_1(%arg0: i32) -> (i32, i32) {
    %c0_i32 = arith.constant 0 : i32
    %c0_i32_0 = arith.constant 0 : i32
    return %arg0, %c0_i32 : i32, i32
  }
  func.func @transform_2(%arg0: i32) -> (i32, i32) {
    %c0_i32 = arith.constant 0 : i32
    %c0_i32_0 = arith.constant 0 : i32
    %c0_i32_1 = arith.constant 0 : i32
    return %c0_i32, %c0_i32_0 : i32, i32
  }
  func.func @transform_3(%arg0: i32) -> (i32, i32) {
    %c0_i32 = arith.constant 0 : i32
    %c0_i32_0 = arith.constant 0 : i32
    %c0_i32_1 = arith.constant 0 : i32
    return %c0_i32, %c0_i32_0 : i32, i32
  }
  func.func @transform_4(%arg0: i32) -> (i32, i32) {
    %c0_i32 = arith.constant 0 : i32
    %c0_i32_0 = arith.constant 0 : i32
    return %arg0, %c0_i32 : i32, i32
  }
}

module attributes {stable_mosaic.version = 14 : i64} {
  func.func @_cell_body(%arg0: i32, %arg1: memref<1024x128xf32, #tpu.memory_space<vmem>>, %arg2: memref<1024x128xf32, #tpu.memory_space<vmem>>, %arg3: memref<1024x128xf32, #tpu.memory_space<vmem>>, %arg4: memref<1024x128xf32, #tpu.memory_space<vmem>>, %arg5: memref<1024x128xf32, #tpu.memory_space<vmem>>, %arg6: memref<1024x128xf32, #tpu.memory_space<vmem>>, %arg7: memref<128x128xf32, #tpu.memory_space<vmem>>, %arg8: memref<512x128xf32, #tpu.memory_space<vmem>>, %arg9: memref<512x128xf32, #tpu.memory_space<vmem>>, %arg10: memref<128x128xf32, #tpu.memory_space<vmem>>, %arg11: memref<1024x128xf32, #tpu.memory_space<vmem>>) attributes {dimension_semantics = [#tpu.dimension_semantics<arbitrary>], iteration_bounds = array<i64: 64>, scalar_prefetch = 0 : i64, scratch_operands = 0 : i64, tpu.core_type = #tpu.core_type<tc>, window_params = [{transform_indices = @transform_0, window_bounds = array<i64: 1024, 128>}, {transform_indices = @transform_1, window_bounds = array<i64: 1024, 128>}, {transform_indices = @transform_2, window_bounds = array<i64: 1024, 128>}, {transform_indices = @transform_3, window_bounds = array<i64: 1024, 128>}, {transform_indices = @transform_4, window_bounds = array<i64: 1024, 128>}, {transform_indices = @transform_5, window_bounds = array<i64: 1024, 128>}, {pipeline_mode = #tpu.pipeline_mode<synchronous>, transform_indices = @transform_6, window_bounds = array<i64: 128, 128>}, {pipeline_mode = #tpu.pipeline_mode<synchronous>, transform_indices = @transform_7, window_bounds = array<i64: 512, 128>}, {pipeline_mode = #tpu.pipeline_mode<synchronous>, transform_indices = @transform_8, window_bounds = array<i64: 512, 128>}, {pipeline_mode = #tpu.pipeline_mode<synchronous>, transform_indices = @transform_9, window_bounds = array<i64: 128, 128>}, {transform_indices = @transform_10, window_bounds = array<i64: 1024, 128>}]} {
    %get3A = arith.constant 0 : index
    %get3A_0 = arith.constant 0 : index
    %get3A_1 = vector.load %arg1[%get3A, %get3A_0] : memref<1024x128xf32, #tpu.memory_space<vmem>>, vector<1024x128xf32>
    %get3A_2 = arith.constant 0 : index
    %get3A_3 = arith.constant 0 : index
    %get3A_4 = vector.load %arg6[%get3A_2, %get3A_3] : memref<1024x128xf32, #tpu.memory_space<vmem>>, vector<1024x128xf32>
    %slice3A = vector.extract_strided_slice %get3A_4 {offsets = [0, 0], sizes = [1024, 1], strides = [1, 1]} : vector<1024x128xf32> to vector<1024x1xf32>
    %jit3A = arith.constant 1.000000e+00 : f32
    %max3A = vector.broadcast %jit3A : f32 to vector<1024x1xf32>
    %max3A_5 = arith.maximumf %max3A, %slice3A : vector<1024x1xf32>
    %div3A = arith.constant 1.000000e+00 : f32
    %div3A_6 = vector.broadcast %div3A : f32 to vector<1024x1xf32>
    %div3A_7 = arith.divf %div3A_6, %max3A_5 : vector<1024x1xf32>
    %get3A_8 = arith.constant 0 : index
    %get3A_9 = arith.constant 0 : index
    %get3A_10 = vector.load %arg7[%get3A_8, %get3A_9] : memref<128x128xf32, #tpu.memory_space<vmem>>, vector<128x128xf32>
    %dot_general3A = arith.constant dense<0.000000e+00> : vector<1024x128xf32>
    %dot_general3A_11 = tpu.matmul %get3A_1, %get3A_10, %dot_general3A {dimension_numbers = #tpu.dot_dimension_numbers<[1], [0], [0], [1], [0, 0, 1, 1], [], []>, transpose_lhs_hint = false} : vector<1024x128xf32>, vector<128x128xf32>, vector<1024x128xf32> -> vector<1024x128xf32>
    %get3A_12 = arith.constant 0 : index
    %get3A_13 = arith.constant 0 : index
    %get3A_14 = vector.load %arg2[%get3A_12, %get3A_13] : memref<1024x128xf32, #tpu.memory_space<vmem>>, vector<1024x128xf32>
    %get3A_15 = arith.constant 0 : index
    %get3A_16 = arith.constant 0 : index
    %get3A_17 = vector.load %arg8[%get3A_15, %get3A_16] : memref<512x128xf32, #tpu.memory_space<vmem>>, vector<128x128xf32>
    %dot_general3A_18 = arith.constant dense<0.000000e+00> : vector<1024x128xf32>
    %dot_general3A_19 = tpu.matmul %get3A_14, %get3A_17, %dot_general3A_18 {dimension_numbers = #tpu.dot_dimension_numbers<[1], [0], [0], [1], [0, 0, 1, 1], [], []>, transpose_lhs_hint = false} : vector<1024x128xf32>, vector<128x128xf32>, vector<1024x128xf32> -> vector<1024x128xf32>
    %get3A_20 = arith.constant 0 : index
    %get3A_21 = arith.constant 0 : index
    %get3A_22 = vector.load %arg3[%get3A_20, %get3A_21] : memref<1024x128xf32, #tpu.memory_space<vmem>>, vector<1024x128xf32>
    %get3A_23 = arith.constant 128 : index
    %get3A_24 = arith.constant 0 : index
    %get3A_25 = vector.load %arg8[%get3A_23, %get3A_24] : memref<512x128xf32, #tpu.memory_space<vmem>>, vector<128x128xf32>
    %dot_general3A_26 = arith.constant dense<0.000000e+00> : vector<1024x128xf32>
    %dot_general3A_27 = tpu.matmul %get3A_22, %get3A_25, %dot_general3A_26 {dimension_numbers = #tpu.dot_dimension_numbers<[1], [0], [0], [1], [0, 0, 1, 1], [], []>, transpose_lhs_hint = false} : vector<1024x128xf32>, vector<128x128xf32>, vector<1024x128xf32> -> vector<1024x128xf32>
    %add3A = arith.addf %dot_general3A_19, %dot_general3A_27 : vector<1024x128xf32>
    %get3A_28 = arith.constant 0 : index
    %get3A_29 = arith.constant 0 : index
    %get3A_30 = vector.load %arg4[%get3A_28, %get3A_29] : memref<1024x128xf32, #tpu.memory_space<vmem>>, vector<1024x128xf32>
    %get3A_31 = arith.constant 256 : index
    %get3A_32 = arith.constant 0 : index
    %get3A_33 = vector.load %arg8[%get3A_31, %get3A_32] : memref<512x128xf32, #tpu.memory_space<vmem>>, vector<128x128xf32>
    %dot_general3A_34 = arith.constant dense<0.000000e+00> : vector<1024x128xf32>
    %dot_general3A_35 = tpu.matmul %get3A_30, %get3A_33, %dot_general3A_34 {dimension_numbers = #tpu.dot_dimension_numbers<[1], [0], [0], [1], [0, 0, 1, 1], [], []>, transpose_lhs_hint = false} : vector<1024x128xf32>, vector<128x128xf32>, vector<1024x128xf32> -> vector<1024x128xf32>
    %add3A_36 = arith.addf %add3A, %dot_general3A_35 : vector<1024x128xf32>
    %get3A_37 = arith.constant 0 : index
    %get3A_38 = arith.constant 0 : index
    %get3A_39 = vector.load %arg5[%get3A_37, %get3A_38] : memref<1024x128xf32, #tpu.memory_space<vmem>>, vector<1024x128xf32>
    %get3A_40 = arith.constant 384 : index
    %get3A_41 = arith.constant 0 : index
    %get3A_42 = vector.load %arg8[%get3A_40, %get3A_41] : memref<512x128xf32, #tpu.memory_space<vmem>>, vector<128x128xf32>
    %dot_general3A_43 = arith.constant dense<0.000000e+00> : vector<1024x128xf32>
    %dot_general3A_44 = tpu.matmul %get3A_39, %get3A_42, %dot_general3A_43 {dimension_numbers = #tpu.dot_dimension_numbers<[1], [0], [0], [1], [0, 0, 1, 1], [], []>, transpose_lhs_hint = false} : vector<1024x128xf32>, vector<128x128xf32>, vector<1024x128xf32> -> vector<1024x128xf32>
    %add3A_45 = arith.addf %add3A_36, %dot_general3A_44 : vector<1024x128xf32>
    %mul3A = vector.broadcast %div3A_7 : vector<1024x1xf32> to vector<1024x128xf32>
    %mul3A_46 = arith.mulf %add3A_45, %mul3A : vector<1024x128xf32>
    %get3A_47 = arith.constant 0 : index
    %get3A_48 = arith.constant 0 : index
    %get3A_49 = vector.load %arg2[%get3A_47, %get3A_48] : memref<1024x128xf32, #tpu.memory_space<vmem>>, vector<1024x128xf32>
    %get3A_50 = arith.constant 0 : index
    %get3A_51 = arith.constant 0 : index
    %get3A_52 = vector.load %arg9[%get3A_50, %get3A_51] : memref<512x128xf32, #tpu.memory_space<vmem>>, vector<128x128xf32>
    %dot_general3A_53 = arith.constant dense<0.000000e+00> : vector<1024x128xf32>
    %dot_general3A_54 = tpu.matmul %get3A_49, %get3A_52, %dot_general3A_53 {dimension_numbers = #tpu.dot_dimension_numbers<[1], [0], [0], [1], [0, 0, 1, 1], [], []>, transpose_lhs_hint = false} : vector<1024x128xf32>, vector<128x128xf32>, vector<1024x128xf32> -> vector<1024x128xf32>
    %get3A_55 = arith.constant 0 : index
    %get3A_56 = arith.constant 0 : index
    %get3A_57 = vector.load %arg3[%get3A_55, %get3A_56] : memref<1024x128xf32, #tpu.memory_space<vmem>>, vector<1024x128xf32>
    %get3A_58 = arith.constant 128 : index
    %get3A_59 = arith.constant 0 : index
    %get3A_60 = vector.load %arg9[%get3A_58, %get3A_59] : memref<512x128xf32, #tpu.memory_space<vmem>>, vector<128x128xf32>
    %dot_general3A_61 = arith.constant dense<0.000000e+00> : vector<1024x128xf32>
    %dot_general3A_62 = tpu.matmul %get3A_57, %get3A_60, %dot_general3A_61 {dimension_numbers = #tpu.dot_dimension_numbers<[1], [0], [0], [1], [0, 0, 1, 1], [], []>, transpose_lhs_hint = false} : vector<1024x128xf32>, vector<128x128xf32>, vector<1024x128xf32> -> vector<1024x128xf32>
    %add3A_63 = arith.addf %dot_general3A_54, %dot_general3A_62 : vector<1024x128xf32>
    %get3A_64 = arith.constant 0 : index
    %get3A_65 = arith.constant 0 : index
    %get3A_66 = vector.load %arg4[%get3A_64, %get3A_65] : memref<1024x128xf32, #tpu.memory_space<vmem>>, vector<1024x128xf32>
    %get3A_67 = arith.constant 256 : index
    %get3A_68 = arith.constant 0 : index
    %get3A_69 = vector.load %arg9[%get3A_67, %get3A_68] : memref<512x128xf32, #tpu.memory_space<vmem>>, vector<128x128xf32>
    %dot_general3A_70 = arith.constant dense<0.000000e+00> : vector<1024x128xf32>
    %dot_general3A_71 = tpu.matmul %get3A_66, %get3A_69, %dot_general3A_70 {dimension_numbers = #tpu.dot_dimension_numbers<[1], [0], [0], [1], [0, 0, 1, 1], [], []>, transpose_lhs_hint = false} : vector<1024x128xf32>, vector<128x128xf32>, vector<1024x128xf32> -> vector<1024x128xf32>
    %add3A_72 = arith.addf %add3A_63, %dot_general3A_71 : vector<1024x128xf32>
    %get3A_73 = arith.constant 0 : index
    %get3A_74 = arith.constant 0 : index
    %get3A_75 = vector.load %arg5[%get3A_73, %get3A_74] : memref<1024x128xf32, #tpu.memory_space<vmem>>, vector<1024x128xf32>
    %get3A_76 = arith.constant 384 : index
    %get3A_77 = arith.constant 0 : index
    %get3A_78 = vector.load %arg9[%get3A_76, %get3A_77] : memref<512x128xf32, #tpu.memory_space<vmem>>, vector<128x128xf32>
    %dot_general3A_79 = arith.constant dense<0.000000e+00> : vector<1024x128xf32>
    %dot_general3A_80 = tpu.matmul %get3A_75, %get3A_78, %dot_general3A_79 {dimension_numbers = #tpu.dot_dimension_numbers<[1], [0], [0], [1], [0, 0, 1, 1], [], []>, transpose_lhs_hint = false} : vector<1024x128xf32>, vector<128x128xf32>, vector<1024x128xf32> -> vector<1024x128xf32>
    %add3A_81 = arith.addf %add3A_72, %dot_general3A_80 : vector<1024x128xf32>
    %mul3A_82 = vector.broadcast %div3A_7 : vector<1024x1xf32> to vector<1024x128xf32>
    %mul3A_83 = arith.mulf %add3A_81, %mul3A_82 : vector<1024x128xf32>
    %mul3A_84 = arith.mulf %dot_general3A_11, %mul3A_46 : vector<1024x128xf32>
    %reduce_sum3A = arith.constant dense<0.000000e+00> : vector<1024xf32>
    %reduce_sum3A_85 = vector.multi_reduction <add>, %mul3A_84, %reduce_sum3A [1] : vector<1024x128xf32> to vector<1024xf32>
    %broadcast_in_dim3A = vector.shape_cast %reduce_sum3A_85 : vector<1024xf32> to vector<1024x1xf32>
    %div3A_86 = arith.constant 11.3137083 : f32
    %div3A_87 = vector.broadcast %div3A_86 : f32 to vector<1024x1xf32>
    %div3A_88 = arith.divf %broadcast_in_dim3A, %div3A_87 : vector<1024x1xf32>
    %logistic3A = arith.negf %div3A_88 : vector<1024x1xf32>
    %logistic3A_89 = math.exp %logistic3A : vector<1024x1xf32>
    %logistic3A_90 = arith.constant 1.000000e+00 : f32
    %logistic3A_91 = vector.broadcast %logistic3A_90 : f32 to vector<1024x1xf32>
    %logistic3A_92 = arith.addf %logistic3A_91, %logistic3A_89 : vector<1024x1xf32>
    %logistic3A_93 = arith.divf %logistic3A_91, %logistic3A_92 : vector<1024x1xf32>
    %mul3A_94 = vector.broadcast %logistic3A_93 : vector<1024x1xf32> to vector<1024x128xf32>
    %mul3A_95 = arith.mulf %mul3A_94, %mul3A_83 : vector<1024x128xf32>
    %add3A_96 = arith.addf %get3A_1, %mul3A_95 : vector<1024x128xf32>
    %get3A_97 = arith.constant 0 : index
    %get3A_98 = arith.constant 0 : index
    %get3A_99 = vector.load %arg10[%get3A_97, %get3A_98] : memref<128x128xf32, #tpu.memory_space<vmem>>, vector<128x128xf32>
    %dot_general3A_100 = arith.constant dense<0.000000e+00> : vector<1024x128xf32>
    %dot_general3A_101 = tpu.matmul %add3A_96, %get3A_99, %dot_general3A_100 {dimension_numbers = #tpu.dot_dimension_numbers<[1], [0], [0], [1], [0, 0, 1, 1], [], []>, transpose_lhs_hint = false} : vector<1024x128xf32>, vector<128x128xf32>, vector<1024x128xf32> -> vector<1024x128xf32>
    %tanh3A = math.tanh %dot_general3A_101 : vector<1024x128xf32>
    %swap3A = arith.constant 0 : index
    %swap3A_102 = arith.constant 0 : index
    %swap3A_103 = vector.load %arg11[%swap3A, %swap3A_102] : memref<1024x128xf32, #tpu.memory_space<vmem>>, vector<1024x128xf32>
    tpu.vector_store %arg11[%swap3A, %swap3A_102], %tanh3A {strides = array<i32>} : memref<1024x128xf32, #tpu.memory_space<vmem>>, vector<1024x128xf32>,
    return
  }
  func.func @transform_0(%arg0: i32) -> (i32, i32) {
    %c0_i32 = arith.constant 0 : i32
    %c0_i32_0 = arith.constant 0 : i32
    return %arg0, %c0_i32 : i32, i32
  }
  func.func @transform_1(%arg0: i32) -> (i32, i32) {
    %c0_i32 = arith.constant 0 : i32
    %c0_i32_0 = arith.constant 0 : i32
    return %arg0, %c0_i32 : i32, i32
  }
  func.func @transform_2(%arg0: i32) -> (i32, i32) {
    %c0_i32 = arith.constant 0 : i32
    %c0_i32_0 = arith.constant 0 : i32
    return %arg0, %c0_i32 : i32, i32
  }
  func.func @transform_3(%arg0: i32) -> (i32, i32) {
    %c0_i32 = arith.constant 0 : i32
    %c0_i32_0 = arith.constant 0 : i32
    return %arg0, %c0_i32 : i32, i32
  }
  func.func @transform_4(%arg0: i32) -> (i32, i32) {
    %c0_i32 = arith.constant 0 : i32
    %c0_i32_0 = arith.constant 0 : i32
    return %arg0, %c0_i32 : i32, i32
  }
  func.func @transform_5(%arg0: i32) -> (i32, i32) {
    %c0_i32 = arith.constant 0 : i32
    %c0_i32_0 = arith.constant 0 : i32
    return %arg0, %c0_i32 : i32, i32
  }
  func.func @transform_6(%arg0: i32) -> (i32, i32) {
    %c0_i32 = arith.constant 0 : i32
    %c0_i32_0 = arith.constant 0 : i32
    %c0_i32_1 = arith.constant 0 : i32
    return %c0_i32, %c0_i32_0 : i32, i32
  }
  func.func @transform_7(%arg0: i32) -> (i32, i32) {
    %c0_i32 = arith.constant 0 : i32
    %c0_i32_0 = arith.constant 0 : i32
    %c0_i32_1 = arith.constant 0 : i32
    return %c0_i32, %c0_i32_0 : i32, i32
  }
  func.func @transform_8(%arg0: i32) -> (i32, i32) {
    %c0_i32 = arith.constant 0 : i32
    %c0_i32_0 = arith.constant 0 : i32
    %c0_i32_1 = arith.constant 0 : i32
    return %c0_i32, %c0_i32_0 : i32, i32
  }
  func.func @transform_9(%arg0: i32) -> (i32, i32) {
    %c0_i32 = arith.constant 0 : i32
    %c0_i32_0 = arith.constant 0 : i32
    %c0_i32_1 = arith.constant 0 : i32
    return %c0_i32, %c0_i32_0 : i32, i32
  }
  func.func @transform_10(%arg0: i32) -> (i32, i32) {
    %c0_i32 = arith.constant 0 : i32
    %c0_i32_0 = arith.constant 0 : i32
    return %arg0, %c0_i32 : i32, i32
  }
}

</mosaic_0001>

<sc_bundles>
// kernel: gather_offload_async_start.1
scs
__scs_entry_jumppad:
0x0: {  	(pc) =	sbr.rel $0x88, $3  }
0x1: {  	(tag) =	ssettag $0x0;
	lr =	simm.s32 $0x1  }
0x2: {  	[smem:$0x3F8F] =	sst lr;
	_ =	strace $0xD0000000  }
0x3: {  	_ = 	snop  }
0x4: {  	_ = 	snop  }
0x5: {  	_ = 	snop  }
0x6: {  	_ = 	snop  }
0x7: {  	_ = 	snop  }
__scs_overlays_trampoline_lowered:
0x8: {  	[smem:$0x3F9E] =	sst s0  }
0x9: {  	[smem:$0x3F9F] =	sst s1  }
0xa: {  	[smem:$0x3FA0] =	sst s2  }
0xb: {  	[smem:$0x3FA1] =	sst s3  }
0xc: {  	[smem:$0x3FA2] =	sst s4  }
0xd: {  	[smem:$0x3FA3] =	sst s5  }
0xe: {  	[smem:$0x3FA4] =	sst s6  }
0xf: {  	[smem:$0x3FA5] =	sst s7  }
0x10: {  	[smem:$0x3FA6] =	sst s8  }
0x11: {  	[smem:$0x3FA7] =	sst s9;
	s0 =	simm.s32 @!p0 $0x0  }
0x12: {  	s1 =	sld [smem:$0x3F8D];
	s0 =	simm.s32 @p0 $0x1  }
0x13: {  	[smem:$0x3FA8] =	sst s0;
	s0 =	simm.s32 @!p1 $0x0  }
0x14: {  	s2 =	sld [smem:$0x3F8C];
	s0 =	simm.s32 @p1 $0x1  }
0x15: {  	[smem:$0x3FA9] =	sst s0;
	s0 =	simm.s32 @!p2 $0x0  }
0x16: {  	s3 =	sld [smem:$0x3FDB];
	s0 =	simm.s32 @p2 $0x1  }
0x17: {  	s4 =	simm.s32 $0x1BF5;
	[smem:$0x3FAB] =	sst s0  }
0x18: {  	s0 =	sld [smem:$0x3F8E];
	_ =	swait.ge [sflag:s4], $0x0  }
0x19: {  	s7 =	sld [smem:$0x3F8F]  }
0x1a: {  	s8 =	sadd.s32 $0xFFFFE003, lr  }
0x1b: {  	s9 =	sadd.s32 $0xFFFFFEF7, lr;
	s5 =	simm.s32 $0xFFFFFFFF;
	p2 =	slt.u32 s8, $0xFFFFF086  }
0x1c: {  	p1 =	slt.u32 s9, $0xF7A;
	s5 =	simm.s32 @!p2 $0x0  }
0x1d: {  	s5 =	simm.s32 @p1 $0x1;
	p0 =	seq.s32 s7, s2  }
0x1e: {  	s7 =	smul.u32 @!p0 $0xF7A, s2;
	p2 =	seq.s32 @!p0 s5, $0x0  }
0x1f: {  	s9 =	smul.u32 $0xF7A, s1;
	s8 =	simm.s32 @!p0 $0x1BF5;
	p2 =	por !p2, p0  }
0x20: {  	[sflag:s8] =	ssyncset.s32 @!p0 $0xFFFFF086;
	s6 =	sadd.s32 @!p0 s3, s7;
	s7 =	simm.s32 @!p0 $0x108  }
0x21: {  	s3 =	sadd.s32 s3, s9;
	s6 =	sadd.s32 @!p0 $0x88, s6;
	s7 =	simm.s32 @p2 $0x1082  }
0x22: {  	[simem:s7], [sflag:s8] =	dma.local @!p0 [hbm:s6], $0xF7A  }
0x23: {  	s9 =	sor.u32 $0xD0000000, s2;
	s6 =	simm.s32 $0x108;
	_ =	swait.ge @!p0 [sflag:s8], $0x0  }
0x24: {  	s3 =	sadd.s32 $0x88, s3;
	s6 =	simm.s32 @!p1 $0x1082;
	[sflag:s4] =	ssyncset.s32 $0xFFFFF086  }
0x25: {  	[simem:s6], [sflag:s4] =	dma.local [hbm:s3], $0xF7A  }
0x26: {  	[smem:$0x3F8F] =	sst s1;
	(tag) =	ssettag s2;
	_ =	strace s9  }
0x27: {  	s1 =	sld [smem:$0x3F9F]  }
0x28: {  	s2 =	sld [smem:$0x3FA0]  }
0x29: {  	s4 =	sld [smem:$0x3FA2]  }
0x2a: {  	p0 =	seq.s32 s5, $0x0;
	s5 =	sld [smem:$0x3FA3]  }
0x2b: {  	s6 =	sld [smem:$0x3FA4]  }
0x2c: {  	s7 =	sld [smem:$0x3FA5]  }
0x2d: {  	s3 =	simm.s32 $0x108;
	s8 =	sld [smem:$0x3FA6]  }
0x2e: {  	s3 =	simm.s32 @!p0 $0x1082;
	s9 =	sld [smem:$0x3FA7]  }
0x2f: {  	lr =	sadd.s32 s0, s3;
	s0 =	sld [smem:$0x3F9E]  }
0x30: {  	s3 =	sld [smem:$0x3FA1]  }
0x31: {  	[smem:$0x3FAA] =	sst s10  }
0x32: {  	s10 =	sld [smem:$0x3FA8];
	_ =	sdelay $0x3  }
0x33: {  	p0 =	seq.s32 s10, $0x1;
	s10 =	sld [smem:$0x3FAA];
	_ =	sdelay $0x3  }
0x34: {  	[smem:$0x3FAA] =	sst s10  }
0x35: {  	s10 =	sld [smem:$0x3FA9];
	_ =	sdelay $0x3  }
0x36: {  	p1 =	seq.s32 s10, $0x1;
	s10 =	sld [smem:$0x3FAA];
	_ =	sdelay $0x3  }
0x37: {  	[smem:$0x3FAA] =	sst s10  }
0x38: {  	s10 =	sld [smem:$0x3FAB]  }
0x39: {  	_ = 	snop;
	(pc) =	sbr.ind lr, $3  }
0x3a: {  	_ = 	snop  }
0x3b: {  	_ = 	snop  }
0x3c: {  	p2 =	seq.s32 s10, $0x1;
	s10 =	sld [smem:$0x3FAA]  }
0x3d: {  	_ =	shalt  }
0x3e: {  	_ =	shalt  }
0x3f: {  	_ =	shalt  }
0x40: {  	_ =	shalt  }
0x41: {  	_ =	shalt  }
0x42: {  	_ =	shalt  }
0x43: {  	_ =	shalt  }
0x44: {  	_ =	shalt  }
0x45: {  	_ =	shalt  }
0x46: {  	_ =	shalt  }
0x47: {  	_ =	shalt  }
0x48: {  	_ =	shalt  }
0x49: {  	_ =	shalt  }
0x4a: {  	_ =	shalt  }
0x4b: {  	_ =	shalt  }
0x4c: {  	_ =	shalt  }
0x4d: {  	_ =	shalt  }
0x4e: {  	_ =	shalt  }
0x4f: {  	_ =	shalt  }
0x50: {  	_ =	shalt  }
0x51: {  	_ =	shalt  }
0x52: {  	_ =	shalt  }
0x53: {  	_ =	shalt  }
0x54: {  	_ =	shalt  }
0x55: {  	_ =	shalt  }
0x56: {  	_ =	shalt  }
0x57: {  	_ =	shalt  }
0x58: {  	_ =	shalt  }
0x59: {  	_ =	shalt  }
0x5a: {  	_ =	shalt  }
0x5b: {  	_ =	shalt  }
0x5c: {  	_ =	shalt  }
0x5d: {  	_ =	shalt  }
0x5e: {  	_ =	shalt  }
0x5f: {  	_ =	shalt  }
0x60: {  	_ =	shalt  }
0x61: {  	_ =	shalt  }
0x62: {  	_ =	shalt  }
0x63: {  	_ =	shalt  }
0x64: {  	_ =	shalt  }
0x65: {  	_ =	shalt  }
0x66: {  	_ =	shalt  }
0x67: {  	_ =	shalt  }
0x68: {  	_ =	shalt  }
0x69: {  	_ =	shalt  }
0x6a: {  	_ =	shalt  }
0x6b: {  	_ =	shalt  }
0x6c: {  	_ =	shalt  }
0x6d: {  	_ =	shalt  }
0x6e: {  	_ =	shalt  }
0x6f: {  	_ =	shalt  }
0x70: {  	_ =	shalt  }
0x71: {  	_ =	shalt  }
0x72: {  	_ =	shalt  }
0x73: {  	_ =	shalt  }
0x74: {  	_ =	shalt  }
0x75: {  	_ =	shalt  }
0x76: {  	_ =	shalt  }
0x77: {  	_ =	shalt  }
0x78: {  	_ =	shalt  }
0x79: {  	_ =	shalt  }
0x7a: {  	_ =	shalt  }
0x7b: {  	_ =	shalt  }
0x7c: {  	_ =	shalt  }
0x7d: {  	_ =	shalt  }
0x7e: {  	_ =	shalt  }
0x7f: {  	_ =	shalt  }
0x80: {  	_ =	shalt  }
0x81: {  	_ =	shalt  }
0x82: {  	_ =	shalt  }
0x83: {  	_ =	shalt  }
0x84: {  	_ =	shalt  }
0x85: {  	_ =	shalt  }
0x86: {  	_ =	shalt  }
0x87: {  	_ =	shalt  }
.Lfunc_end0:
.L_simem_size_0:
called_computation.2_lowered:
.L_overlay_start_0:
0x88: {  	s2 =	sld [smem:$0x3FD9]  }
0x89: {  	s3 =	sld [smem:$0x3FFE];
	_ =	sdelay $0x1  }
0x8a: {  	s1 =	srdreg.scid  }
0x8b: {  	s0 =	sand.u32 $0x1, s1  }
0x8c: {  	s15 =	sshll.u32 s0, $0xA;
	s2 =	sadd.s32 s3, s2  }
0x8d: {  	s2 =	sadd.s32 s2, s15  }
0x8e: {  	[smem:$0x3FB6] =	sst s2  }
0x8f: {  	_ = 	snop  }
0x90: {  	s2 =	sld [smem:$0x3FD0];
	_ =	sdelay $0x2  }
0x91: {  	s16 =	simm.s32 $0xB;
	s4 =	simm.s32 $0x10  }
0x92: {  	[smem:s4], [sflag:s16] =	dma.local [hbm:s2], $0x1  }
0x93: {  	_ =	swait.eq [sflag:s16], $0x1  }
0x94: {  	[sflag:s16] =	ssyncset.done $0x0  }
0x95: {  	[sflag:s16] =	ssyncadd.s32 $0xFFFFFFFF  }
0x96: {  	s17 =	sld [smem:$0x11];
	(tm) =	ssettm $0x1  }
0x97: {  	s18 =	sld [smem:$0x3FFB];
	_ =	sdelay $0x3  }
0x98: {  	_ =	strace s18  }
0x99: {  	s2 =	sld [smem:$0x3FFC];
	_ =	sdelay $0x3  }
0x9a: {  	_ =	strace s2  }
0x9b: {  	s2 =	sld [smem:$0x3FFD];
	_ =	sdelay $0x3  }
0x9c: {  	_ =	strace s2  }
0x9d: {  	_ =	strace $0x8FFFFFFF  }
0x9e: {  	s19 =	sld [smem:$0x3FDB];
	_ =	sdelay $0x1  }
0x9f: {  	s20 =	simm.s32 $_scs_section_size  }
0xa0: {  	s5 =	simm.s32 $_size__tile_overlayer_lowered;
	s6 =	simm.s32 $_tile_overlayer_lowered  }
0xa1: {  	s7 =	simm.s32 $0x1BFF;
	s21 =	sshll.u32 s6, $0x1;
	s4 =	sadd.s32 s20, s19  }
0xa2: {  	s22 =	simm.s32 $0x0;
	s5 =	sshll.u32 s5, $0x1;
	s6 =	sadd.s32 s21, s4  }
0xa3: {  	[timem:s22], [sflag:s7] =	dma.local [hbm:s6], s5  }
0xa4: {  	_ =	swait.ge [sflag:s7], s5  }
0xa5: {  	s5 =	ssub.s32 $0x0, s5;
	[sflag:s7] =	ssyncset.done $0x0  }
0xa6: {  	[sflag:s7] =	ssyncadd.s32 s5;
	_ =	sdelay $0x1  }
0xa7: {  	s23 =	simm.s32 $0x1B8B  }
0xa8: {  	_ =	swait.ge [sflag:s23], $0x1  }
0xa9: {  	[sflag:s23] =	ssyncset.done $0x0  }
0xaa: {  	[sflag:s23] =	ssyncadd.s32 $0xFFFFFFFF  }
0xab: {  	s5 =	sld [smem:$0x0]  }
0xac: {  	s6 =	sand.u32 $0xFFFFFFFE, s1  }
0xad: {  	p0 =	sne.s32 s1, s6  }
0xae: {  	s6 =	sshll.u32 @p0 s6, $0xE  }
0xaf: {  	s6 =	sadd.s32 @p0 $0x11B8D, s6;
	s7 =	sshll.u32 @p0 s5, $0x11  }
0xb0: {  	s6 =	sor.u32 @p0 s7, s6  }
0xb1: {  	[sflag:s6] =	ssyncadd.remote.s32 @p0 $0x1;
	_ =	sdelay $0x1  }
0xb2: {  	s6 =	simm.s32 @p0 $0x1B8D  }
0xb3: {  	_ =	swait.eq @p0 [sflag:s6], $0x1  }
0xb4: {  	[sflag:s6] =	ssyncadd.s32 @p0 $0xFFFFFFFF  }
0xb5: {  	s7 =	sshll.u32 @!p0 s1, $0xE  }
0xb6: {  	s7 =	sor.u32 @!p0 $0x4000, s7;
	s6 =	simm.s32 @!p0 $0x1B8D  }
0xb7: {  	s5 =	sshll.u32 @!p0 s5, $0x11;
	s7 =	sadd.s32 @!p0 $0x11B8D, s7;
	_ =	swait.eq @!p0 [sflag:s6], $0x1  }
0xb8: {  	s5 =	sor.u32 @!p0 s5, s7;
	[sflag:s6] =	ssyncadd.s32 @!p0 $0xFFFFFFFF  }
0xb9: {  	s25 =	simm.s32 $0x1B8E;
	s24 =	sld [smem:$0x3FFE];
	[sflag:s5] =	ssyncadd.remote.s32 @!p0 $0x1  }
0xba: {  	s26 =	simm.s32 $execute0_lowered;
	[smem:$0x3FD2] =	sst s25  }
0xbb: {  	s6 =	sshll.u32 s26, $0x1;
	_ =	strace $0x8000004F;
	[dreg:$0x1] =	wrdreg $0xFFFFFFFF  }
0xbc: {  	s28 =	simm.s32 $_size_execute0_lowered;
	s4 =	sadd.s32 s4, s6;
	[dreg:$0x0] =	wrdreg $0x0  }
0xbd: {  	s6 =	sshll.u32 s28, $0x1;
	[dreg:$0x2] =	wrdreg s4  }
0xbe: {  	[dreg:$0x3] =	wrdreg s6  }
0xbf: {  	[dreg:$0x4] =	wrdreg $0xC0  }
0xc0: {  	_ =	task [dreg:s22], $0x5FFFF  }
0xc1: {  	[dreg:$0x1] =	wrdreg $0xFFFFFFFF  }
0xc2: {  	[dreg:$0x0] =	wrdreg $0x60  }
0xc3: {  	[dreg:$0x2] =	wrdreg s24  }
0xc4: {  	[dreg:$0x3] =	wrdreg s17  }
0xc5: {  	[dreg:$0x4] =	wrdreg $0x9  }
0xc6: {  	_ =	task.clear_ibuf [dreg:s22], $0x5FFFF;
	_ =	strace $0x9000004F  }
0xc7: {  	s29 =	simm.s32 $0x9;
	_ =	strace $0x80000051  }
0xc8: {  	_ =	swait.ge [sflag:s29], $0x1  }
0xc9: {  	[sflag:s29] =	ssyncadd.s32 $0xFFFFFFFF  }
0xca: {  	_ =	strace $0x90000051  }
0xcb: {  	_ =	sfence  }
0xcc: {  	s30 =	sld [smem:$0x0];
	_ =	sdelay $0x2  }
0xcd: {  	s31 =	sshll.u32 s1, $0xD;
	s1 =	sshrl.u32 s1, $0x2  }
0xce: {  	s4 =	sand.u32 $0x4000, s31;
	s1 =	sadd.s32 s1, s30  }
0xcf: {  	s0 =	sor.u32 s4, s0;
	s1 =	sshll.u32 s1, $0x11  }
0xd0: {  	s0 =	sor.u32 s1, s0  }
0xd1: {  	s0 =	sadd.s32 $0x8F2B, s0  }
0xd2: {  	[sflag:s0] =	ssyncadd.remote.s32 $0x1  }
0xd3: {  	_ =	sfence.sel $0xFFFF  }
0xd4: {  	[dreg:$0x0] =	wrdreg $0xFFFFFFFF;
	(pc) =	sbr.abs _section_cstart, $3  }
0xd5: {  	[dreg:$0x1] =	wrdreg $0xFFFFFFFF  }
0xd6: {  	_ =	task.clear_ibuf [dreg:s22], $0x2FFFF;
	_ =	strace $0x9FFFFFFF  }
0xd7: {  	(tm) =	ssettm $0x7FFFFFFF  }
tec
execute0_lowered:
.L_overlay_start_1:
0x0: {  	(tag) =	ssettag $0x1  }
0x1: {  	s5 =	rddreg [dreg:$0x0];
	s0 =	srdreg.scid  }
0x2: {  	s2 =	rddreg [dreg:$0x1];
	s1 =	stileid.u32;
	s6 =	simm.s32 $0x1  }
0x3: {  	s9 =	simm.s32 $0x1;
	s10 =	simm.s32 $0x3;
	s3 =	sshll.u32 s0, $0xA  }
0x4: {  	s13 =	simm.s32 $0x0;
	s4 =	sshll.u32 s1, $0xB;
	s3 =	sand.u32 $0x400, s3  }
0x5: {  	s0 =	rddreg [dreg:$0x2];
	_ =	strace $0x80000050;
	s3 =	sor.u32 s4, s3  }
0x6: {  	s12 =	simm.s32 $0x0;
	[sflag:s6] =	ssyncpa.u1 $0x0;
	s8 =	ssub.s32 $0x10000, s3  }
.Ltmp0:
0x7: {  	s4 =	sadd.s32 $0x313A00, s5;
	s7 =	sand.u32 $0x7C00, s8;
	(pc) =	sbr.rel .LBB2_1-.Ltmp0, $4  }
0x8: {  	s5 =	sadd.s32 $0x1A00, s5;
	s11 =	smov.u32 s3;
	p0 =	sne.s32 s7, $0x0  }
0x9: {  	s8 =	sshrl.u32 s8, $0xF;
	s7 =	simm.s32 $0x2;
	s9 =	simm.s32 @!p0 $0x0  }
0xa: {  	[sflag:s7] =	ssyncpa.u1 $0x0;
	p0 =	por $0x0, $0x0;
	s8 =	sadd.s32 s9, s8  }
0xb: {  	vm0 =	vmmov $0xffff;
	[sflag:s10] =	ssyncpa.u1 $0x0;
	s10 =	simm.s32 $0x0;
	s9 =	sadd.s32 $0x1, s8  }
.LBB2_4:
0xc: {  	v2 =	vnsel vm1, $0x0, v2  }
0xd: {  	vm1 =	vgt.s32 v0, $0x0;
	v2 =	vmin.u32 v2, $0xF423F  }
0xe: {  	v0 =	vnsel vm1, $0x0, v0  }
0xf: {  	v0 =	vmin.u32 v0, $0xF423F  }
0x10: {  	[tilespmem:s15], [sflag:$0x1] =	stream.indirect_vreg.gather [hbm4b:s4+s10], $0x1, v1, vm0, $0x4038;
	[tilespmem:$0x1000] =	vst v63  }
0x11: {  	(ifvalue) =	ssetifvalue $0x7FFFFFFF  }
0x12: {  	[tilespmem:s16], [sflag:$0x1] =	stream.indirect_vreg.gather [hbm4b:s4+s10], $0x1, v2, vm0, $0x4038;
	[tilespmem:$0x1000] =	vst v63  }
0x13: {  	s29 =	sadd.s32 $0x10, s16;
	(ifvalue) =	ssetifvalue $0x7FFFFFFF  }
0x14: {  	[tilespmem:s29], [sflag:$0x1] =	stream.indirect_vreg.gather [hbm4b:s4+s10], $0x1, v0, vm0, $0x4038;
	[tilespmem:$0x1000] =	vst v63  }
0x15: {  	_ =	swait.ge [sflag:s6], $0x400  }
0x16: {  	s30 =	sshrl.u32 s13, $0x3;
	[sflag:s6] =	ssyncset.done $0x0  }
0x17: {  	s31 =	sand.u32 $0x7, s13;
	s15 =	sadd.s32 s2, s30;
	[sflag:s6] =	ssyncadd.s32 $0xFFFFFC00  }
0x18: {  	[hbm4b:s15+s31] =	stream.linear.scatter [tilespmem:s14], [sflag:$0x3], $0x400, $0x38;
	[tilespmem:$0x1000] =	vst v63  }
.LBB2_5:
0x19: {  	s15 =	sadd.s32 $0x8000, s11  }
0x1a: {  	p2 =	sgt.s32 s15, $0xFFFF  }
0x1b: {  	s15 =	smov.u32 @p2 s3;
	p2 =	sne.s32 s12, s9  }
.Ltmp1:
0x1c: {  	p1 =	slt.u32 s12, $0x2;
	(pc) =	sbr.rel @!p2 .LBB2_6-.Ltmp1, $4  }
0x1d: {  	s14 =	simm.s32 @!p1 $0x3  }
0x1e: {  	s16 =	sadd.s32 $0x1, s12;
	_ =	swait.ge @!p1 [sflag:s14], $0x400  }
0x1f: {  	s13 =	smov.u32 s11;
	p0 =	por !p0, !p0;
	[sflag:s14] =	ssyncset.done @!p1 $0x0  }
0x20: {  	s12 =	smov.u32 s16;
	s11 =	smov.u32 s15;
	[sflag:s14] =	ssyncadd.s32 @!p1 $0xFFFFFC00  }
.LBB2_1:
0x21: {  	p1 =	sge.u32 s12, s8  }
0x22: {  	s14 =	sxor.u32 @!p1 $0xFFFFFFFF, s12  }
0x23: {  	s31 =	sadd.s32 $0xFFFFFFFF, s12;
	s15 =	sshrl.u32 @!p1 s11, $0x3;
	s14 =	sshll.u32 @!p1 s14, $0xA  }
0x24: {  	s16 =	sand.u32 @!p1 $0x7, s11;
	s15 =	sadd.s32 @!p1 s5, s15;
	s14 =	sand.u32 @!p1 $0x400, s14  }
0x25: {  	[tilespmem:s14], [sflag:$0x2] =	stream.linear.gather @!p1 [hbm4b:s15+s16], $0x400, $0x38;
	[tilespmem:$0x1000] =	vst v63  }
0x26: {  	p1 =	sge.u32 s31, s8  }
.Ltmp2:
0x27: {  	_ = 	snop;
	(pc) =	sbr.rel @p1 .LBB2_5-.Ltmp2, $1  }
0x28: {  	_ =	sdelay $0x3  }
0x29: {  	s14 =	simm.s32 $0x1  }
0x2a: {  	_ =	swait.ge [sflag:s7], $0x400;
	s14 =	simm.s32 @!p0 $0x0  }
0x2b: {  	[sflag:s7] =	ssyncset.done $0x0;
	s14 =	sshll.u32 s14, $0xA  }
0x2c: {  	[sflag:s7] =	ssyncadd.s32 $0xFFFFFC00;
	(ifvalue) =	ssetifvalue $0x7FFFFFFF;
	v0 =	vld.msk [tilespmem:s14+$0x0 ss:$0x1], $0xffff;
	_ =	sdelay $0x4  }
0x2d: {  	s15 =	sadd.s32 $0x10, s14;
	vm1 =	vgt.s32 v0, $0x0  }
0x2e: {  	v2 =	vld.msk [tilespmem:s15+$0x0 ss:$0x1], $0xffff;
	v1 =	vnsel vm1, $0x0, v0  }
0x2f: {  	v1 =	vmin.u32 v1, $0xF423F;
	_ =	sdelay $0x1  }
0x30: {  	s16 =	sshll.u32 s12, $0xA;
	s18 =	simm.s32 $0x20  }
0x31: {  	s16 =	sand.u32 $0x400, s16;
	s17 =	sadd.s32 $0x10, s15;
	s15 =	sor.u32 $0x800, s14  }
0x32: {  	s14 =	sor.u32 $0x800, s16;
	s16 =	sadd.s32 $0x10, s15;
	v0 =	vld.msk [tilespmem:s17+$0x0 ss:$0x1], $0xffff;
	vm1 =	vgt.s32 v2, $0x0;
	(ifvalue) =	ssetifvalue $0x7FFFFFFF  }
.LBB2_3:
0x33: {  	[tilespmem:s15], [sflag:$0x1] =	stream.indirect_vreg.gather [hbm4b:s4+s10], $0x1, v1, vm0, $0x4038;
	[tilespmem:$0x1000] =	vst v63  }
0x34: {  	s18 =	sadd.s32 $0x10, s18  }
0x35: {  	v2 =	vnsel vm1, $0x0, v2;
	p1 =	slt.u32 s18, $0x3F0  }
.Ltmp3:
0x36: {  	s15 =	smov.u32 s16;
	v1 =	vmin.u32 v2, $0xF423F;
	(pc) =	sbr.rel @p1 .LBB2_3-.Ltmp3, $3  }
0x37: {  	_ =	sdelay $0x1  }
0x38: {  	s17 =	sadd.s32 $0x10, s17  }
0x39: {  	vm1 =	vgt.s32 v0, $0x0;
	s16 =	sadd.s32 $0x10, s16;
	v2 =	vmov v0;
	(ifvalue) =	ssetifvalue $0x7FFFFFFF;
	v0 =	vld.msk [tilespmem:s17+$0x0 ss:$0x1], $0xffff  }
.Ltmp4:
0x3a: {  	_ = 	snop;
	(pc) =	sbr.rel .LBB2_4-.Ltmp4, $1  }
0x3b: {  	_ =	sdelay $0x3  }
.LBB2_6:
0x3c: {  	_ =	sfence.sel $0x180000  }
0x3d: {  	s2 =	simm.s32 $0x2;
	[bflag:$0x0] =	sbarrier.arrive $0xFFFF  }
0x3e: {  	s30 =	simm.s32 $0x3;
	[sflag:s2] =	ssyncpa.u1 $0x1  }
0x3f: {  	s31 =	simm.s32 $0x1;
	[sflag:s30] =	ssyncpa.u1 $0x1  }
0x40: {  	[sflag:s31] =	ssyncpa.u1 $0x1  }
0x41: {  	p0 =	sne.s32 s1, $0x0;
	_ =	strace $0x90000050  }
0x42: {  	s0 =	sadd.s32 @!p0 $0x100000, s0;
	[bflag:$0x2] =	sbarrier.arrive $0xFFFF  }
0x43: {  	[sflag:s0] =	ssyncadd.tile.s32 @!p0 $0x1;
	_ =	shalt  }
.Lfunc_end2:
_tile_overlayer_lowered:
.L_overlay_start_2:
0x44: {  	(tag) =	ssettag $0x2  }
0x45: {  	s0 =	rddreg [dreg:$0x0];
	s2 =	stileid.u32  }
0x46: {  	s1 =	rddreg [dreg:$0x1];
	p0 =	sne.s32 s2, $0x0  }
0x47: {  	s3 =	rddreg [dreg:$0x2];
	[bflag:$0x3] =	sbarrier.arrive $0xFFFF;
	s2 =	simm.s32 @!p0 $0x1C01  }
0x48: {  	[timem:s3], [sflag:s2] =	dma.local @!p0 [hbm:s0], s1  }
0x49: {  	s0 =	simm.s32 @!p0 $0x1  }
0x4a: {  	_ =	swait.ge @!p0 [sflag:s0], s1  }
0x4b: {  	s1 =	ssub.s32 @!p0 $0x0, s1;
	[sflag:s0] =	ssyncset.done @!p0 $0x0  }
0x4c: {  	[sflag:s0] =	ssyncadd.s32 @!p0 s1  }
0x4d: {  	[bflag:$0x3] =	sbarrier.arrive $0xFFFF  }
0x4e: {  	_ =	shalt  }

// kernel: gather_offload_async_start
scs
__scs_entry_jumppad:
0x0: {  	(pc) =	sbr.rel $0x88, $3  }
0x1: {  	(tag) =	ssettag $0x0;
	lr =	simm.s32 $0x1  }
0x2: {  	[smem:$0x3F8F] =	sst lr;
	_ =	strace $0xD0000000  }
0x3: {  	_ = 	snop  }
0x4: {  	_ = 	snop  }
0x5: {  	_ = 	snop  }
0x6: {  	_ = 	snop  }
0x7: {  	_ = 	snop  }
__scs_overlays_trampoline_lowered:
0x8: {  	[smem:$0x3F9E] =	sst s0  }
0x9: {  	[smem:$0x3F9F] =	sst s1  }
0xa: {  	[smem:$0x3FA0] =	sst s2  }
0xb: {  	[smem:$0x3FA1] =	sst s3  }
0xc: {  	[smem:$0x3FA2] =	sst s4  }
0xd: {  	[smem:$0x3FA3] =	sst s5  }
0xe: {  	[smem:$0x3FA4] =	sst s6  }
0xf: {  	[smem:$0x3FA5] =	sst s7  }
0x10: {  	[smem:$0x3FA6] =	sst s8  }
0x11: {  	[smem:$0x3FA7] =	sst s9;
	s0 =	simm.s32 @!p0 $0x0  }
0x12: {  	s1 =	sld [smem:$0x3F8D];
	s0 =	simm.s32 @p0 $0x1  }
0x13: {  	[smem:$0x3FA8] =	sst s0;
	s0 =	simm.s32 @!p1 $0x0  }
0x14: {  	s2 =	sld [smem:$0x3F8C];
	s0 =	simm.s32 @p1 $0x1  }
0x15: {  	[smem:$0x3FA9] =	sst s0;
	s0 =	simm.s32 @!p2 $0x0  }
0x16: {  	s3 =	sld [smem:$0x3FDB];
	s0 =	simm.s32 @p2 $0x1  }
0x17: {  	s4 =	simm.s32 $0x1BF5;
	[smem:$0x3FAB] =	sst s0  }
0x18: {  	s0 =	sld [smem:$0x3F8E];
	_ =	swait.ge [sflag:s4], $0x0  }
0x19: {  	s7 =	sld [smem:$0x3F8F]  }
0x1a: {  	s8 =	sadd.s32 $0xFFFFE003, lr  }
0x1b: {  	s9 =	sadd.s32 $0xFFFFFEF7, lr;
	s5 =	simm.s32 $0xFFFFFFFF;
	p2 =	slt.u32 s8, $0xFFFFF086  }
0x1c: {  	p1 =	slt.u32 s9, $0xF7A;
	s5 =	simm.s32 @!p2 $0x0  }
0x1d: {  	s5 =	simm.s32 @p1 $0x1;
	p0 =	seq.s32 s7, s2  }
0x1e: {  	s7 =	smul.u32 @!p0 $0xF7A, s2;
	p2 =	seq.s32 @!p0 s5, $0x0  }
0x1f: {  	s9 =	smul.u32 $0xF7A, s1;
	s8 =	simm.s32 @!p0 $0x1BF5;
	p2 =	por !p2, p0  }
0x20: {  	[sflag:s8] =	ssyncset.s32 @!p0 $0xFFFFF086;
	s6 =	sadd.s32 @!p0 s3, s7;
	s7 =	simm.s32 @!p0 $0x108  }
0x21: {  	s3 =	sadd.s32 s3, s9;
	s6 =	sadd.s32 @!p0 $0x88, s6;
	s7 =	simm.s32 @p2 $0x1082  }
0x22: {  	[simem:s7], [sflag:s8] =	dma.local @!p0 [hbm:s6], $0xF7A  }
0x23: {  	s9 =	sor.u32 $0xD0000000, s2;
	s6 =	simm.s32 $0x108;
	_ =	swait.ge @!p0 [sflag:s8], $0x0  }
0x24: {  	s3 =	sadd.s32 $0x88, s3;
	s6 =	simm.s32 @!p1 $0x1082;
	[sflag:s4] =	ssyncset.s32 $0xFFFFF086  }
0x25: {  	[simem:s6], [sflag:s4] =	dma.local [hbm:s3], $0xF7A  }
0x26: {  	[smem:$0x3F8F] =	sst s1;
	(tag) =	ssettag s2;
	_ =	strace s9  }
0x27: {  	s1 =	sld [smem:$0x3F9F]  }
0x28: {  	s2 =	sld [smem:$0x3FA0]  }
0x29: {  	s4 =	sld [smem:$0x3FA2]  }
0x2a: {  	p0 =	seq.s32 s5, $0x0;
	s5 =	sld [smem:$0x3FA3]  }
0x2b: {  	s6 =	sld [smem:$0x3FA4]  }
0x2c: {  	s7 =	sld [smem:$0x3FA5]  }
0x2d: {  	s3 =	simm.s32 $0x108;
	s8 =	sld [smem:$0x3FA6]  }
0x2e: {  	s3 =	simm.s32 @!p0 $0x1082;
	s9 =	sld [smem:$0x3FA7]  }
0x2f: {  	lr =	sadd.s32 s0, s3;
	s0 =	sld [smem:$0x3F9E]  }
0x30: {  	s3 =	sld [smem:$0x3FA1]  }
0x31: {  	[smem:$0x3FAA] =	sst s10  }
0x32: {  	s10 =	sld [smem:$0x3FA8];
	_ =	sdelay $0x3  }
0x33: {  	p0 =	seq.s32 s10, $0x1;
	s10 =	sld [smem:$0x3FAA];
	_ =	sdelay $0x3  }
0x34: {  	[smem:$0x3FAA] =	sst s10  }
0x35: {  	s10 =	sld [smem:$0x3FA9];
	_ =	sdelay $0x3  }
0x36: {  	p1 =	seq.s32 s10, $0x1;
	s10 =	sld [smem:$0x3FAA];
	_ =	sdelay $0x3  }
0x37: {  	[smem:$0x3FAA] =	sst s10  }
0x38: {  	s10 =	sld [smem:$0x3FAB]  }
0x39: {  	_ = 	snop;
	(pc) =	sbr.ind lr, $3  }
0x3a: {  	_ = 	snop  }
0x3b: {  	_ = 	snop  }
0x3c: {  	p2 =	seq.s32 s10, $0x1;
	s10 =	sld [smem:$0x3FAA]  }
0x3d: {  	_ =	shalt  }
0x3e: {  	_ =	shalt  }
0x3f: {  	_ =	shalt  }
0x40: {  	_ =	shalt  }
0x41: {  	_ =	shalt  }
0x42: {  	_ =	shalt  }
0x43: {  	_ =	shalt  }
0x44: {  	_ =	shalt  }
0x45: {  	_ =	shalt  }
0x46: {  	_ =	shalt  }
0x47: {  	_ =	shalt  }
0x48: {  	_ =	shalt  }
0x49: {  	_ =	shalt  }
0x4a: {  	_ =	shalt  }
0x4b: {  	_ =	shalt  }
0x4c: {  	_ =	shalt  }
0x4d: {  	_ =	shalt  }
0x4e: {  	_ =	shalt  }
0x4f: {  	_ =	shalt  }
0x50: {  	_ =	shalt  }
0x51: {  	_ =	shalt  }
0x52: {  	_ =	shalt  }
0x53: {  	_ =	shalt  }
0x54: {  	_ =	shalt  }
0x55: {  	_ =	shalt  }
0x56: {  	_ =	shalt  }
0x57: {  	_ =	shalt  }
0x58: {  	_ =	shalt  }
0x59: {  	_ =	shalt  }
0x5a: {  	_ =	shalt  }
0x5b: {  	_ =	shalt  }
0x5c: {  	_ =	shalt  }
0x5d: {  	_ =	shalt  }
0x5e: {  	_ =	shalt  }
0x5f: {  	_ =	shalt  }
0x60: {  	_ =	shalt  }
0x61: {  	_ =	shalt  }
0x62: {  	_ =	shalt  }
0x63: {  	_ =	shalt  }
0x64: {  	_ =	shalt  }
0x65: {  	_ =	shalt  }
0x66: {  	_ =	shalt  }
0x67: {  	_ =	shalt  }
0x68: {  	_ =	shalt  }
0x69: {  	_ =	shalt  }
0x6a: {  	_ =	shalt  }
0x6b: {  	_ =	shalt  }
0x6c: {  	_ =	shalt  }
0x6d: {  	_ =	shalt  }
0x6e: {  	_ =	shalt  }
0x6f: {  	_ =	shalt  }
0x70: {  	_ =	shalt  }
0x71: {  	_ =	shalt  }
0x72: {  	_ =	shalt  }
0x73: {  	_ =	shalt  }
0x74: {  	_ =	shalt  }
0x75: {  	_ =	shalt  }
0x76: {  	_ =	shalt  }
0x77: {  	_ =	shalt  }
0x78: {  	_ =	shalt  }
0x79: {  	_ =	shalt  }
0x7a: {  	_ =	shalt  }
0x7b: {  	_ =	shalt  }
0x7c: {  	_ =	shalt  }
0x7d: {  	_ =	shalt  }
0x7e: {  	_ =	shalt  }
0x7f: {  	_ =	shalt  }
0x80: {  	_ =	shalt  }
0x81: {  	_ =	shalt  }
0x82: {  	_ =	shalt  }
0x83: {  	_ =	shalt  }
0x84: {  	_ =	shalt  }
0x85: {  	_ =	shalt  }
0x86: {  	_ =	shalt  }
0x87: {  	_ =	shalt  }
.Lfunc_end0:
.L_simem_size_0:
called_computation.1_lowered:
.L_overlay_start_0:
0x88: {  	s2 =	sld [smem:$0x3FD9]  }
0x89: {  	s3 =	sld [smem:$0x3FFE];
	_ =	sdelay $0x1  }
0x8a: {  	s1 =	srdreg.scid  }
0x8b: {  	s0 =	sand.u32 $0x1, s1  }
0x8c: {  	s14 =	sshll.u32 s0, $0xA;
	s2 =	sadd.s32 s3, s2  }
0x8d: {  	s2 =	sadd.s32 s2, s14  }
0x8e: {  	[smem:$0x3FB6] =	sst s2  }
0x8f: {  	_ = 	snop  }
0x90: {  	s2 =	sld [smem:$0x3FD0];
	_ =	sdelay $0x2  }
0x91: {  	s15 =	simm.s32 $0xB;
	s4 =	simm.s32 $0x10  }
0x92: {  	[smem:s4], [sflag:s15] =	dma.local [hbm:s2], $0x1  }
0x93: {  	_ =	swait.eq [sflag:s15], $0x1  }
0x94: {  	[sflag:s15] =	ssyncset.done $0x0  }
0x95: {  	[sflag:s15] =	ssyncadd.s32 $0xFFFFFFFF  }
0x96: {  	s16 =	sld [smem:$0x12];
	(tm) =	ssettm $0x1  }
0x97: {  	s17 =	sld [smem:$0x3FFB];
	_ =	sdelay $0x3  }
0x98: {  	_ =	strace s17  }
0x99: {  	s3 =	sld [smem:$0x3FFC];
	_ =	sdelay $0x3  }
0x9a: {  	_ =	strace s3  }
0x9b: {  	s3 =	sld [smem:$0x3FFD];
	_ =	sdelay $0x3  }
0x9c: {  	_ =	strace s3  }
0x9d: {  	_ =	strace $0x8FFFFFFF  }
0x9e: {  	s18 =	sld [smem:$0x3FDB];
	_ =	sdelay $0x1  }
0x9f: {  	s19 =	simm.s32 $_scs_section_size  }
0xa0: {  	s5 =	simm.s32 $_size__tile_overlayer_lowered;
	s6 =	simm.s32 $_tile_overlayer_lowered  }
0xa1: {  	s22 =	simm.s32 $0x1BFF;
	s21 =	sshll.u32 s6, $0x1;
	s3 =	sadd.s32 s19, s18  }
0xa2: {  	s7 =	simm.s32 $0x0;
	s20 =	sshll.u32 s5, $0x1;
	s5 =	sadd.s32 s21, s3  }
0xa3: {  	[timem:s7], [sflag:s22] =	dma.local [hbm:s5], s20  }
0xa4: {  	_ =	swait.ge [sflag:s22], s20  }
0xa5: {  	s4 =	ssub.s32 $0x0, s20;
	[sflag:s22] =	ssyncset.done $0x0  }
0xa6: {  	[sflag:s22] =	ssyncadd.s32 s4;
	_ =	sdelay $0x1  }
0xa7: {  	s23 =	simm.s32 $0x1B8B  }
0xa8: {  	_ =	swait.ge [sflag:s23], $0x1  }
0xa9: {  	[sflag:s23] =	ssyncset.done $0x0  }
0xaa: {  	s25 =	simm.s32 $0x1B8E;
	s24 =	sld [smem:$0x3FFE];
	[sflag:s23] =	ssyncadd.s32 $0xFFFFFFFF  }
0xab: {  	s26 =	simm.s32 $execute0_lowered;
	[smem:$0x3FD2] =	sst s25  }
0xac: {  	s5 =	sshll.u32 s26, $0x1;
	_ =	strace $0x80000046;
	[dreg:$0x1] =	wrdreg $0xFFFFFFFF  }
0xad: {  	s28 =	simm.s32 $_size_execute0_lowered;
	s3 =	sadd.s32 s3, s5;
	[dreg:$0x0] =	wrdreg $0x0  }
0xae: {  	s5 =	sshll.u32 s28, $0x1;
	[dreg:$0x2] =	wrdreg s3  }
0xaf: {  	[dreg:$0x3] =	wrdreg s5  }
0xb0: {  	[dreg:$0x4] =	wrdreg $0xC0  }
0xb1: {  	_ =	task [dreg:s7], $0x5FFFF  }
0xb2: {  	[dreg:$0x1] =	wrdreg $0xFFFFFFFF  }
0xb3: {  	[dreg:$0x0] =	wrdreg $0x60  }
0xb4: {  	[dreg:$0x2] =	wrdreg s16  }
0xb5: {  	[dreg:$0x3] =	wrdreg s24  }
0xb6: {  	[dreg:$0x4] =	wrdreg $0xA  }
0xb7: {  	_ =	task.clear_ibuf [dreg:s7], $0x5FFFF;
	_ =	strace $0x90000046  }
0xb8: {  	s29 =	simm.s32 $0xA;
	_ =	strace $0x80000048  }
0xb9: {  	_ =	swait.ge [sflag:s29], $0x1  }
0xba: {  	[sflag:s29] =	ssyncadd.s32 $0xFFFFFFFF  }
0xbb: {  	_ =	strace $0x90000048  }
0xbc: {  	_ =	sfence  }
0xbd: {  	s30 =	sld [smem:$0x0];
	_ =	sdelay $0x2  }
0xbe: {  	s31 =	sshll.u32 s1, $0xD;
	s1 =	sshrl.u32 s1, $0x2  }
0xbf: {  	s3 =	sand.u32 $0x4000, s31;
	s1 =	sadd.s32 s1, s30  }
0xc0: {  	s0 =	sor.u32 s3, s0;
	s1 =	sshll.u32 s1, $0x11  }
0xc1: {  	s0 =	sor.u32 s1, s0  }
0xc2: {  	s0 =	sadd.s32 $0x8F2B, s0  }
0xc3: {  	[sflag:s0] =	ssyncadd.remote.s32 $0x1  }
0xc4: {  	_ =	sfence.sel $0xFFFF  }
0xc5: {  	[dreg:$0x0] =	wrdreg $0xFFFFFFFF;
	(pc) =	sbr.abs _section_cstart, $3  }
0xc6: {  	[dreg:$0x1] =	wrdreg $0xFFFFFFFF  }
0xc7: {  	_ =	task.clear_ibuf [dreg:s7], $0x2FFFF;
	_ =	strace $0x9FFFFFFF  }
0xc8: {  	(tm) =	ssettm $0x7FFFFFFF  }
0xc9: {  	_ =	shalt  }
tec
execute0_lowered:
.L_overlay_start_1:
0x0: {  	(tag) =	ssettag $0x1  }
0x1: {  	s1 =	srdreg.scid;
	s2 =	rddreg [dreg:$0x0]  }
0x2: {  	s0 =	stileid.u32;
	s5 =	rddreg [dreg:$0x1];
	s6 =	simm.s32 $0x1  }
0x3: {  	s9 =	simm.s32 $0x1;
	s10 =	simm.s32 $0x3;
	s1 =	sshll.u32 s1, $0xC  }
0x4: {  	s13 =	simm.s32 $0x0;
	s3 =	sshll.u32 s0, $0xD;
	s4 =	sand.u32 $0x1000, s1  }
0x5: {  	s12 =	simm.s32 $0x0;
	s1 =	rddreg [dreg:$0x2];
	s3 =	sor.u32 s3, s4  }
0x6: {  	_ =	strace $0x80000047;
	s4 =	sadd.s32 $0x3A00, s5;
	s8 =	ssub.s32 $0x40000, s3  }
.Ltmp0:
0x7: {  	s5 =	sadd.s32 $0xBA00, s5;
	s7 =	sand.u32 $0x1F000, s8;
	(pc) =	sbr.rel .LBB2_1-.Ltmp0, $4  }
0x8: {  	[sflag:s6] =	ssyncpa.u1 $0x0;
	s11 =	smov.u32 s3;
	p0 =	sne.s32 s7, $0x0  }
0x9: {  	s8 =	sshrl.u32 s8, $0x11;
	s7 =	simm.s32 $0x2;
	s9 =	simm.s32 @!p0 $0x0  }
0xa: {  	[sflag:s7] =	ssyncpa.u1 $0x0;
	p0 =	por $0x0, $0x0;
	s8 =	sadd.s32 s9, s8  }
0xb: {  	vm0 =	vmmov $0xffff;
	[sflag:s10] =	ssyncpa.u1 $0x0;
	s10 =	simm.s32 $0x0;
	s9 =	sadd.s32 $0x1, s8  }
.LBB2_4:
0xc: {  	v2 =	vnsel vm1, $0x0, v2  }
0xd: {  	vm1 =	vgt.s32 v0, $0x0;
	v2 =	vmin.u32 v2, $0xF423F  }
0xe: {  	v0 =	vnsel vm1, $0x0, v0  }
0xf: {  	v0 =	vmin.u32 v0, $0xF423F  }
0x10: {  	[tilespmem:s15], [sflag:$0x1] =	stream.indirect_vreg.gather [hbm4b:s2+s10], $0x1, v1, vm0, $0x4038;
	[tilespmem:$0x4000] =	vst v63  }
0x11: {  	(ifvalue) =	ssetifvalue $0x7FFFFFFF  }
0x12: {  	[tilespmem:s16], [sflag:$0x1] =	stream.indirect_vreg.gather [hbm4b:s2+s10], $0x1, v2, vm0, $0x4038;
	[tilespmem:$0x4000] =	vst v63  }
0x13: {  	s29 =	sadd.s32 $0x10, s16;
	(ifvalue) =	ssetifvalue $0x7FFFFFFF  }
0x14: {  	[tilespmem:s29], [sflag:$0x1] =	stream.indirect_vreg.gather [hbm4b:s2+s10], $0x1, v0, vm0, $0x4038;
	[tilespmem:$0x4000] =	vst v63  }
0x15: {  	_ =	swait.ge [sflag:s6], $0x1000  }
0x16: {  	s30 =	sshrl.u32 s13, $0x3;
	[sflag:s6] =	ssyncset.done $0x0  }
0x17: {  	s31 =	sand.u32 $0x7, s13;
	s15 =	sadd.s32 s5, s30;
	[sflag:s6] =	ssyncadd.s32 $0xFFFFF000  }
0x18: {  	[hbm4b:s15+s31] =	stream.linear.scatter [tilespmem:s14], [sflag:$0x3], $0x1000, $0x38;
	[tilespmem:$0x4000] =	vst v63  }
.LBB2_5:
0x19: {  	s15 =	sadd.s32 $0x20000, s11  }
0x1a: {  	p2 =	sgt.s32 s15, $0x3FFFF  }
0x1b: {  	s15 =	smov.u32 @p2 s3;
	p2 =	sne.s32 s12, s9  }
.Ltmp1:
0x1c: {  	p1 =	slt.u32 s12, $0x2;
	(pc) =	sbr.rel @!p2 .LBB2_6-.Ltmp1, $4  }
0x1d: {  	s14 =	simm.s32 @!p1 $0x3  }
0x1e: {  	s16 =	sadd.s32 $0x1, s12;
	_ =	swait.ge @!p1 [sflag:s14], $0x1000  }
0x1f: {  	s13 =	smov.u32 s11;
	p0 =	por !p0, !p0;
	[sflag:s14] =	ssyncset.done @!p1 $0x0  }
0x20: {  	s12 =	smov.u32 s16;
	s11 =	smov.u32 s15;
	[sflag:s14] =	ssyncadd.s32 @!p1 $0xFFFFF000  }
.LBB2_1:
0x21: {  	p1 =	sge.u32 s12, s8  }
0x22: {  	s14 =	sxor.u32 @!p1 $0xFFFFFFFF, s12  }
0x23: {  	s31 =	sadd.s32 $0xFFFFFFFF, s12;
	s15 =	sshrl.u32 @!p1 s11, $0x3;
	s14 =	sshll.u32 @!p1 s14, $0xC  }
0x24: {  	s16 =	sand.u32 @!p1 $0x7, s11;
	s15 =	sadd.s32 @!p1 s4, s15;
	s14 =	sand.u32 @!p1 $0x1000, s14  }
0x25: {  	[tilespmem:s14], [sflag:$0x2] =	stream.linear.gather @!p1 [hbm4b:s15+s16], $0x1000, $0x38;
	[tilespmem:$0x4000] =	vst v63  }
0x26: {  	p1 =	sge.u32 s31, s8  }
.Ltmp2:
0x27: {  	_ = 	snop;
	(pc) =	sbr.rel @p1 .LBB2_5-.Ltmp2, $1  }
0x28: {  	_ =	sdelay $0x3  }
0x29: {  	s14 =	simm.s32 $0x1  }
0x2a: {  	_ =	swait.ge [sflag:s7], $0x1000;
	s14 =	simm.s32 @!p0 $0x0  }
0x2b: {  	[sflag:s7] =	ssyncset.done $0x0;
	s14 =	sshll.u32 s14, $0xC  }
0x2c: {  	[sflag:s7] =	ssyncadd.s32 $0xFFFFF000;
	(ifvalue) =	ssetifvalue $0x7FFFFFFF;
	v0 =	vld.msk [tilespmem:s14+$0x0 ss:$0x1], $0xffff;
	_ =	sdelay $0x4  }
0x2d: {  	s15 =	sadd.s32 $0x10, s14;
	vm1 =	vgt.s32 v0, $0x0  }
0x2e: {  	v2 =	vld.msk [tilespmem:s15+$0x0 ss:$0x1], $0xffff;
	v1 =	vnsel vm1, $0x0, v0  }
0x2f: {  	v1 =	vmin.u32 v1, $0xF423F;
	_ =	sdelay $0x1  }
0x30: {  	s16 =	sshll.u32 s12, $0xC;
	s18 =	simm.s32 $0x20  }
0x31: {  	s16 =	sand.u32 $0x1000, s16;
	s17 =	sadd.s32 $0x10, s15;
	s15 =	sor.u32 $0x2000, s14  }
0x32: {  	s14 =	sor.u32 $0x2000, s16;
	s16 =	sadd.s32 $0x10, s15;
	v0 =	vld.msk [tilespmem:s17+$0x0 ss:$0x1], $0xffff;
	vm1 =	vgt.s32 v2, $0x0;
	(ifvalue) =	ssetifvalue $0x7FFFFFFF  }
.LBB2_3:
0x33: {  	[tilespmem:s15], [sflag:$0x1] =	stream.indirect_vreg.gather [hbm4b:s2+s10], $0x1, v1, vm0, $0x4038;
	[tilespmem:$0x4000] =	vst v63  }
0x34: {  	s18 =	sadd.s32 $0x10, s18  }
0x35: {  	v2 =	vnsel vm1, $0x0, v2;
	p1 =	slt.u32 s18, $0xFF0  }
.Ltmp3:
0x36: {  	s15 =	smov.u32 s16;
	v1 =	vmin.u32 v2, $0xF423F;
	(pc) =	sbr.rel @p1 .LBB2_3-.Ltmp3, $3  }
0x37: {  	_ =	sdelay $0x1  }
0x38: {  	s17 =	sadd.s32 $0x10, s17  }
0x39: {  	vm1 =	vgt.s32 v0, $0x0;
	s16 =	sadd.s32 $0x10, s16;
	v2 =	vmov v0;
	(ifvalue) =	ssetifvalue $0x7FFFFFFF;
	v0 =	vld.msk [tilespmem:s17+$0x0 ss:$0x1], $0xffff  }
.Ltmp4:
0x3a: {  	_ = 	snop;
	(pc) =	sbr.rel .LBB2_4-.Ltmp4, $1  }
0x3b: {  	_ =	sdelay $0x3  }
.LBB2_6:
0x3c: {  	_ =	sfence.sel $0x180000  }
0x3d: {  	s2 =	simm.s32 $0x2;
	[bflag:$0x0] =	sbarrier.arrive $0xFFFF  }
0x3e: {  	s30 =	simm.s32 $0x3;
	[sflag:s2] =	ssyncpa.u1 $0x1  }
0x3f: {  	s31 =	simm.s32 $0x1;
	[sflag:s30] =	ssyncpa.u1 $0x1  }
0x40: {  	[sflag:s31] =	ssyncpa.u1 $0x1  }
0x41: {  	p0 =	sne.s32 s0, $0x0;
	_ =	strace $0x90000047  }
0x42: {  	s0 =	sadd.s32 @!p0 $0x100000, s1;
	[bflag:$0x2] =	sbarrier.arrive $0xFFFF  }
0x43: {  	[sflag:s0] =	ssyncadd.tile.s32 @!p0 $0x1;
	_ =	shalt  }
.Lfunc_end2:
_tile_overlayer_lowered:
.L_overlay_start_2:
0x44: {  	(tag) =	ssettag $0x2  }
0x45: {  	s0 =	rddreg [dreg:$0x0];
	s2 =	stileid.u32  }
0x46: {  	s1 =	rddreg [dreg:$0x1];
	p0 =	sne.s32 s2, $0x0  }
0x47: {  	s3 =	rddreg [dreg:$0x2];
	[bflag:$0x3] =	sbarrier.arrive $0xFFFF;
	s2 =	simm.s32 @!p0 $0x1C01  }
0x48: {  	[timem:s3], [sflag:s2] =	dma.local @!p0 [hbm:s0], s1  }
0x49: {  	s0 =	simm.s32 @!p0 $0x1  }
0x4a: {  	_ =	swait.ge @!p0 [sflag:s0], s1  }
0x4b: {  	s1 =	ssub.s32 @!p0 $0x0, s1;
	[sflag:s0] =	ssyncset.done @!p0 $0x0  }
0x4c: {  	[sflag:s0] =	ssyncadd.s32 @!p0 s1  }
0x4d: {  	[bflag:$0x3] =	sbarrier.arrive $0xFFFF  }
0x4e: {  	_ =	shalt  }

// kernel: kernel.5.cloned.1.call-start
scs
__scs_entry_jumppad:
0x0: {  	(pc) =	sbr.rel $0x88, $3  }
0x1: {  	(tag) =	ssettag $0x0;
	lr =	simm.s32 $0x1  }
0x2: {  	[smem:$0x3F8F] =	sst lr;
	_ =	strace $0xD0000000  }
0x3: {  	_ = 	snop  }
0x4: {  	_ = 	snop  }
0x5: {  	_ = 	snop  }
0x6: {  	_ = 	snop  }
0x7: {  	_ = 	snop  }
__scs_overlays_trampoline_lowered:
0x8: {  	[smem:$0x3F9E] =	sst s0  }
0x9: {  	[smem:$0x3F9F] =	sst s1  }
0xa: {  	[smem:$0x3FA0] =	sst s2  }
0xb: {  	[smem:$0x3FA1] =	sst s3  }
0xc: {  	[smem:$0x3FA2] =	sst s4  }
0xd: {  	[smem:$0x3FA3] =	sst s5  }
0xe: {  	[smem:$0x3FA4] =	sst s6  }
0xf: {  	[smem:$0x3FA5] =	sst s7  }
0x10: {  	[smem:$0x3FA6] =	sst s8  }
0x11: {  	[smem:$0x3FA7] =	sst s9;
	s0 =	simm.s32 @!p0 $0x0  }
0x12: {  	s1 =	sld [smem:$0x3F8D];
	s0 =	simm.s32 @p0 $0x1  }
0x13: {  	[smem:$0x3FA8] =	sst s0;
	s0 =	simm.s32 @!p1 $0x0  }
0x14: {  	s2 =	sld [smem:$0x3F8C];
	s0 =	simm.s32 @p1 $0x1  }
0x15: {  	[smem:$0x3FA9] =	sst s0;
	s0 =	simm.s32 @!p2 $0x0  }
0x16: {  	s3 =	sld [smem:$0x3FDB];
	s0 =	simm.s32 @p2 $0x1  }
0x17: {  	s4 =	simm.s32 $0x1BF5;
	[smem:$0x3FAB] =	sst s0  }
0x18: {  	s0 =	sld [smem:$0x3F8E];
	_ =	swait.ge [sflag:s4], $0x0  }
0x19: {  	s7 =	sld [smem:$0x3F8F]  }
0x1a: {  	s8 =	sadd.s32 $0xFFFFE003, lr  }
0x1b: {  	s9 =	sadd.s32 $0xFFFFFEF7, lr;
	s5 =	simm.s32 $0xFFFFFFFF;
	p2 =	slt.u32 s8, $0xFFFFF086  }
0x1c: {  	p1 =	slt.u32 s9, $0xF7A;
	s5 =	simm.s32 @!p2 $0x0  }
0x1d: {  	s5 =	simm.s32 @p1 $0x1;
	p0 =	seq.s32 s7, s2  }
0x1e: {  	s7 =	smul.u32 @!p0 $0xF7A, s2;
	p2 =	seq.s32 @!p0 s5, $0x0  }
0x1f: {  	s9 =	smul.u32 $0xF7A, s1;
	s8 =	simm.s32 @!p0 $0x1BF5;
	p2 =	por !p2, p0  }
0x20: {  	[sflag:s8] =	ssyncset.s32 @!p0 $0xFFFFF086;
	s6 =	sadd.s32 @!p0 s3, s7;
	s7 =	simm.s32 @!p0 $0x108  }
0x21: {  	s3 =	sadd.s32 s3, s9;
	s6 =	sadd.s32 @!p0 $0x88, s6;
	s7 =	simm.s32 @p2 $0x1082  }
0x22: {  	[simem:s7], [sflag:s8] =	dma.local @!p0 [hbm:s6], $0xF7A  }
0x23: {  	s9 =	sor.u32 $0xD0000000, s2;
	s6 =	simm.s32 $0x108;
	_ =	swait.ge @!p0 [sflag:s8], $0x0  }
0x24: {  	s3 =	sadd.s32 $0x88, s3;
	s6 =	simm.s32 @!p1 $0x1082;
	[sflag:s4] =	ssyncset.s32 $0xFFFFF086  }
0x25: {  	[simem:s6], [sflag:s4] =	dma.local [hbm:s3], $0xF7A  }
0x26: {  	[smem:$0x3F8F] =	sst s1;
	(tag) =	ssettag s2;
	_ =	strace s9  }
0x27: {  	s1 =	sld [smem:$0x3F9F]  }
0x28: {  	s2 =	sld [smem:$0x3FA0]  }
0x29: {  	s4 =	sld [smem:$0x3FA2]  }
0x2a: {  	p0 =	seq.s32 s5, $0x0;
	s5 =	sld [smem:$0x3FA3]  }
0x2b: {  	s6 =	sld [smem:$0x3FA4]  }
0x2c: {  	s7 =	sld [smem:$0x3FA5]  }
0x2d: {  	s3 =	simm.s32 $0x108;
	s8 =	sld [smem:$0x3FA6]  }
0x2e: {  	s3 =	simm.s32 @!p0 $0x1082;
	s9 =	sld [smem:$0x3FA7]  }
0x2f: {  	lr =	sadd.s32 s0, s3;
	s0 =	sld [smem:$0x3F9E]  }
0x30: {  	s3 =	sld [smem:$0x3FA1]  }
0x31: {  	[smem:$0x3FAA] =	sst s10  }
0x32: {  	s10 =	sld [smem:$0x3FA8];
	_ =	sdelay $0x3  }
0x33: {  	p0 =	seq.s32 s10, $0x1;
	s10 =	sld [smem:$0x3FAA];
	_ =	sdelay $0x3  }
0x34: {  	[smem:$0x3FAA] =	sst s10  }
0x35: {  	s10 =	sld [smem:$0x3FA9];
	_ =	sdelay $0x3  }
0x36: {  	p1 =	seq.s32 s10, $0x1;
	s10 =	sld [smem:$0x3FAA];
	_ =	sdelay $0x3  }
0x37: {  	[smem:$0x3FAA] =	sst s10  }
0x38: {  	s10 =	sld [smem:$0x3FAB]  }
0x39: {  	_ = 	snop;
	(pc) =	sbr.ind lr, $3  }
0x3a: {  	_ = 	snop  }
0x3b: {  	_ = 	snop  }
0x3c: {  	p2 =	seq.s32 s10, $0x1;
	s10 =	sld [smem:$0x3FAA]  }
0x3d: {  	_ =	shalt  }
0x3e: {  	_ =	shalt  }
0x3f: {  	_ =	shalt  }
0x40: {  	_ =	shalt  }
0x41: {  	_ =	shalt  }
0x42: {  	_ =	shalt  }
0x43: {  	_ =	shalt  }
0x44: {  	_ =	shalt  }
0x45: {  	_ =	shalt  }
0x46: {  	_ =	shalt  }
0x47: {  	_ =	shalt  }
0x48: {  	_ =	shalt  }
0x49: {  	_ =	shalt  }
0x4a: {  	_ =	shalt  }
0x4b: {  	_ =	shalt  }
0x4c: {  	_ =	shalt  }
0x4d: {  	_ =	shalt  }
0x4e: {  	_ =	shalt  }
0x4f: {  	_ =	shalt  }
0x50: {  	_ =	shalt  }
0x51: {  	_ =	shalt  }
0x52: {  	_ =	shalt  }
0x53: {  	_ =	shalt  }
0x54: {  	_ =	shalt  }
0x55: {  	_ =	shalt  }
0x56: {  	_ =	shalt  }
0x57: {  	_ =	shalt  }
0x58: {  	_ =	shalt  }
0x59: {  	_ =	shalt  }
0x5a: {  	_ =	shalt  }
0x5b: {  	_ =	shalt  }
0x5c: {  	_ =	shalt  }
0x5d: {  	_ =	shalt  }
0x5e: {  	_ =	shalt  }
0x5f: {  	_ =	shalt  }
0x60: {  	_ =	shalt  }
0x61: {  	_ =	shalt  }
0x62: {  	_ =	shalt  }
0x63: {  	_ =	shalt  }
0x64: {  	_ =	shalt  }
0x65: {  	_ =	shalt  }
0x66: {  	_ =	shalt  }
0x67: {  	_ =	shalt  }
0x68: {  	_ =	shalt  }
0x69: {  	_ =	shalt  }
0x6a: {  	_ =	shalt  }
0x6b: {  	_ =	shalt  }
0x6c: {  	_ =	shalt  }
0x6d: {  	_ =	shalt  }
0x6e: {  	_ =	shalt  }
0x6f: {  	_ =	shalt  }
0x70: {  	_ =	shalt  }
0x71: {  	_ =	shalt  }
0x72: {  	_ =	shalt  }
0x73: {  	_ =	shalt  }
0x74: {  	_ =	shalt  }
0x75: {  	_ =	shalt  }
0x76: {  	_ =	shalt  }
0x77: {  	_ =	shalt  }
0x78: {  	_ =	shalt  }
0x79: {  	_ =	shalt  }
0x7a: {  	_ =	shalt  }
0x7b: {  	_ =	shalt  }
0x7c: {  	_ =	shalt  }
0x7d: {  	_ =	shalt  }
0x7e: {  	_ =	shalt  }
0x7f: {  	_ =	shalt  }
0x80: {  	_ =	shalt  }
0x81: {  	_ =	shalt  }
0x82: {  	_ =	shalt  }
0x83: {  	_ =	shalt  }
0x84: {  	_ =	shalt  }
0x85: {  	_ =	shalt  }
0x86: {  	_ =	shalt  }
0x87: {  	_ =	shalt  }
.Lfunc_end0:
.L_simem_size_0:
called_computation.3_lowered:
.L_overlay_start_0:
0x88: {  	s2 =	sld [smem:$0x3FD9]  }
0x89: {  	s3 =	sld [smem:$0x3FFE];
	_ =	sdelay $0x1  }
0x8a: {  	s1 =	srdreg.scid  }
0x8b: {  	s0 =	sand.u32 $0x1, s1  }
0x8c: {  	s17 =	sshll.u32 s0, $0xA;
	s2 =	sadd.s32 s3, s2  }
0x8d: {  	s2 =	sadd.s32 s2, s17  }
0x8e: {  	[smem:$0x3FB6] =	sst s2  }
0x8f: {  	_ = 	snop  }
0x90: {  	s18 =	sld [smem:$0x3FC1]  }
0x91: {  	s4 =	sld [smem:$0x3FC0];
	(tm) =	ssettm $0x1  }
0x92: {  	s19 =	sld [smem:$0x3FFB];
	_ =	sdelay $0x3  }
0x93: {  	_ =	strace s19  }
0x94: {  	s2 =	sld [smem:$0x3FFC];
	_ =	sdelay $0x3  }
0x95: {  	_ =	strace s2  }
0x96: {  	s2 =	sld [smem:$0x3FFD];
	_ =	sdelay $0x3  }
0x97: {  	_ =	strace s2  }
0x98: {  	_ =	strace $0x8FFFFFFF  }
0x99: {  	s20 =	sld [smem:$0x3FDB];
	_ =	sdelay $0x1  }
0x9a: {  	s5 =	simm.s32 $_scs_section_size  }
0x9b: {  	s6 =	simm.s32 $_size__tile_overlayer_lowered;
	s7 =	simm.s32 $_tile_overlayer_lowered  }
0x9c: {  	s8 =	simm.s32 $0x1BFF;
	s21 =	sshll.u32 s7, $0x1;
	s5 =	sadd.s32 s5, s20  }
0x9d: {  	s22 =	simm.s32 $0x0;
	s6 =	sshll.u32 s6, $0x1;
	s7 =	sadd.s32 s21, s5  }
0x9e: {  	[timem:s22], [sflag:s8] =	dma.local [hbm:s7], s6  }
0x9f: {  	_ =	swait.ge [sflag:s8], s6  }
0xa0: {  	s6 =	ssub.s32 $0x0, s6;
	[sflag:s8] =	ssyncset.done $0x0  }
0xa1: {  	[sflag:s8] =	ssyncadd.s32 s6;
	_ =	sdelay $0x1  }
0xa2: {  	s23 =	simm.s32 $0x1B8B  }
0xa3: {  	_ =	swait.ge [sflag:s23], $0x1  }
0xa4: {  	[sflag:s23] =	ssyncset.done $0x0  }
0xa5: {  	[sflag:s23] =	ssyncadd.s32 $0xFFFFFFFF  }
0xa6: {  	s6 =	sld [smem:$0x0]  }
0xa7: {  	s7 =	sand.u32 $0xFFFFFFFE, s1  }
0xa8: {  	p0 =	sne.s32 s1, s7  }
0xa9: {  	s7 =	sshll.u32 @p0 s7, $0xE  }
0xaa: {  	s7 =	sadd.s32 @p0 $0x11B8D, s7;
	s8 =	sshll.u32 @p0 s6, $0x11  }
0xab: {  	s7 =	sor.u32 @p0 s8, s7  }
0xac: {  	[sflag:s7] =	ssyncadd.remote.s32 @p0 $0x1;
	_ =	sdelay $0x1  }
0xad: {  	s7 =	simm.s32 @p0 $0x1B8D  }
0xae: {  	_ =	swait.eq @p0 [sflag:s7], $0x1  }
0xaf: {  	[sflag:s7] =	ssyncadd.s32 @p0 $0xFFFFFFFF  }
0xb0: {  	s8 =	sshll.u32 @!p0 s1, $0xE  }
0xb1: {  	s8 =	sor.u32 @!p0 $0x4000, s8;
	s7 =	simm.s32 @!p0 $0x1B8D  }
0xb2: {  	s6 =	sshll.u32 @!p0 s6, $0x11;
	s8 =	sadd.s32 @!p0 $0x11B8D, s8;
	_ =	swait.eq @!p0 [sflag:s7], $0x1  }
0xb3: {  	s6 =	sor.u32 @!p0 s6, s8;
	[sflag:s7] =	ssyncadd.s32 @!p0 $0xFFFFFFFF  }
0xb4: {  	s25 =	simm.s32 $0x1B8E;
	s24 =	sld [smem:$0x3FFE];
	[sflag:s6] =	ssyncadd.remote.s32 @!p0 $0x1  }
0xb5: {  	s26 =	simm.s32 $execute0_lowered;
	[smem:$0x3FD2] =	sst s25  }
0xb6: {  	s7 =	sshll.u32 s26, $0x1;
	_ =	strace $0x8000004C;
	[dreg:$0x1] =	wrdreg $0xFFFFFFFF  }
0xb7: {  	s28 =	simm.s32 $_size_execute0_lowered;
	s5 =	sadd.s32 s5, s7;
	[dreg:$0x0] =	wrdreg $0x0  }
0xb8: {  	s7 =	sshll.u32 s28, $0x1;
	[dreg:$0x2] =	wrdreg s5  }
0xb9: {  	[dreg:$0x3] =	wrdreg s7  }
0xba: {  	[dreg:$0x4] =	wrdreg $0xC0  }
0xbb: {  	_ =	task [dreg:s22], $0x5FFFF  }
0xbc: {  	[dreg:$0x1] =	wrdreg $0xFFFFFFFF  }
0xbd: {  	[dreg:$0x0] =	wrdreg $0x60  }
0xbe: {  	[dreg:$0x2] =	wrdreg s24  }
0xbf: {  	[dreg:$0x3] =	wrdreg s18  }
0xc0: {  	[dreg:$0x4] =	wrdreg s4  }
0xc1: {  	[dreg:$0x5] =	wrdreg $0x122000  }
0xc2: {  	[dreg:$0x6] =	wrdreg $0x162800  }
0xc3: {  	[dreg:$0x7] =	wrdreg $0xA  }
0xc4: {  	_ =	task.clear_ibuf [dreg:s22], $0x8FFFF;
	_ =	strace $0x9000004C  }
0xc5: {  	s29 =	simm.s32 $0xA;
	_ =	strace $0x8000004E  }
0xc6: {  	_ =	swait.ge [sflag:s29], $0x1  }
0xc7: {  	[sflag:s29] =	ssyncadd.s32 $0xFFFFFFFF  }
0xc8: {  	_ =	strace $0x9000004E  }
0xc9: {  	_ =	sfence  }
0xca: {  	s30 =	sld [smem:$0x0];
	_ =	sdelay $0x2  }
0xcb: {  	s31 =	sshll.u32 s1, $0xD;
	s1 =	sshrl.u32 s1, $0x2  }
0xcc: {  	s4 =	sand.u32 $0x4000, s31;
	s1 =	sadd.s32 s1, s30  }
0xcd: {  	s0 =	sor.u32 s4, s0;
	s1 =	sshll.u32 s1, $0x11  }
0xce: {  	s0 =	sor.u32 s1, s0  }
0xcf: {  	s0 =	sadd.s32 $0x8F2B, s0  }
0xd0: {  	[sflag:s0] =	ssyncadd.remote.s32 $0x1  }
0xd1: {  	_ =	sfence.sel $0xFFFF  }
0xd2: {  	[dreg:$0x0] =	wrdreg $0xFFFFFFFF;
	(pc) =	sbr.abs _section_cstart, $3  }
0xd3: {  	[dreg:$0x1] =	wrdreg $0xFFFFFFFF  }
0xd4: {  	_ =	task.clear_ibuf [dreg:s22], $0x2FFFF;
	_ =	strace $0x9FFFFFFF  }
0xd5: {  	(tm) =	ssettm $0x7FFFFFFF  }
tec
execute0_lowered:
.L_overlay_start_1:
0x0: {  	(tag) =	ssettag $0x1  }
0x1: {  	s0 =	rddreg [dreg:$0x0]  }
0x2: {  	s1 =	rddreg [dreg:$0x1]  }
0x3: {  	s2 =	rddreg [dreg:$0x2]  }
0x4: {  	s3 =	rddreg [dreg:$0x3]  }
0x5: {  	s7 =	stileid.u32;
	s5 =	rddreg [dreg:$0x4]  }
0x6: {  	vm0 =	vcmask $0x300;
	s20 =	simm.s32 $0x0;
	v4 =	vimm.s32 $0x65432100;
	s21 =	srdreg.scid;
	s28 =	simm.s32 $0x8100  }
0x7: {  	v5 =	vimm.s32 $0xEDCBA987;
	v7 =	vimm.s32 $0xDCBA9876;
	s29 =	simm.s32 $0x8200;
	s30 =	simm.s32 $0x1;
	s31 =	simm.s32 $0x8180  }
0x8: {  	v0 =	vimm.f32 $0.0e+00;
	v8 =	vimm.s32 $0x54321000;
	v9 =	vimm.s32 $0xBA987654;
	s4 =	sshll.u32 s7, $0xE;
	[smem:$0x7FF] =	sst s20;
	s7 =	sshll.u32 s7, $0xB  }
0x9: {  	v3 =	vlaneseq.u32;
	v10 =	vimm.s32 $0xE40000;
	v11 =	vimm.s32 $0x32100000;
	s15 =	simm.s32 $0x3;
	s8 =	sadd.s32 $0x81BA00, s0;
	s9 =	sadd.s32 $0xC1BA00, s0  }
0xa: {  	vm2 =	vcmask $0x3F30;
	vm1 =	vmmov $0xf;
	v2 =	vsel vm0, $0x3F800000, v0;
	s10 =	sadd.s32 $0x13A00, s0;
	_ =	strace $0x8000004D;
	[dreg:$0x6] =	wrdreg s7  }
0xb: {  	v6 =	vunpack.c.l.s4.s8 v4;
	v5 =	vunpack.c.l.s4.s8 v5;
	v4 =	vimm.s32 $0x0;
	s11 =	sadd.s32 $0x113A00, s0;
	s23 =	sadd.s32 $0x213A00, s0;
	[dreg:$0x7] =	wrdreg s10  }
0xc: {  	v7 =	vunpack.c.l.s4.s8 v7;
	v8 =	vunpack.c.l.s4.s8 v8;
	v10 =	vunpack.c.l.s2.s4 v10;
	s12 =	sadd.s32 $0x41BA00, s0;
	s6 =	sand.u32 $0x20000, s4;
	[dreg:$0x8] =	wrdreg s11  }
0xd: {  	v9 =	vunpack.c.l.s4.s8 v9;
	s14 =	sadd.s32 $0x51BA00, s0;
	v11 =	vunpack.c.l.s4.s8 v11;
	s7 =	sadd.s32 s7, s0;
	[dreg:$0x9] =	wrdreg s23;
	v1 =	vmov s6  }
0xe: {  	[dreg:$0xa] =	wrdreg s12;
	s16 =	sand.u32 $0x1C000, s4;
	s26 =	sor.u32 $0x2000, s4;
	v5 =	vunpack.c.0.s8.s32 v5;
	v7 =	vunpack.c.0.s8.s32 v7;
	v10 =	vunpack.c.l.s4.s8 v10  }
0xf: {  	s18 =	sadd.s32 s4, s3;
	s20 =	sadd.s32 s4, s5;
	s23 =	simm.s32 $0x4;
	v6 =	vunpack.c.0.s8.s32 v6;
	v8 =	vunpack.c.0.s8.s32 v8;
	v9 =	vunpack.c.0.s8.s32 v9  }
0x10: {  	s4 =	simm.s32 $0xC200;
	s6 =	sand.u32 $0x1, s21;
	s7 =	sadd.s32 $0xBA00, s7;
	v5 =	vand.u32 $0xF, v5;
	v7 =	vand.u32 $0xF, v7;
	v10 =	vunpack.c.0.s8.s32 v10  }
.Ltmp0:
0x11: {  	s19 =	sadd.s32 s26, s3;
	s22 =	ssub.s32 $0x2, s6;
	v5 =	vcombine.low v6, v5;
	v6 =	vcombine.low v8, v7;
	v7 =	vunpack.c.0.s8.s32 v11;
	(pc) =	sbr.rel .LBB2_1-.Ltmp0, $4  }
0x12: {  	s21 =	sadd.s32 s26, s5;
	s26 =	simm.s32 $0x80;
	s24 =	sshrl.u32 s22, $0x1;
	v8 =	vand.u32 $0xF, v9;
	v9 =	vimm.s32 $0x7060504;
	v11 =	vmul.u32 $0x20000, v3  }
0x13: {  	vm0 =	vmmov $0x3;
	[dreg:$0xb] =	wrdreg s7;
	s17 =	sshll.u32 s6, $0x4;
	s25 =	ssub.s32 s22, s24;
	v7 =	vcombine.low v7, v8;
	v8 =	vunpack.c.0.s8.s32 v9  }
0x14: {  	s6 =	simm.s32 $0x2;
	s7 =	simm.s32 $0x0;
	s0 =	smax.u32 s25, $0x1;
	v9 =	vand.u32 $0x3, v10;
	v10 =	vimm.f32 $1.000000000e+00;
	v11 =	vor.u32 $0x10000000, v11  }
0x15: {  	s24 =	simm.s32 $0x4000;
	s25 =	simm.s32 $0x10200;
	[dreg:$0xc] =	wrdreg s0;
	v8 =	vsel vm2, v8, v9;
	vm2 =	vmmov $0xff;
	v9 =	vimm.s32 $0xF  }
.LBB2_25:
0x16: {  	s7 =	rddreg [dreg:$0xd]  }
0x17: {  	s0 =	rddreg [dreg:$0xc];
	s7 =	sadd.s32 $0x1, s7  }
0x18: {  	p0 =	sne.s32 s7, s0  }
.Ltmp1:
0x19: {  	_ = 	snop;
	(pc) =	sbr.rel @!p0 .LBB2_26-.Ltmp1, $1  }
0x1a: {  	_ =	sdelay $0x3  }
.LBB2_1:
0x1b: {  	[dreg:$0xd] =	wrdreg s7  }
0x1c: {  	s0 =	simm.s32 $0x0;
	s22 =	rddreg [dreg:$0xb]  }
0x1d: {  	[tilespmem:s0], [sflag:$0x4] =	stream.linear.gather [hbm4b:s22+s0], $0x4000, $0x38;
	[tilespmem:$0x1A300] =	vst v63  }
0x1e: {  	_ =	swait.ge [sflag:s23], $0x4000  }
0x1f: {  	[sflag:s23] =	ssyncset.done $0x0  }
0x20: {  	s7 =	simm.s32 $0x200;
	s0 =	simm.s32 $0x0;
	[sflag:s23] =	ssyncadd.s32 $0xFFFFC000  }
.LBB2_2:
0x21: {  	p0 =	sne.s32 s7, $0x7E00;
	[tilespmem:s0+$0x10270] =	vst v0  }
0x22: {  	[tilespmem:s0+$0x10200] =	vst v0  }
0x23: {  	[tilespmem:s0+$0x10210] =	vst v0  }
.Ltmp2:
0x24: {  	[tilespmem:s0+$0x10220] =	vst v0;
	(pc) =	sbr.rel @p0 .LBB2_2-.Ltmp2, $4  }
0x25: {  	[tilespmem:s0+$0x10230] =	vst v0  }
0x26: {  	[tilespmem:s0+$0x10240] =	vst v0  }
0x27: {  	[tilespmem:s0+$0x10250] =	vst v0  }
0x28: {  	[tilespmem:s0+$0x10260] =	vst v0;
	s0 =	sshra.s32 s7, $0x2;
	s7 =	sadd.s32 $0x200, s7  }
0x29: {  	[tilespmem:s0+$0x10270] =	vst v0  }
0x2a: {  	[tilespmem:s0+$0x10200] =	vst v0  }
0x2b: {  	[tilespmem:s0+$0x10210] =	vst v0  }
0x2c: {  	[tilespmem:s0+$0x10220] =	vst v0  }
0x2d: {  	[tilespmem:s0+$0x10230] =	vst v0  }
0x2e: {  	[tilespmem:s0+$0x10240] =	vst v0  }
0x2f: {  	[tilespmem:s0+$0x10250] =	vst v0  }
0x30: {  	s22 =	simm.s32 $0x0;
	[tilespmem:s0+$0x10260] =	vst v0;
	s0 =	simm.s32 $0x0;
	s7 =	simm.s32 $0x200  }
.LBB2_4:
0x31: {  	p0 =	sne.s32 s7, $0xFE00;
	[tilespmem:s0+$0xC270] =	vst v0  }
0x32: {  	[tilespmem:s0+$0xC200] =	vst v2  }
0x33: {  	[tilespmem:s0+$0xC210] =	vst v0  }
.Ltmp3:
0x34: {  	[tilespmem:s0+$0xC220] =	vst v0;
	(pc) =	sbr.rel @p0 .LBB2_4-.Ltmp3, $4  }
0x35: {  	[tilespmem:s0+$0xC230] =	vst v0  }
0x36: {  	[tilespmem:s0+$0xC240] =	vst v0  }
0x37: {  	[tilespmem:s0+$0xC250] =	vst v0  }
0x38: {  	[tilespmem:s0+$0xC260] =	vst v0;
	s0 =	sshra.s32 s7, $0x2;
	s7 =	sadd.s32 $0x200, s7  }
0x39: {  	[tilespmem:s0+$0xC270] =	vst v0  }
0x3a: {  	[tilespmem:s0+$0xC200] =	vst v2  }
0x3b: {  	[tilespmem:s0+$0xC210] =	vst v0  }
.Ltmp4:
0x3c: {  	[tilespmem:s0+$0xC220] =	vst v0;
	(pc) =	sbr.rel .LBB2_6-.Ltmp4, $4  }
0x3d: {  	[tilespmem:s0+$0xC230] =	vst v0  }
0x3e: {  	[tilespmem:s0+$0xC240] =	vst v0  }
0x3f: {  	[tilespmem:s0+$0xC250] =	vst v0  }
0x40: {  	[tilespmem:s0+$0xC260] =	vst v0  }
.LBB2_24:
0x41: {  	[bflag:$0x0] =	sbarrier.arrive $0xFFFF;
	s22 =	sadd.s32 $0x1, s22  }
0x42: {  	s11 =	rddreg [dreg:$0xa];
	p0 =	sne.s32 s22, $0x10  }
.Ltmp5:
0x43: {  	s0 =	sadd.s32 s11, s0;
	(pc) =	sbr.rel @!p0 .LBB2_25-.Ltmp5, $4  }
0x44: {  	[hbm:s0], [sflag:s7] =	dma.local [spmem:s10], $0x800  }
0x45: {  	_ =	swait.ge [sflag:s23], $0x800  }
0x46: {  	[sflag:s23] =	ssyncset.done $0x0  }
0x47: {  	[sflag:s23] =	ssyncadd.s32 $0xFFFFF800  }
.LBB2_6:
0x48: {  	s0 =	simm.s32 $0x0  }
0x49: {  	v14 =	vld [tilespmem:s0+$0x0];
	_ =	sdelay $0x3  }
0x4a: {  	s0 =	sadd.s32 s17, s22  }
0x4b: {  	v13 =	vmov s0;
	v15 =	vshrl.u32 v14, $0xB  }
0x4c: {  	v12 =	vimm.s32 $0x0;
	vm3 =	veq.s32 v15, v13  }
0x4d: {  	v15 =	vor.u32 v3, v12  }
0x4e: {  	v14 =	vshll.u32 v14, $0x11  }
0x4f: {  	v14 =	vand.u32 $0xFFE0000, v14  }
0x50: {  	v14 =	vor.u32 s16, v14  }
0x51: {  	s11 =	simm.s32 $0x4000;
	s7 =	simm.s32 $0x0;
	v16 =	vsel vm3, $0x10, v12;
	v17 =	vor.u32 v3, v14  }
0x52: {  	s13 =	simm.s32 $0x10;
	s12 =	simm.s32 $0x80;
	s10 =	smov.u32 s16;
	v14 =	vadd.s32 v12, v16;
	[tilespmem:v15+s11+$0x0] =	vst.idx.msk vm3, v17  }
.LBB2_7:
0x53: {  	p0 =	sne.s32 s12, $0xFFC0;
	v15 =	vld [tilespmem:s13+$0x0];
	_ =	sdelay $0x4  }
0x54: {  	v16 =	vshrl.u32 v15, $0xB  }
0x55: {  	vm3 =	veq.s32 v16, v13  }
0x56: {  	v16 =	vor.u32 v3, v14;
	v17 =	vsel vm3, $0x10, v12  }
.Ltmp6:
0x57: {  	v15 =	vshll.u32 v15, $0x11;
	v14 =	vadd.s32 v14, v17;
	(pc) =	sbr.rel @p0 .LBB2_7-.Ltmp6, $4  }
0x58: {  	s10 =	sadd.s32 $0x10, s10;
	v15 =	vand.u32 $0xFFE0000, v15  }
0x59: {  	v15 =	vor.u32 s10, v15  }
0x5a: {  	v15 =	vor.u32 v3, v15  }
0x5b: {  	s13 =	sshra.s32 s12, $0x2;
	s12 =	sadd.s32 $0x40, s12;
	[tilespmem:v16+s11+$0x0] =	vst.idx.msk vm3, v15  }
0x5c: {  	v15 =	vld [tilespmem:s13+$0x0];
	_ =	sdelay $0x4  }
0x5d: {  	v16 =	vshrl.u32 v15, $0xB  }
0x5e: {  	vm3 =	veq.s32 v16, v13  }
0x5f: {  	v63 =	vor.u32 v3, v14  }
0x60: {  	v13 =	vshll.u32 v15, $0x11  }
0x61: {  	s10 =	sadd.s32 $0x10, s10;
	v13 =	vand.u32 $0xFFE0000, v13  }
0x62: {  	v13 =	vor.u32 s10, v13  }
0x63: {  	v15 =	vsel vm3, $0x10, v12;
	s10 =	simm.s32 $0x4000;
	v17 =	vor.u32 v3, v13  }
0x64: {  	v13 =	vadd.s32 v14, v15;
	[tilespmem:v63+s10+$0x0] =	vst.idx.msk vm3, v17  }
.LBB2_9:
0x65: {  	vm3 =	vgt.s32 v13, s7  }
0x66: {  	v14 =	vsel vm3, $0x3F800000, v0  }
0x67: {  	(xrf0) =	vmax.scan.msk.f32 $0xffff, v14;
	_ =	sdelay $0x5  }
0x68: {  	v14, _, _ =	vpop (xrf0)  }
0x69: {  	(v2sf) =	vpush v14, $0xF;
	_ =	sdelay $0xe  }
0x6a: {  	s11 =	spop (v2sf)  }
0x6b: {  	p0 =	sgt.f32 s11, $0.0e+00  }
.Ltmp7:
0x6c: {  	_ = 	snop;
	(pc) =	sbr.rel @!p0 .LBB2_10-.Ltmp7, $1  }
0x6d: {  	_ =	sdelay $0x3  }
0x6e: {  	v14 =	vmov s7  }
0x6f: {  	vm3 =	vgt.s32 v13, v14  }
0x70: {  	v14 =	vsel vm3, $0x1, v4  }
0x71: {  	v15 =	vperm.xlane v14, v5  }
0x72: {  	vm4 =	veq.s32 v3, $0x0  }
0x73: {  	v15 =	vsel vm4, $0x0, v15  }
0x74: {  	v14 =	vadd.s32 v14, v15  }
0x75: {  	v15 =	vperm.xlane v14, v6;
	_ =	sdelay $0x1  }
0x76: {  	v15 =	vsel vm0, $0x0, v15  }
0x77: {  	v14 =	vadd.s32 v15, v14  }
0x78: {  	v15 =	vperm.xlane v14, v7;
	_ =	sdelay $0x1  }
0x79: {  	v15 =	vsel vm1, $0x0, v15  }
0x7a: {  	v14 =	vadd.s32 v15, v14  }
0x7b: {  	v15 =	vperm.xlane v14, v8;
	_ =	sdelay $0x1  }
0x7c: {  	v15 =	vsel vm2, $0x0, v15  }
0x7d: {  	v14 =	vadd.s32 v15, v14  }
0x7e: {  	v15 =	vadd.s32 v14, v12  }
0x7f: {  	v16 =	vld [tilespmem:s10+$0x0];
	v15 =	vadd.s32 $0xFFFFFFFF, v15  }
.Ltmp8:
0x80: {  	_ = 	snop;
	(pc) =	sbr.rel .LBB2_9-.Ltmp8, $3  }
0x81: {  	_ = 	snop  }
0x82: {  	v14 =	vperm.xlane v14, v9;
	_ =	sdelay $0x1  }
0x83: {  	s10 =	sadd.s32 $0x10, s10;
	s7 =	sadd.s32 $0x10, s7;
	v12 =	vadd.s32 v12, v14;
	[tilespmem:v15+s24+$0x0] =	vst.idx.msk vm3, v16  }
.LBB2_10:
0x84: {  	v13 =	vand.u32 $0x7F, v12  }
0x85: {  	vm3 =	veq.s32 v13, $0x0  }
0x86: {  	v14 =	vsel vm3, $0x0, v10  }
0x87: {  	(xrf0) =	vmax.scan.msk.f32 $0xffff, v14;
	_ =	sdelay $0x5  }
0x88: {  	v14, _, _ =	vpop (xrf0)  }
0x89: {  	(v2sf) =	vpush v14, $0xF;
	_ =	sdelay $0xe  }
0x8a: {  	s7 =	spop (v2sf)  }
0x8b: {  	p0 =	sgt.f32 s7, $0.0e+00  }
.Ltmp9:
0x8c: {  	_ = 	snop;
	(pc) =	sbr.rel @!p0 .LBB2_12-.Ltmp9, $1  }
0x8d: {  	_ =	sdelay $0x3  }
.LBB2_11:
0x8e: {  	v14 =	vsub.s32 $0x80, v13  }
0x8f: {  	v13 =	vmin.u32 v14, $0x10  }
0x90: {  	v15 =	vadd.s32 v3, v12;
	v12 =	vadd.s32 v12, v13  }
0x91: {  	v13 =	vand.u32 $0x7F, v12  }
0x92: {  	vm3 =	veq.s32 v13, $0x0  }
0x93: {  	v16 =	vsel vm3, $0x0, v10  }
0x94: {  	(xrf0) =	vmax.scan.msk.f32 $0xffff, v16;
	_ =	sdelay $0x5  }
0x95: {  	v16, _, _ =	vpop (xrf0)  }
0x96: {  	(v2sf) =	vpush v16, $0xF;
	_ =	sdelay $0xe  }
0x97: {  	vm3 =	vgt.u32 v14, v3;
	s7 =	spop (v2sf)  }
0x98: {  	p0 =	sgt.f32 s7, $0.0e+00  }
.Ltmp10:
0x99: {  	_ = 	snop;
	(pc) =	sbr.rel @p0 .LBB2_11-.Ltmp10, $2  }
0x9a: {  	_ =	sdelay $0x2  }
0x9b: {  	[tilespmem:v15+s24+$0x0] =	vst.idx.msk vm3, v11  }
.LBB2_12:
0x9c: {  	[spmem:s18] =	stream.linear.scatter [tilespmem:s25], [sflag:$0x4], $0x2000, $0x38;
	[tilespmem:$0x1A300] =	vst v63  }
0x9d: {  	_ =	swait.ge [sflag:s23], $0x2000  }
0x9e: {  	[sflag:s23] =	ssyncset.done $0x0  }
0x9f: {  	[sflag:s23] =	ssyncadd.s32 $0xFFFFE000  }
0xa0: {  	[spmem:s19] =	stream.linear.scatter [tilespmem:s25], [sflag:$0x4], $0x2000, $0x38;
	[tilespmem:$0x1A300] =	vst v63  }
0xa1: {  	_ =	swait.ge [sflag:s23], $0x2000  }
0xa2: {  	[sflag:s23] =	ssyncset.done $0x0  }
0xa3: {  	[sflag:s23] =	ssyncadd.s32 $0xFFFFE000  }
0xa4: {  	[spmem:s20] =	stream.linear.scatter [tilespmem:s25], [sflag:$0x4], $0x2000, $0x38;
	[tilespmem:$0x1A300] =	vst v63  }
0xa5: {  	_ =	swait.ge [sflag:s23], $0x2000  }
0xa6: {  	[sflag:s23] =	ssyncset.done $0x0  }
0xa7: {  	[sflag:s23] =	ssyncadd.s32 $0xFFFFE000  }
0xa8: {  	[spmem:s21] =	stream.linear.scatter [tilespmem:s25], [sflag:$0x4], $0x2000, $0x38;
	[tilespmem:$0x1A300] =	vst v63  }
0xa9: {  	_ =	swait.ge [sflag:s23], $0x2000  }
0xaa: {  	[sflag:s23] =	ssyncset.done $0x0  }
0xab: {  	[sflag:s23] =	ssyncadd.s32 $0xFFFFE000  }
0xac: {  	v12 =	vshrl.u32 v12, $0x7;
	s7 =	simm.s32 $0x0;
	s10 =	simm.s32 $0x4040;
	[bflag:$0x0] =	sbarrier.arrive $0xFFFF  }
.LBB2_13:
0xad: {  	v13 =	vmov s7  }
0xae: {  	vm3 =	vlt.s32 v13, v12  }
0xaf: {  	v13 =	vsel vm3, $0x3F800000, v0  }
0xb0: {  	(xrf0) =	vmax.scan.msk.f32 $0xffff, v13;
	_ =	sdelay $0x5  }
0xb1: {  	v13, _, _ =	vpop (xrf0)  }
0xb2: {  	(v2sf) =	vpush v13, $0xF;
	_ =	sdelay $0xe  }
0xb3: {  	s11 =	spop (v2sf)  }
0xb4: {  	p0 =	sgt.f32 s11, $0.0e+00  }
.Ltmp11:
0xb5: {  	_ = 	snop;
	(pc) =	sbr.rel @!p0 .LBB2_15-.Ltmp11, $1  }
0xb6: {  	_ =	sdelay $0x3  }
0xb7: {  	v13 =	vld [tilespmem:s10+$0xFFFFFFC0];
	_ =	sdelay $0x4  }
0xb8: {  	v14 =	vand.u32 $0x1FFFF, v13  }
0xb9: {  	v13 =	vshrl.u32 v13, $0x11;
	[tilespmem:$0x8100] =	vst v14  }
0xba: {  	[tilespmem:$0x8180] =	vst v13  }
0xbb: {  	v13 =	vld [tilespmem:s10+$0xFFFFFFD0];
	_ =	sdelay $0x4  }
0xbc: {  	v14 =	vand.u32 $0x1FFFF, v13  }
0xbd: {  	v13 =	vshrl.u32 v13, $0x11;
	[tilespmem:$0x8110] =	vst v14  }
0xbe: {  	[tilespmem:$0x8190] =	vst v13  }
0xbf: {  	v13 =	vld [tilespmem:s10+$0xFFFFFFE0];
	_ =	sdelay $0x4  }
0xc0: {  	v14 =	vand.u32 $0x1FFFF, v13  }
0xc1: {  	v13 =	vshrl.u32 v13, $0x11;
	[tilespmem:$0x8120] =	vst v14  }
0xc2: {  	[tilespmem:$0x81A0] =	vst v13  }
0xc3: {  	v13 =	vld [tilespmem:s10+$0xFFFFFFF0];
	_ =	sdelay $0x4  }
0xc4: {  	v14 =	vand.u32 $0x1FFFF, v13  }
0xc5: {  	v13 =	vshrl.u32 v13, $0x11;
	[tilespmem:$0x8130] =	vst v14  }
0xc6: {  	[tilespmem:$0x81B0] =	vst v13  }
0xc7: {  	v13 =	vld [tilespmem:s10+$0x0];
	_ =	sdelay $0x4  }
0xc8: {  	v14 =	vand.u32 $0x1FFFF, v13  }
0xc9: {  	v13 =	vshrl.u32 v13, $0x11;
	[tilespmem:$0x8140] =	vst v14  }
0xca: {  	[tilespmem:$0x81C0] =	vst v13  }
0xcb: {  	v13 =	vld [tilespmem:s10+$0x10];
	_ =	sdelay $0x4  }
0xcc: {  	v14 =	vand.u32 $0x1FFFF, v13  }
0xcd: {  	v13 =	vshrl.u32 v13, $0x11;
	[tilespmem:$0x8150] =	vst v14  }
0xce: {  	[tilespmem:$0x81D0] =	vst v13  }
0xcf: {  	v13 =	vld [tilespmem:s10+$0x20];
	_ =	sdelay $0x4  }
0xd0: {  	v14 =	vand.u32 $0x1FFFF, v13  }
0xd1: {  	v13 =	vshrl.u32 v13, $0x11;
	[tilespmem:$0x8160] =	vst v14  }
0xd2: {  	[tilespmem:$0x81E0] =	vst v13  }
0xd3: {  	v13 =	vld [tilespmem:s10+$0x30];
	_ =	sdelay $0x4  }
0xd4: {  	v14 =	vand.u32 $0x1FFFF, v13  }
0xd5: {  	v13 =	vshrl.u32 v13, $0x11;
	[tilespmem:$0x8170] =	vst v14  }
0xd6: {  	[tilespmem:$0x81F0] =	vst v13  }
0xd7: {  	[tilespmem:s29], [sflag:$0x1] =	stream.indirect.gather [hbm4b:s1+s26], $0x80, s28, s26, $0xb8;
	[tilespmem:$0x1A300] =	vst v63  }
0xd8: {  	_ =	swait.ge [sflag:s30], $0x4000  }
0xd9: {  	[sflag:s30] =	ssyncset.done $0x0  }
0xda: {  	[sflag:s30] =	ssyncadd.s32 $0xFFFFC000  }
0xdb: {  	[spmem:s3] =	stream.indirect.scatter.add.f32 [tilespmem:s29], [sflag:$0x2], $0x80, s31, s26, $0xb8;
	[tilespmem:$0x1A300] =	vst v63  }
0xdc: {  	_ = 	snop  }
0xdd: {  	[spmem:s5] =	stream.indirect.scatter.add.f32 [tilespmem:s4], [sflag:$0x3], $0x80, s31, s26, $0xb8;
	[tilespmem:$0x1A300] =	vst v63  }
0xde: {  	_ =	swait.ge [sflag:s6], $0x4000  }
.Ltmp12:
0xdf: {  	[sflag:s6] =	ssyncset.done $0x0;
	(pc) =	sbr.rel .LBB2_13-.Ltmp12, $4  }
0xe0: {  	[sflag:s6] =	ssyncadd.s32 $0xFFFFC000  }
0xe1: {  	_ =	swait.ge [sflag:s15], $0x4000  }
0xe2: {  	[sflag:s15] =	ssyncset.done $0x0  }
0xe3: {  	s7 =	sadd.s32 $0x1, s7;
	s10 =	sadd.s32 $0x80, s10;
	[sflag:s15] =	ssyncadd.s32 $0xFFFFC000  }
.LBB2_15:
0xe4: {  	[bflag:$0x0] =	sbarrier.arrive $0xFFFF  }
0xe5: {  	s0 =	sshll.u32 s0, $0xF;
	s12 =	stileid.u32;
	s7 =	rddreg [dreg:$0x6]  }
0xe6: {  	s10 =	rddreg [dreg:$0x7];
	s0 =	sor.u32 s7, s0;
	s7 =	sshll.u32 s12, $0x6  }
0xe7: {  	s11 =	sadd.s32 s10, s0;
	s7 =	sor.u32 $0x1C04, s7;
	s10 =	sshrl.u32 s18, $0x3  }
0xe8: {  	[hbm:s11], [sflag:s7] =	dma.local [spmem:s10], $0x800  }
0xe9: {  	_ =	swait.ge [sflag:s23], $0x800  }
0xea: {  	[sflag:s23] =	ssyncset.done $0x0  }
0xeb: {  	s12 =	sshrl.u32 s20, $0x3;
	s13 =	sadd.s32 s14, s0;
	[sflag:s23] =	ssyncadd.s32 $0xFFFFF800  }
0xec: {  	[hbm:s13], [sflag:s7] =	dma.local [spmem:s12], $0x800  }
0xed: {  	_ =	swait.ge [sflag:s23], $0x800  }
0xee: {  	[sflag:s23] =	ssyncset.done $0x0  }
0xef: {  	[sflag:s23] =	ssyncadd.s32 $0xFFFFF800  }
0xf0: {  	[spmem:s18] =	stream.linear.scatter [tilespmem:s25], [sflag:$0x4], $0x2000, $0x38;
	[tilespmem:$0x1A300] =	vst v63  }
0xf1: {  	_ =	swait.ge [sflag:s23], $0x2000  }
0xf2: {  	[sflag:s23] =	ssyncset.done $0x0  }
0xf3: {  	[sflag:s23] =	ssyncadd.s32 $0xFFFFE000  }
0xf4: {  	[spmem:s19] =	stream.linear.scatter [tilespmem:s25], [sflag:$0x4], $0x2000, $0x38;
	[tilespmem:$0x1A300] =	vst v63  }
0xf5: {  	_ =	swait.ge [sflag:s23], $0x2000  }
0xf6: {  	[sflag:s23] =	ssyncset.done $0x0  }
0xf7: {  	[sflag:s23] =	ssyncadd.s32 $0xFFFFE000  }
0xf8: {  	s11 =	simm.s32 $0x0;
	s12 =	simm.s32 $0x4040;
	[bflag:$0x0] =	sbarrier.arrive $0xFFFF  }
.LBB2_16:
0xf9: {  	v13 =	vmov s11  }
0xfa: {  	vm3 =	vlt.s32 v13, v12  }
0xfb: {  	v13 =	vsel vm3, $0x3F800000, v0  }
0xfc: {  	(xrf0) =	vmax.scan.msk.f32 $0xffff, v13;
	_ =	sdelay $0x5  }
0xfd: {  	v13, _, _ =	vpop (xrf0)  }
0xfe: {  	(v2sf) =	vpush v13, $0xF;
	_ =	sdelay $0xe  }
0xff: {  	s13 =	spop (v2sf)  }
0x100: {  	p0 =	sgt.f32 s13, $0.0e+00  }
.Ltmp13:
0x101: {  	_ = 	snop;
	(pc) =	sbr.rel @!p0 .LBB2_18-.Ltmp13, $1  }
0x102: {  	_ =	sdelay $0x3  }
0x103: {  	v13 =	vld [tilespmem:s12+$0xFFFFFFC0];
	_ =	sdelay $0x4  }
0x104: {  	v14 =	vand.u32 $0x1FFFF, v13  }
0x105: {  	v13 =	vshrl.u32 v13, $0x11;
	[tilespmem:$0x8100] =	vst v14  }
0x106: {  	[tilespmem:$0x8180] =	vst v13  }
0x107: {  	v13 =	vld [tilespmem:s12+$0xFFFFFFD0];
	_ =	sdelay $0x4  }
0x108: {  	v14 =	vand.u32 $0x1FFFF, v13  }
0x109: {  	v13 =	vshrl.u32 v13, $0x11;
	[tilespmem:$0x8110] =	vst v14  }
0x10a: {  	[tilespmem:$0x8190] =	vst v13  }
0x10b: {  	v13 =	vld [tilespmem:s12+$0xFFFFFFE0];
	_ =	sdelay $0x4  }
0x10c: {  	v14 =	vand.u32 $0x1FFFF, v13  }
0x10d: {  	v13 =	vshrl.u32 v13, $0x11;
	[tilespmem:$0x8120] =	vst v14  }
0x10e: {  	[tilespmem:$0x81A0] =	vst v13  }
0x10f: {  	v13 =	vld [tilespmem:s12+$0xFFFFFFF0];
	_ =	sdelay $0x4  }
0x110: {  	v14 =	vand.u32 $0x1FFFF, v13  }
0x111: {  	v13 =	vshrl.u32 v13, $0x11;
	[tilespmem:$0x8130] =	vst v14  }
0x112: {  	[tilespmem:$0x81B0] =	vst v13  }
0x113: {  	v13 =	vld [tilespmem:s12+$0x0];
	_ =	sdelay $0x4  }
0x114: {  	v14 =	vand.u32 $0x1FFFF, v13  }
0x115: {  	v13 =	vshrl.u32 v13, $0x11;
	[tilespmem:$0x8140] =	vst v14  }
0x116: {  	[tilespmem:$0x81C0] =	vst v13  }
0x117: {  	v13 =	vld [tilespmem:s12+$0x10];
	_ =	sdelay $0x4  }
0x118: {  	v14 =	vand.u32 $0x1FFFF, v13  }
0x119: {  	v13 =	vshrl.u32 v13, $0x11;
	[tilespmem:$0x8150] =	vst v14  }
0x11a: {  	[tilespmem:$0x81D0] =	vst v13  }
0x11b: {  	v13 =	vld [tilespmem:s12+$0x20];
	_ =	sdelay $0x4  }
0x11c: {  	v14 =	vand.u32 $0x1FFFF, v13  }
0x11d: {  	v13 =	vshrl.u32 v13, $0x11;
	[tilespmem:$0x8160] =	vst v14  }
0x11e: {  	[tilespmem:$0x81E0] =	vst v13  }
0x11f: {  	v13 =	vld [tilespmem:s12+$0x30];
	_ =	sdelay $0x4  }
0x120: {  	v14 =	vand.u32 $0x1FFFF, v13  }
0x121: {  	v13 =	vshrl.u32 v13, $0x11;
	[tilespmem:$0x8170] =	vst v14  }
0x122: {  	[tilespmem:$0x81F0] =	vst v13  }
0x123: {  	[tilespmem:s29], [sflag:$0x1] =	stream.indirect.gather [hbm4b:s2+s26], $0x80, s28, s26, $0xb8;
	[tilespmem:$0x1A300] =	vst v63  }
0x124: {  	_ =	swait.ge [sflag:s30], $0x4000  }
0x125: {  	[sflag:s30] =	ssyncset.done $0x0  }
.Ltmp14:
0x126: {  	[sflag:s30] =	ssyncadd.s32 $0xFFFFC000;
	(pc) =	sbr.rel .LBB2_16-.Ltmp14, $4  }
0x127: {  	[spmem:s3] =	stream.indirect.scatter.add.f32 [tilespmem:s29], [sflag:$0x2], $0x80, s31, s26, $0xb8;
	[tilespmem:$0x1A300] =	vst v63  }
0x128: {  	_ =	swait.ge [sflag:s6], $0x4000  }
0x129: {  	[sflag:s6] =	ssyncset.done $0x0  }
0x12a: {  	s11 =	sadd.s32 $0x1, s11;
	s12 =	sadd.s32 $0x80, s12;
	[sflag:s6] =	ssyncadd.s32 $0xFFFFC000  }
.LBB2_18:
0x12b: {  	[bflag:$0x0] =	sbarrier.arrive $0xFFFF  }
0x12c: {  	s11 =	rddreg [dreg:$0x8]  }
0x12d: {  	s11 =	sadd.s32 s11, s0  }
0x12e: {  	[hbm:s11], [sflag:s7] =	dma.local [spmem:s10], $0x800  }
0x12f: {  	_ =	swait.ge [sflag:s23], $0x800  }
0x130: {  	[sflag:s23] =	ssyncset.done $0x0  }
0x131: {  	[sflag:s23] =	ssyncadd.s32 $0xFFFFF800  }
0x132: {  	[spmem:s18] =	stream.linear.scatter [tilespmem:s25], [sflag:$0x4], $0x2000, $0x38;
	[tilespmem:$0x1A300] =	vst v63  }
0x133: {  	_ =	swait.ge [sflag:s23], $0x2000  }
0x134: {  	[sflag:s23] =	ssyncset.done $0x0  }
0x135: {  	[sflag:s23] =	ssyncadd.s32 $0xFFFFE000  }
0x136: {  	[spmem:s19] =	stream.linear.scatter [tilespmem:s25], [sflag:$0x4], $0x2000, $0x38;
	[tilespmem:$0x1A300] =	vst v63  }
0x137: {  	_ =	swait.ge [sflag:s23], $0x2000  }
0x138: {  	[sflag:s23] =	ssyncset.done $0x0  }
0x139: {  	[sflag:s23] =	ssyncadd.s32 $0xFFFFE000  }
0x13a: {  	s12 =	simm.s32 $0x4040;
	s11 =	simm.s32 $0x0;
	[bflag:$0x0] =	sbarrier.arrive $0xFFFF  }
.LBB2_19:
0x13b: {  	v13 =	vmov s11  }
0x13c: {  	vm3 =	vlt.s32 v13, v12  }
0x13d: {  	v13 =	vsel vm3, $0x3F800000, v0  }
0x13e: {  	(xrf0) =	vmax.scan.msk.f32 $0xffff, v13;
	_ =	sdelay $0x5  }
0x13f: {  	v13, _, _ =	vpop (xrf0)  }
0x140: {  	(v2sf) =	vpush v13, $0xF;
	_ =	sdelay $0xe  }
0x141: {  	s13 =	spop (v2sf)  }
0x142: {  	p0 =	sgt.f32 s13, $0.0e+00  }
.Ltmp15:
0x143: {  	_ = 	snop;
	(pc) =	sbr.rel @!p0 .LBB2_21-.Ltmp15, $1  }
0x144: {  	_ =	sdelay $0x3  }
0x145: {  	v13 =	vld [tilespmem:s12+$0xFFFFFFC0];
	_ =	sdelay $0x4  }
0x146: {  	v14 =	vand.u32 $0x1FFFF, v13;
	v13 =	vshrl.u32 v13, $0x11  }
0x147: {  	v14 =	vor.u32 v1, v14;
	[tilespmem:$0x8180] =	vst v13  }
0x148: {  	[tilespmem:$0x8100] =	vst v14  }
0x149: {  	v13 =	vld [tilespmem:s12+$0xFFFFFFD0];
	_ =	sdelay $0x4  }
0x14a: {  	v14 =	vand.u32 $0x1FFFF, v13;
	v13 =	vshrl.u32 v13, $0x11  }
0x14b: {  	v14 =	vor.u32 v1, v14;
	[tilespmem:$0x8190] =	vst v13  }
0x14c: {  	[tilespmem:$0x8110] =	vst v14  }
0x14d: {  	v13 =	vld [tilespmem:s12+$0xFFFFFFE0];
	_ =	sdelay $0x4  }
0x14e: {  	v14 =	vand.u32 $0x1FFFF, v13;
	v13 =	vshrl.u32 v13, $0x11  }
0x14f: {  	v14 =	vor.u32 v1, v14;
	[tilespmem:$0x81A0] =	vst v13  }
0x150: {  	[tilespmem:$0x8120] =	vst v14  }
0x151: {  	v13 =	vld [tilespmem:s12+$0xFFFFFFF0];
	_ =	sdelay $0x4  }
0x152: {  	v14 =	vand.u32 $0x1FFFF, v13;
	v13 =	vshrl.u32 v13, $0x11  }
0x153: {  	v14 =	vor.u32 v1, v14;
	[tilespmem:$0x81B0] =	vst v13  }
0x154: {  	[tilespmem:$0x8130] =	vst v14  }
0x155: {  	v13 =	vld [tilespmem:s12+$0x0];
	_ =	sdelay $0x4  }
0x156: {  	v14 =	vand.u32 $0x1FFFF, v13;
	v13 =	vshrl.u32 v13, $0x11  }
0x157: {  	v14 =	vor.u32 v1, v14;
	[tilespmem:$0x81C0] =	vst v13  }
0x158: {  	[tilespmem:$0x8140] =	vst v14  }
0x159: {  	v13 =	vld [tilespmem:s12+$0x10];
	_ =	sdelay $0x4  }
0x15a: {  	v14 =	vand.u32 $0x1FFFF, v13;
	v13 =	vshrl.u32 v13, $0x11  }
0x15b: {  	v14 =	vor.u32 v1, v14;
	[tilespmem:$0x81D0] =	vst v13  }
0x15c: {  	[tilespmem:$0x8150] =	vst v14  }
0x15d: {  	v13 =	vld [tilespmem:s12+$0x20];
	_ =	sdelay $0x4  }
0x15e: {  	v14 =	vand.u32 $0x1FFFF, v13;
	v13 =	vshrl.u32 v13, $0x11  }
0x15f: {  	v14 =	vor.u32 v1, v14;
	[tilespmem:$0x81E0] =	vst v13  }
0x160: {  	[tilespmem:$0x8160] =	vst v14  }
0x161: {  	v13 =	vld [tilespmem:s12+$0x30];
	_ =	sdelay $0x4  }
0x162: {  	v14 =	vand.u32 $0x1FFFF, v13;
	v13 =	vshrl.u32 v13, $0x11  }
0x163: {  	v14 =	vor.u32 v1, v14;
	[tilespmem:$0x81F0] =	vst v13  }
0x164: {  	[tilespmem:$0x8170] =	vst v14  }
0x165: {  	[tilespmem:s29], [sflag:$0x1] =	stream.indirect.gather [hbm4b:s8+s26], $0x80, s28, s26, $0xb8;
	[tilespmem:$0x1A300] =	vst v63  }
0x166: {  	_ =	swait.ge [sflag:s30], $0x4000  }
0x167: {  	[sflag:s30] =	ssyncset.done $0x0  }
.Ltmp16:
0x168: {  	[sflag:s30] =	ssyncadd.s32 $0xFFFFC000;
	(pc) =	sbr.rel .LBB2_19-.Ltmp16, $4  }
0x169: {  	[spmem:s3] =	stream.indirect.scatter.add.f32 [tilespmem:s29], [sflag:$0x2], $0x80, s31, s26, $0xb8;
	[tilespmem:$0x1A300] =	vst v63  }
0x16a: {  	_ =	swait.ge [sflag:s6], $0x4000  }
0x16b: {  	[sflag:s6] =	ssyncset.done $0x0  }
0x16c: {  	s11 =	sadd.s32 $0x1, s11;
	s12 =	sadd.s32 $0x80, s12;
	[sflag:s6] =	ssyncadd.s32 $0xFFFFC000  }
.LBB2_21:
0x16d: {  	[bflag:$0x0] =	sbarrier.arrive $0xFFFF  }
0x16e: {  	s11 =	rddreg [dreg:$0x9]  }
0x16f: {  	s11 =	sadd.s32 s11, s0  }
0x170: {  	[hbm:s11], [sflag:s7] =	dma.local [spmem:s10], $0x800  }
0x171: {  	_ =	swait.ge [sflag:s23], $0x800  }
0x172: {  	[sflag:s23] =	ssyncset.done $0x0  }
0x173: {  	[sflag:s23] =	ssyncadd.s32 $0xFFFFF800  }
0x174: {  	[spmem:s18] =	stream.linear.scatter [tilespmem:s25], [sflag:$0x4], $0x2000, $0x38;
	[tilespmem:$0x1A300] =	vst v63  }
0x175: {  	_ =	swait.ge [sflag:s23], $0x2000  }
0x176: {  	[sflag:s23] =	ssyncset.done $0x0  }
0x177: {  	[sflag:s23] =	ssyncadd.s32 $0xFFFFE000  }
0x178: {  	[spmem:s19] =	stream.linear.scatter [tilespmem:s25], [sflag:$0x4], $0x2000, $0x38;
	[tilespmem:$0x1A300] =	vst v63  }
0x179: {  	_ =	swait.ge [sflag:s23], $0x2000  }
0x17a: {  	[sflag:s23] =	ssyncset.done $0x0  }
0x17b: {  	[sflag:s23] =	ssyncadd.s32 $0xFFFFE000  }
0x17c: {  	s12 =	simm.s32 $0x4040;
	s11 =	simm.s32 $0x0;
	[bflag:$0x0] =	sbarrier.arrive $0xFFFF  }
.LBB2_22:
0x17d: {  	v13 =	vmov s11  }
0x17e: {  	vm3 =	vlt.s32 v13, v12  }
0x17f: {  	v13 =	vsel vm3, $0x3F800000, v0  }
0x180: {  	(xrf0) =	vmax.scan.msk.f32 $0xffff, v13;
	_ =	sdelay $0x5  }
0x181: {  	v13, _, _ =	vpop (xrf0)  }
0x182: {  	(v2sf) =	vpush v13, $0xF;
	_ =	sdelay $0xe  }
0x183: {  	s13 =	spop (v2sf)  }
0x184: {  	p0 =	sgt.f32 s13, $0.0e+00  }
.Ltmp17:
0x185: {  	_ = 	snop;
	(pc) =	sbr.rel @!p0 .LBB2_24-.Ltmp17, $1  }
0x186: {  	_ =	sdelay $0x3  }
0x187: {  	v13 =	vld [tilespmem:s12+$0xFFFFFFC0];
	_ =	sdelay $0x4  }
0x188: {  	v14 =	vand.u32 $0x1FFFF, v13;
	v13 =	vshrl.u32 v13, $0x11  }
0x189: {  	v14 =	vor.u32 v1, v14;
	[tilespmem:$0x8180] =	vst v13  }
0x18a: {  	[tilespmem:$0x8100] =	vst v14  }
0x18b: {  	v13 =	vld [tilespmem:s12+$0xFFFFFFD0];
	_ =	sdelay $0x4  }
0x18c: {  	v14 =	vand.u32 $0x1FFFF, v13;
	v13 =	vshrl.u32 v13, $0x11  }
0x18d: {  	v14 =	vor.u32 v1, v14;
	[tilespmem:$0x8190] =	vst v13  }
0x18e: {  	[tilespmem:$0x8110] =	vst v14  }
0x18f: {  	v13 =	vld [tilespmem:s12+$0xFFFFFFE0];
	_ =	sdelay $0x4  }
0x190: {  	v14 =	vand.u32 $0x1FFFF, v13;
	v13 =	vshrl.u32 v13, $0x11  }
0x191: {  	v14 =	vor.u32 v1, v14;
	[tilespmem:$0x81A0] =	vst v13  }
0x192: {  	[tilespmem:$0x8120] =	vst v14  }
0x193: {  	v13 =	vld [tilespmem:s12+$0xFFFFFFF0];
	_ =	sdelay $0x4  }
0x194: {  	v14 =	vand.u32 $0x1FFFF, v13;
	v13 =	vshrl.u32 v13, $0x11  }
0x195: {  	v14 =	vor.u32 v1, v14;
	[tilespmem:$0x81B0] =	vst v13  }
0x196: {  	[tilespmem:$0x8130] =	vst v14  }
0x197: {  	v13 =	vld [tilespmem:s12+$0x0];
	_ =	sdelay $0x4  }
0x198: {  	v14 =	vand.u32 $0x1FFFF, v13;
	v13 =	vshrl.u32 v13, $0x11  }
0x199: {  	v14 =	vor.u32 v1, v14;
	[tilespmem:$0x81C0] =	vst v13  }
0x19a: {  	[tilespmem:$0x8140] =	vst v14  }
0x19b: {  	v13 =	vld [tilespmem:s12+$0x10];
	_ =	sdelay $0x4  }
0x19c: {  	v14 =	vand.u32 $0x1FFFF, v13;
	v13 =	vshrl.u32 v13, $0x11  }
0x19d: {  	v14 =	vor.u32 v1, v14;
	[tilespmem:$0x81D0] =	vst v13  }
0x19e: {  	[tilespmem:$0x8150] =	vst v14  }
0x19f: {  	v13 =	vld [tilespmem:s12+$0x20];
	_ =	sdelay $0x4  }
0x1a0: {  	v14 =	vand.u32 $0x1FFFF, v13;
	v13 =	vshrl.u32 v13, $0x11  }
0x1a1: {  	v14 =	vor.u32 v1, v14;
	[tilespmem:$0x81E0] =	vst v13  }
0x1a2: {  	[tilespmem:$0x8160] =	vst v14  }
0x1a3: {  	v13 =	vld [tilespmem:s12+$0x30];
	_ =	sdelay $0x4  }
0x1a4: {  	v14 =	vand.u32 $0x1FFFF, v13;
	v13 =	vshrl.u32 v13, $0x11  }
0x1a5: {  	v14 =	vor.u32 v1, v14;
	[tilespmem:$0x81F0] =	vst v13  }
0x1a6: {  	[tilespmem:$0x8170] =	vst v14  }
0x1a7: {  	[tilespmem:s29], [sflag:$0x1] =	stream.indirect.gather [hbm4b:s9+s26], $0x80, s28, s26, $0xb8;
	[tilespmem:$0x1A300] =	vst v63  }
0x1a8: {  	_ =	swait.ge [sflag:s30], $0x4000  }
0x1a9: {  	[sflag:s30] =	ssyncset.done $0x0  }
.Ltmp18:
0x1aa: {  	[sflag:s30] =	ssyncadd.s32 $0xFFFFC000;
	(pc) =	sbr.rel .LBB2_22-.Ltmp18, $4  }
0x1ab: {  	[spmem:s3] =	stream.indirect.scatter.add.f32 [tilespmem:s29], [sflag:$0x2], $0x80, s31, s26, $0xb8;
	[tilespmem:$0x1A300] =	vst v63  }
0x1ac: {  	_ =	swait.ge [sflag:s6], $0x4000  }
0x1ad: {  	[sflag:s6] =	ssyncset.done $0x0  }
0x1ae: {  	s11 =	sadd.s32 $0x1, s11;
	s12 =	sadd.s32 $0x80, s12;
	[sflag:s6] =	ssyncadd.s32 $0xFFFFC000  }
.LBB2_26:
0x1af: {  	_ =	sfence.sel $0x180000  }
0x1b0: {  	[bflag:$0x0] =	sbarrier.arrive $0xFFFF  }
0x1b1: {  	_ =	strace $0x9000004D  }
0x1b2: {  	s0 =	stileid.u32;
	[bflag:$0x2] =	sbarrier.arrive $0xFFFF  }
0x1b3: {  	p0 =	sne.s32 s0, $0x0;
	s0 =	rddreg [dreg:$0x5]  }
0x1b4: {  	s0 =	sadd.s32 @!p0 $0x100000, s0  }
0x1b5: {  	[sflag:s0] =	ssyncadd.tile.s32 @!p0 $0x1;
	_ =	shalt  }
.Lfunc_end2:
_tile_overlayer_lowered:
.L_overlay_start_2:
0x1b6: {  	(tag) =	ssettag $0x2  }
0x1b7: {  	s0 =	rddreg [dreg:$0x0];
	s2 =	stileid.u32  }
0x1b8: {  	s1 =	rddreg [dreg:$0x1];
	p0 =	sne.s32 s2, $0x0  }
0x1b9: {  	s3 =	rddreg [dreg:$0x2];
	[bflag:$0x3] =	sbarrier.arrive $0xFFFF;
	s2 =	simm.s32 @!p0 $0x1C04  }
0x1ba: {  	[timem:s3], [sflag:s2] =	dma.local @!p0 [hbm:s0], s1  }
0x1bb: {  	s0 =	simm.s32 @!p0 $0x4  }
0x1bc: {  	_ =	swait.ge @!p0 [sflag:s0], s1  }
0x1bd: {  	s1 =	ssub.s32 @!p0 $0x0, s1;
	[sflag:s0] =	ssyncset.done @!p0 $0x0  }
0x1be: {  	[sflag:s0] =	ssyncadd.s32 @!p0 s1  }
0x1bf: {  	[bflag:$0x3] =	sbarrier.arrive $0xFFFF  }
0x1c0: {  	_ =	shalt  }

// kernel: scatter_offload_async_start
scs
__scs_entry_jumppad:
0x0: {  	(pc) =	sbr.rel $0x88, $3  }
0x1: {  	(tag) =	ssettag $0x0;
	lr =	simm.s32 $0x1  }
0x2: {  	[smem:$0x3F8F] =	sst lr;
	_ =	strace $0xD0000000  }
0x3: {  	_ = 	snop  }
0x4: {  	_ = 	snop  }
0x5: {  	_ = 	snop  }
0x6: {  	_ = 	snop  }
0x7: {  	_ = 	snop  }
__scs_overlays_trampoline_lowered:
0x8: {  	[smem:$0x3F9E] =	sst s0  }
0x9: {  	[smem:$0x3F9F] =	sst s1  }
0xa: {  	[smem:$0x3FA0] =	sst s2  }
0xb: {  	[smem:$0x3FA1] =	sst s3  }
0xc: {  	[smem:$0x3FA2] =	sst s4  }
0xd: {  	[smem:$0x3FA3] =	sst s5  }
0xe: {  	[smem:$0x3FA4] =	sst s6  }
0xf: {  	[smem:$0x3FA5] =	sst s7  }
0x10: {  	[smem:$0x3FA6] =	sst s8  }
0x11: {  	[smem:$0x3FA7] =	sst s9;
	s0 =	simm.s32 @!p0 $0x0  }
0x12: {  	s1 =	sld [smem:$0x3F8D];
	s0 =	simm.s32 @p0 $0x1  }
0x13: {  	[smem:$0x3FA8] =	sst s0;
	s0 =	simm.s32 @!p1 $0x0  }
0x14: {  	s2 =	sld [smem:$0x3F8C];
	s0 =	simm.s32 @p1 $0x1  }
0x15: {  	[smem:$0x3FA9] =	sst s0;
	s0 =	simm.s32 @!p2 $0x0  }
0x16: {  	s3 =	sld [smem:$0x3FDB];
	s0 =	simm.s32 @p2 $0x1  }
0x17: {  	s4 =	simm.s32 $0x1BF5;
	[smem:$0x3FAB] =	sst s0  }
0x18: {  	s0 =	sld [smem:$0x3F8E];
	_ =	swait.ge [sflag:s4], $0x0  }
0x19: {  	s7 =	sld [smem:$0x3F8F]  }
0x1a: {  	s8 =	sadd.s32 $0xFFFFE003, lr  }
0x1b: {  	s9 =	sadd.s32 $0xFFFFFEF7, lr;
	s5 =	simm.s32 $0xFFFFFFFF;
	p2 =	slt.u32 s8, $0xFFFFF086  }
0x1c: {  	p1 =	slt.u32 s9, $0xF7A;
	s5 =	simm.s32 @!p2 $0x0  }
0x1d: {  	s5 =	simm.s32 @p1 $0x1;
	p0 =	seq.s32 s7, s2  }
0x1e: {  	s7 =	smul.u32 @!p0 $0xF7A, s2;
	p2 =	seq.s32 @!p0 s5, $0x0  }
0x1f: {  	s9 =	smul.u32 $0xF7A, s1;
	s8 =	simm.s32 @!p0 $0x1BF5;
	p2 =	por !p2, p0  }
0x20: {  	[sflag:s8] =	ssyncset.s32 @!p0 $0xFFFFF086;
	s6 =	sadd.s32 @!p0 s3, s7;
	s7 =	simm.s32 @!p0 $0x108  }
0x21: {  	s3 =	sadd.s32 s3, s9;
	s6 =	sadd.s32 @!p0 $0x88, s6;
	s7 =	simm.s32 @p2 $0x1082  }
0x22: {  	[simem:s7], [sflag:s8] =	dma.local @!p0 [hbm:s6], $0xF7A  }
0x23: {  	s9 =	sor.u32 $0xD0000000, s2;
	s6 =	simm.s32 $0x108;
	_ =	swait.ge @!p0 [sflag:s8], $0x0  }
0x24: {  	s3 =	sadd.s32 $0x88, s3;
	s6 =	simm.s32 @!p1 $0x1082;
	[sflag:s4] =	ssyncset.s32 $0xFFFFF086  }
0x25: {  	[simem:s6], [sflag:s4] =	dma.local [hbm:s3], $0xF7A  }
0x26: {  	[smem:$0x3F8F] =	sst s1;
	(tag) =	ssettag s2;
	_ =	strace s9  }
0x27: {  	s1 =	sld [smem:$0x3F9F]  }
0x28: {  	s2 =	sld [smem:$0x3FA0]  }
0x29: {  	s4 =	sld [smem:$0x3FA2]  }
0x2a: {  	p0 =	seq.s32 s5, $0x0;
	s5 =	sld [smem:$0x3FA3]  }
0x2b: {  	s6 =	sld [smem:$0x3FA4]  }
0x2c: {  	s7 =	sld [smem:$0x3FA5]  }
0x2d: {  	s3 =	simm.s32 $0x108;
	s8 =	sld [smem:$0x3FA6]  }
0x2e: {  	s3 =	simm.s32 @!p0 $0x1082;
	s9 =	sld [smem:$0x3FA7]  }
0x2f: {  	lr =	sadd.s32 s0, s3;
	s0 =	sld [smem:$0x3F9E]  }
0x30: {  	s3 =	sld [smem:$0x3FA1]  }
0x31: {  	[smem:$0x3FAA] =	sst s10  }
0x32: {  	s10 =	sld [smem:$0x3FA8];
	_ =	sdelay $0x3  }
0x33: {  	p0 =	seq.s32 s10, $0x1;
	s10 =	sld [smem:$0x3FAA];
	_ =	sdelay $0x3  }
0x34: {  	[smem:$0x3FAA] =	sst s10  }
0x35: {  	s10 =	sld [smem:$0x3FA9];
	_ =	sdelay $0x3  }
0x36: {  	p1 =	seq.s32 s10, $0x1;
	s10 =	sld [smem:$0x3FAA];
	_ =	sdelay $0x3  }
0x37: {  	[smem:$0x3FAA] =	sst s10  }
0x38: {  	s10 =	sld [smem:$0x3FAB]  }
0x39: {  	_ = 	snop;
	(pc) =	sbr.ind lr, $3  }
0x3a: {  	_ = 	snop  }
0x3b: {  	_ = 	snop  }
0x3c: {  	p2 =	seq.s32 s10, $0x1;
	s10 =	sld [smem:$0x3FAA]  }
0x3d: {  	_ =	shalt  }
0x3e: {  	_ =	shalt  }
0x3f: {  	_ =	shalt  }
0x40: {  	_ =	shalt  }
0x41: {  	_ =	shalt  }
0x42: {  	_ =	shalt  }
0x43: {  	_ =	shalt  }
0x44: {  	_ =	shalt  }
0x45: {  	_ =	shalt  }
0x46: {  	_ =	shalt  }
0x47: {  	_ =	shalt  }
0x48: {  	_ =	shalt  }
0x49: {  	_ =	shalt  }
0x4a: {  	_ =	shalt  }
0x4b: {  	_ =	shalt  }
0x4c: {  	_ =	shalt  }
0x4d: {  	_ =	shalt  }
0x4e: {  	_ =	shalt  }
0x4f: {  	_ =	shalt  }
0x50: {  	_ =	shalt  }
0x51: {  	_ =	shalt  }
0x52: {  	_ =	shalt  }
0x53: {  	_ =	shalt  }
0x54: {  	_ =	shalt  }
0x55: {  	_ =	shalt  }
0x56: {  	_ =	shalt  }
0x57: {  	_ =	shalt  }
0x58: {  	_ =	shalt  }
0x59: {  	_ =	shalt  }
0x5a: {  	_ =	shalt  }
0x5b: {  	_ =	shalt  }
0x5c: {  	_ =	shalt  }
0x5d: {  	_ =	shalt  }
0x5e: {  	_ =	shalt  }
0x5f: {  	_ =	shalt  }
0x60: {  	_ =	shalt  }
0x61: {  	_ =	shalt  }
0x62: {  	_ =	shalt  }
0x63: {  	_ =	shalt  }
0x64: {  	_ =	shalt  }
0x65: {  	_ =	shalt  }
0x66: {  	_ =	shalt  }
0x67: {  	_ =	shalt  }
0x68: {  	_ =	shalt  }
0x69: {  	_ =	shalt  }
0x6a: {  	_ =	shalt  }
0x6b: {  	_ =	shalt  }
0x6c: {  	_ =	shalt  }
0x6d: {  	_ =	shalt  }
0x6e: {  	_ =	shalt  }
0x6f: {  	_ =	shalt  }
0x70: {  	_ =	shalt  }
0x71: {  	_ =	shalt  }
0x72: {  	_ =	shalt  }
0x73: {  	_ =	shalt  }
0x74: {  	_ =	shalt  }
0x75: {  	_ =	shalt  }
0x76: {  	_ =	shalt  }
0x77: {  	_ =	shalt  }
0x78: {  	_ =	shalt  }
0x79: {  	_ =	shalt  }
0x7a: {  	_ =	shalt  }
0x7b: {  	_ =	shalt  }
0x7c: {  	_ =	shalt  }
0x7d: {  	_ =	shalt  }
0x7e: {  	_ =	shalt  }
0x7f: {  	_ =	shalt  }
0x80: {  	_ =	shalt  }
0x81: {  	_ =	shalt  }
0x82: {  	_ =	shalt  }
0x83: {  	_ =	shalt  }
0x84: {  	_ =	shalt  }
0x85: {  	_ =	shalt  }
0x86: {  	_ =	shalt  }
0x87: {  	_ =	shalt  }
.Lfunc_end0:
.L_simem_size_0:
called_computation_lowered:
.L_overlay_start_0:
0x88: {  	s0 =	sld [smem:$0x3FD9]  }
0x89: {  	s1 =	sld [smem:$0x3FFE];
	_ =	sdelay $0x3  }
0x8a: {  	s0 =	sadd.s32 s1, s0  }
0x8b: {  	[smem:$0x3FB6] =	sst s0  }
0x8c: {  	_ = 	snop  }
0x8d: {  	s0 =	sld [smem:$0x3FD0];
	_ =	sdelay $0x2  }
0x8e: {  	s13 =	simm.s32 $0xB;
	s2 =	simm.s32 $0x10  }
0x8f: {  	[smem:s2], [sflag:s13] =	dma.local [hbm:s0], $0x1  }
0x90: {  	_ =	swait.eq [sflag:s13], $0x1  }
0x91: {  	[sflag:s13] =	ssyncset.done $0x0  }
0x92: {  	[sflag:s13] =	ssyncadd.s32 $0xFFFFFFFF  }
0x93: {  	s14 =	sld [smem:$0x10];
	(tm) =	ssettm $0x1  }
0x94: {  	s15 =	sld [smem:$0x3FFB];
	_ =	sdelay $0x3  }
0x95: {  	_ =	strace s15  }
0x96: {  	s1 =	sld [smem:$0x3FFC];
	_ =	sdelay $0x3  }
0x97: {  	_ =	strace s1  }
0x98: {  	s1 =	sld [smem:$0x3FFD];
	_ =	sdelay $0x3  }
0x99: {  	_ =	strace s1  }
0x9a: {  	_ =	strace $0x8FFFFFFF  }
0x9b: {  	s16 =	sld [smem:$0x3FDB];
	_ =	sdelay $0x1  }
0x9c: {  	s17 =	simm.s32 $_scs_section_size  }
0x9d: {  	s3 =	simm.s32 $_size__tile_overlayer_lowered;
	s4 =	simm.s32 $_tile_overlayer_lowered  }
0x9e: {  	s20 =	simm.s32 $0x1BFF;
	s19 =	sshll.u32 s4, $0x1;
	s1 =	sadd.s32 s17, s16  }
0x9f: {  	s5 =	simm.s32 $0x0;
	s18 =	sshll.u32 s3, $0x1;
	s3 =	sadd.s32 s19, s1  }
0xa0: {  	[timem:s5], [sflag:s20] =	dma.local [hbm:s3], s18  }
0xa1: {  	_ =	swait.ge [sflag:s20], s18  }
0xa2: {  	s2 =	ssub.s32 $0x0, s18;
	[sflag:s20] =	ssyncset.done $0x0  }
0xa3: {  	[sflag:s20] =	ssyncadd.s32 s2;
	_ =	sdelay $0x1  }
0xa4: {  	s21 =	simm.s32 $0x1B8B  }
0xa5: {  	_ =	swait.ge [sflag:s21], $0x1  }
0xa6: {  	[sflag:s21] =	ssyncset.done $0x0  }
0xa7: {  	s23 =	simm.s32 $0x1B8E;
	s22 =	sld [smem:$0x3FFE];
	[sflag:s21] =	ssyncadd.s32 $0xFFFFFFFF  }
0xa8: {  	s24 =	simm.s32 $execute0_lowered;
	[smem:$0x3FD2] =	sst s23  }
0xa9: {  	s3 =	sshll.u32 s24, $0x1;
	_ =	strace $0x80000049;
	[dreg:$0x1] =	wrdreg $0xFFFFFFFF  }
0xaa: {  	s25 =	simm.s32 $_size_execute0_lowered;
	s1 =	sadd.s32 s1, s3;
	[dreg:$0x0] =	wrdreg $0x0  }
0xab: {  	s3 =	sshll.u32 s25, $0x1;
	[dreg:$0x2] =	wrdreg s1  }
0xac: {  	[dreg:$0x3] =	wrdreg s3  }
0xad: {  	[dreg:$0x4] =	wrdreg $0xC0  }
0xae: {  	_ =	task [dreg:s5], $0x5FFFF  }
0xaf: {  	[dreg:$0x1] =	wrdreg $0xFFFFFFFF  }
0xb0: {  	[dreg:$0x0] =	wrdreg $0x60  }
0xb1: {  	[dreg:$0x2] =	wrdreg s14  }
0xb2: {  	[dreg:$0x3] =	wrdreg s22  }
0xb3: {  	[dreg:$0x4] =	wrdreg $0x9  }
0xb4: {  	_ =	task.clear_ibuf [dreg:s5], $0x5FFFF;
	_ =	strace $0x90000049  }
0xb5: {  	s26 =	simm.s32 $0x9;
	_ =	strace $0x8000004B  }
0xb6: {  	_ =	swait.ge [sflag:s26], $0x1  }
0xb7: {  	[sflag:s26] =	ssyncadd.s32 $0xFFFFFFFF  }
0xb8: {  	_ =	strace $0x9000004B  }
0xb9: {  	_ =	sfence  }
0xba: {  	s28 =	sld [smem:$0x0];
	_ =	sdelay $0x1  }
0xbb: {  	s29 =	srdreg.scid  }
0xbc: {  	s30 =	sshll.u32 s29, $0xD;
	s31 =	sshrl.u32 s29, $0x2  }
0xbd: {  	s2 =	sand.u32 $0x4000, s30;
	s1 =	sand.u32 $0x1, s29;
	s0 =	sadd.s32 s31, s28  }
0xbe: {  	s1 =	sor.u32 s2, s1;
	s0 =	sshll.u32 s0, $0x11  }
0xbf: {  	s0 =	sor.u32 s0, s1  }
0xc0: {  	s0 =	sadd.s32 $0x8F2B, s0  }
0xc1: {  	[sflag:s0] =	ssyncadd.remote.s32 $0x1  }
0xc2: {  	_ =	sfence.sel $0xFFFF  }
0xc3: {  	[dreg:$0x0] =	wrdreg $0xFFFFFFFF;
	(pc) =	sbr.abs _section_cstart, $3  }
0xc4: {  	[dreg:$0x1] =	wrdreg $0xFFFFFFFF  }
0xc5: {  	_ =	task.clear_ibuf [dreg:s5], $0x2FFFF;
	_ =	strace $0x9FFFFFFF  }
0xc6: {  	(tm) =	ssettm $0x7FFFFFFF  }
0xc7: {  	_ =	shalt  }
tec
execute0_lowered:
.L_overlay_start_1:
0x0: {  	(tag) =	ssettag $0x1  }
0x1: {  	s1 =	rddreg [dreg:$0x0]  }
0x2: {  	s0 =	rddreg [dreg:$0x1];
	_ =	strace $0x8000004A;
	s2 =	simm.s32 $0x1  }
0x3: {  	v1 =	vimm.s32 $0xFFFFFFFF;
	[sflag:s2] =	ssyncpa.u1 $0x0  }
0x4: {  	[tilespmem:$0x10] =	vst v1  }
0x5: {  	v0 =	vimm.f32 $-Inf;
	[tilespmem:$0x20] =	vst v1  }
0x6: {  	[tilespmem:$0x30] =	vst v0  }
0x7: {  	[tilespmem:$0x40] =	vst v0  }
0x8: {  	s30 =	simm.s32 $0x2;
	[tilespmem:$0x50] =	vst v0  }
0x9: {  	s3 =	stileid.u32;
	s6 =	simm.s32 $0x7;
	s8 =	simm.s32 $0x8;
	[tilespmem:$0x60] =	vst v1  }
0xa: {  	s31 =	simm.s32 $0x9;
	s14 =	simm.s32 $0x0;
	s15 =	simm.s32 $0x60F0;
	[tilespmem:$0x70] =	vst v1  }
0xb: {  	s16 =	simm.s32 $0xF0;
	p0 =	por $0x0, $0x0;
	s17 =	simm.s32 $0xFFFFC100;
	[tilespmem:$0x80] =	vst v1  }
0xc: {  	s18 =	simm.s32 $0xFFFFFFFE;
	s19 =	simm.s32 $0xF;
	s23 =	simm.s32 $0x0;
	v1 =	vimm.s32 $0x0;
	[tilespmem:$0xB0] =	vst v0  }
.Ltmp0:
0xd: {  	s21 =	simm.s32 $0x0;
	s4 =	sadd.s32 $0x40BA00, s0;
	[tilespmem:$0x90] =	vst v1;
	(pc) =	sbr.rel .LBB2_1-.Ltmp0, $4  }
0xe: {  	s5 =	sadd.s32 $0x413A00, s0;
	s7 =	sshll.u32 s3, $0xE;
	[tilespmem:$0xA0] =	vst v1;
	[sflag:s30] =	ssyncpa.u1 $0x0  }
0xf: {  	s9 =	sshll.u32 s3, $0x1;
	s12 =	sshllo.u32 s3, $0x1;
	[sflag:s6] =	ssyncpa.u1 $0x0  }
0x10: {  	vm0 =	vmmov $0xffff;
	v2 =	vlaneseq.u32;
	vm1 =	vmxor vm1, vm1;
	s10 =	sadd.s32 $0x4000, s7;
	s11 =	sor.u32 $0x81, s9;
	[sflag:s8] =	ssyncpa.u1 $0x0  }
0x11: {  	vm2 =	vmmov $0x1;
	v3 =	vimm.f32 $0.0e+00;
	vm3 =	vcmask $0x3F3C;
	s13 =	sor.u32 $0x80, s9;
	s22 =	smov.u32 s7;
	[sflag:s31] =	ssyncpa.u1 $0x0  }
.LBB2_10:
0x12: {  	p1 =	slt.u32 s21, $0x3  }
0x13: {  	s0 =	simm.s32 @!p1 $0x2  }
0x14: {  	_ =	swait.ge @!p1 [sflag:s0], $0x2000  }
0x15: {  	[sflag:s0] =	ssyncset.done @!p1 $0x0  }
0x16: {  	[sflag:s0] =	ssyncadd.s32 @!p1 $0xFFFFE000;
	s0 =	simm.s32 @!p1 $0x9  }
0x17: {  	_ =	swait.ge @!p1 [sflag:s0], $0x10  }
0x18: {  	s21 =	sadd.s32 $0x1, s21;
	[sflag:s0] =	ssyncset.done @!p1 $0x0  }
0x19: {  	[sflag:s0] =	ssyncadd.s32 @!p1 $0xFFFFFFF0;
	p1 =	sne.s32 s21, $0x5  }
.Ltmp1:
0x1a: {  	_ = 	snop;
	(pc) =	sbr.rel @!p1 .LBB2_11-.Ltmp1, $4  }
0x1b: {  	s3 =	sadd.s32 $0x2000, s22;
	s20 =	smov.u32 s7  }
0x1c: {  	s15 =	sadd.s32 $0x2000, s15;
	s16 =	sadd.s32 $0x2000, s16;
	p2 =	slt.s32 s3, s10  }
0x1d: {  	s23 =	smov.u32 s22;
	p0 =	por !p0, !p0;
	s20 =	smov.u32 @p2 s3  }
0x1e: {  	s17 =	sadd.s32 $0x2000, s17;
	s18 =	sadd.s32 $0x1, s18;
	s22 =	smov.u32 s20  }
.LBB2_1:
0x1f: {  	p1 =	sgt.u32 s21, $0x1  }
0x20: {  	s0 =	sshll.u32 @!p1 s21, $0xD  }
0x21: {  	s3 =	sshrl.u32 @!p1 s22, $0x3;
	s0 =	sand.u32 @!p1 $0x3FFFE000, s0  }
0x22: {  	s24 =	sand.u32 @!p1 $0x7, s22;
	s3 =	sadd.s32 @!p1 s4, s3;
	s0 =	sor.u32 @!p1 $0x100, s0  }
0x23: {  	[tilespmem:s0], [sflag:$0x7] =	stream.linear.gather @!p1 [hbm4b:s3+s24], $0x2000, $0x38;
	[tilespmem:$0x12120] =	vst v63  }
0x24: {  	s0 =	sadd.s32 $0xFFFFFFFF, s21  }
0x25: {  	p1 =	sgt.u32 s0, $0x1  }
.Ltmp2:
0x26: {  	_ = 	snop;
	(pc) =	sbr.rel @p1 .LBB2_5-.Ltmp2, $1  }
0x27: {  	_ =	sdelay $0x3  }
0x28: {  	_ =	swait.ge [sflag:s6], $0x2000;
	s24 =	sshll.u32 s0, $0xD  }
0x29: {  	[sflag:s6] =	ssyncset.done $0x0;
	s0 =	sor.u32 $0x100, s24  }
0x2a: {  	[sflag:s6] =	ssyncadd.s32 $0xFFFFE000;
	(ifvalue) =	ssetifvalue $0xFFFFFFFF;
	v4 =	vld.msk [tilespmem:s0+$0x0 ss:$0x1], $0xffff;
	_ =	sdelay $0x2  }
0x2b: {  	p1 =	sne.s32 s21, $0x1  }
0x2c: {  	v5 =	vimm.s32 @!p1 $0x0  }
0x2d: {  	v5 =	vperm.xlane @!p1 v4, v5  }
0x2e: {  	s31 =	sshll.u32 s21, $0x4;
	vm4 =	vlt.u32 v4, $0xF4400  }
0x2f: {  	s0 =	sand.u32 $0x10, s31;
	v4 =	vnsel vm4, $0xFFFFFFFE, v4;
	vm4 =	vlt.u32 @!p1 v5, $0xF4400  }
0x30: {  	[tilespmem:s0+$0x60] =	vst v4;
	v4 =	vnsel @!p1 vm4, $0xFFFFFFFE, v5  }
0x31: {  	[tilespmem:$0x80] =	vst @!p1 v4  }
0x32: {  	v4 =	vld.msk [tilespmem:s16+$0x0 ss:$0x1], $0xffff;
	_ =	sdelay $0x4  }
0x33: {  	(xrf1) =	vunique.msk.u32 $0xffff, v4;
	_ =	sdelay $0xd  }
0x34: {  	v5 =	vimm.s32 $0xFFFFFFFF;
	v6, _, _ =	vpop (xrf1)  }
0x35: {  	vm5 =	vne.s32 v4, v5;
	vm4 =	veq.s32 v6, v2  }
0x36: {  	vm6 =	vlt.u32 v4, $0xF4400;
	vm4 =	vmand vm5, vm4  }
0x37: {  	vm4 =	vmand vm6, vm4  }
0x38: {  	v5 =	vnsel vm4, $0xFFFFFFFF, v4;
	_ =	sdelay $0x3  }
0x39: {  	(ifvalue) =	ssetifvalue $0xFFFFFFFF  }
0x3a: {  	v4 =	vperm.xlane v4, v1;
	[tilespmem:s15], [sflag:$0x8] =	stream.indirect_vreg.gather [hbm4b:s1+s14], $0x1, v5, vm0, $0x4038;
	v5 =	vnsel vm6, $0xFFFFFFFE, v5;
	[tilespmem:$0x12120] =	vst v63  }
0x3b: {  	s25 =	simm.s32 $0x0;
	s26 =	sadd.s32 $0xFFFFFFF0, s16;
	s28 =	smov.u32 s15;
	[tilespmem:s16+$0x0] =	vst v5  }
.LBB2_3:
0x3c: {  	v5 =	vld.msk [tilespmem:s26+$0x0 ss:$0x1], $0xffff;
	s25 =	sadd.s32 $0x10, s25;
	v6 =	vmov v4;
	s0 =	smov.u32 s26  }
0x3d: {  	p1 =	slt.u32 s25, $0x1FF0;
	_ =	sdelay $0x4  }
0x3e: {  	v4 =	vperm.xlane v5, v1;
	(xrf1) =	vunique.msk.u32 $0xffff, v5;
	_ =	sdelay $0xd  }
0x3f: {  	v7, _, _ =	vpop (xrf1)  }
0x40: {  	vm5 =	vne.s32 v5, v6;
	vm4 =	veq.s32 v7, v2  }
0x41: {  	vm6 =	vlt.u32 v5, $0xF4400;
	vm4 =	vmand vm5, vm4  }
0x42: {  	vm4 =	vmand vm6, vm4  }
0x43: {  	v5 =	vnsel vm4, $0xFFFFFFFF, v5  }
.Ltmp3:
0x44: {  	v6 =	vnsel vm6, $0xFFFFFFFE, v5;
	(pc) =	sbr.rel @p1 .LBB2_3-.Ltmp3, $3  }
0x45: {  	_ =	sdelay $0x1  }
0x46: {  	s26 =	sadd.s32 $0xFFFFFFF0, s26;
	s28 =	sadd.s32 $0xFFFFFFF0, s28;
	(ifvalue) =	ssetifvalue $0xFFFFFFFF  }
0x47: {  	[tilespmem:s28], [sflag:$0x8] =	stream.indirect_vreg.gather [hbm4b:s1+s14], $0x1, v5, vm0, $0x4038;
	[tilespmem:s0+$0x0] =	vst v6  }
0x48: {  	s0 =	sshrl.u32 s23, $0x3  }
0x49: {  	s3 =	sadd.s32 $0xA100, s24;
	s0 =	sadd.s32 s5, s0  }
0x4a: {  	[tilespmem:s3], [sflag:$0x8] =	stream.linear.gather [hbm:s0], $0x2000, $0x38;
	[tilespmem:$0x12120] =	vst v63  }
.LBB2_5:
0x4b: {  	p1 =	sgt.u32 s21, $0x4  }
.Ltmp4:
0x4c: {  	_ = 	snop;
	(pc) =	sbr.rel @p1 .LBB2_7-.Ltmp4, $1  }
0x4d: {  	_ =	sdelay $0x3  }
0x4e: {  	s0 =	sshll.u32 s2, s21  }
0x4f: {  	s0 =	sand.u32 $0x13, s0  }
0x50: {  	p1 =	sne.s32 s0, $0x0  }
.Ltmp5:
0x51: {  	_ = 	snop;
	(pc) =	sbr.rel @p1 .LBB2_10-.Ltmp5, $1  }
0x52: {  	_ =	sdelay $0x3  }
.LBB2_7:
0x53: {  	s0 =	sadd.s32 $0xFFFFFFFE, s21  }
0x54: {  	s3 =	smulhi.u32 $0xAAAAAAAB, s0;
	_ =	sdelay $0x1  }
0x55: {  	s3 =	sshrl.u32 s3, $0x1  }
0x56: {  	s3 =	smul.u32 $0x3, s3;
	_ =	sdelay $0x1  }
0x57: {  	_ =	swait.ge [sflag:s8], $0x4000;
	s0 =	ssub.s32 s0, s3  }
0x58: {  	p1 =	sne.s32 s21, $0x3;
	[sflag:s8] =	ssyncset.done $0x0;
	s0 =	sshll.u32 s0, $0xD  }
0x59: {  	[sflag:s8] =	ssyncadd.s32 $0xFFFFC000;
	s3 =	sadd.s32 @!p1 $0x20FF, s0  }
0x5a: {  	[spmem:s11] =	stream.linear.scatter @!p1 [tilespmem:s3], [sflag:$0x1], $0x1, $0x38;
	[tilespmem:$0x12120] =	vst v63  }
0x5b: {  	s3 =	simm.s32 @!p1 $0x1  }
0x5c: {  	_ =	swait.ge @!p1 [sflag:s3], $0x1  }
0x5d: {  	s23 =	sshll.u32 s21, $0x4;
	[sflag:s3] =	ssyncset.done @!p1 $0x0  }
0x5e: {  	s23 =	sand.u32 $0x10, s23;
	[sflag:s3] =	ssyncadd.s32 @!p1 $0xFFFFFFFF  }
0x5f: {  	s3 =	sxor.u32 $0x10, s23;
	v5 =	vld [tilespmem:s23+$0x10]  }
0x60: {  	v6 =	vld [tilespmem:s3+$0x60]  }
0x61: {  	v4 =	vld [tilespmem:$0x80];
	_ =	sdelay $0x2  }
0x62: {  	(v2sf) =	vpush v5, $0x0  }
0x63: {  	(v2sf) =	vpush v6, $0x0  }
0x64: {  	(v2sf) =	vpush v4, $0x0;
	_ =	sdelay $0xc  }
0x65: {  	s24 =	spop (v2sf)  }
0x66: {  	s26 =	spop (v2sf)  }
0x67: {  	s25 =	spop (v2sf)  }
0x68: {  	p2 =	seq.s32 s24, s26;
	p3 =	seq.s32 s25, s24  }
0x69: {  	p3 =	por p2, p3  }
0x6a: {  	v5 =	vpsel p3, $0xFFFFFFFF, v5  }
0x6b: {  	s20 =	sand.u32 $0x1, s21;
	[tilespmem:s23+$0x10] =	vst.msk $0x1, v5  }
0x6c: {  	s26 =	sshll.u32 s20, $0xD;
	v5 =	vld [tilespmem:$0x30]  }
0x6d: {  	v6 =	vld [tilespmem:s26+$0xA100]  }
0x6e: {  	v7 =	vld [tilespmem:s23+$0x40];
	_ =	sdelay $0x2  }
0x6f: {  	vm4 =	vmmov vm1  }
0x70: {  	vm5 =	vmmov vm2;
	vm4 =	vmmov @p2 vm2;
	s24 =	sshll.u32 s20, $0x4;
	v6 =	vmax.f32 v5, v6  }
0x71: {  	s24 =	sor.u32 $0x12100, s24;
	vm5 =	vmmov @p3 vm1;
	v5 =	vmax.f32 v5, v7;
	[tilespmem:s26+$0xA100] =	vst.msk vm4, v6  }
0x72: {  	[tilespmem:s24+$0x0] =	vst.msk vm5, v5  }
0x73: {  	v5 =	vld [tilespmem:s26+$0x80F0];
	_ =	sdelay $0x4  }
0x74: {  	v5 =	vshift.insert v5, v3, s19  }
0x75: {  	s28 =	sor.u32 $0x40, s3  }
0x76: {  	v6 =	vimm.f32 $-Inf;
	[tilespmem:s28+$0x0] =	vst.msk $0x1, v5  }
0x77: {  	[tilespmem:s26+$0x80FF] =	vst.msk $0x1, v6  }
0x78: {  	v5 =	vld [tilespmem:s0+$0x20F0]  }
0x79: {  	s20 =	smulhi.u32 $0xAAAAAAAB, s18;
	_ =	sdelay $0x1  }
0x7a: {  	s0 =	sshrl.u32 s20, $0x1  }
0x7b: {  	s0 =	smul.u32 $0xFFFE8000, s0  }
0x7c: {  	s28 =	simm.s32 $0x1;
	v5 =	vshift.insert v5, v1, s19  }
0x7d: {  	s28 =	simm.s32 @!p0 $0x0;
	s0 =	sshra.s32 s0, $0x2  }
0x7e: {  	s28 =	sshll.u32 s28, $0xD;
	s0 =	sadd.s32 s0, s17;
	[tilespmem:s3+$0x10] =	vst.msk $0x1, v5  }
0x7f: {  	s3 =	sadd.s32 $0xA100, s28;
	v7 =	vld [tilespmem:s0+$0x0]  }
0x80: {  	v8 =	vld [tilespmem:s3+$0x0];
	_ =	sdelay $0x4  }
0x81: {  	vm4 =	vne.s32 v7, $0xFFFFFFFF;
	v6 =	vmax.f32 v8, v6  }
0x82: {  	(xrf0) =	vmax.seg.scan.f32 vm4, v6  }
0x83: {  	s20 =	sadd.s32 $0x6100, s28;
	v8 =	vld [tilespmem:$0xA0]  }
0x84: {  	v9 =	vld [tilespmem:s20+$0x0];
	_ =	sdelay $0x1  }
0x85: {  	v6 =	vperm.xlane v5, v1;
	_ =	sdelay $0x1  }
0x86: {  	vm6 =	veq.s32 v7, v4;
	vm7 =	veq.s32 v7, v6;
	vm5 =	veq.s32 v8, $0x1;
	v8, _, _ =	vpop (xrf0)  }
0x87: {  	vm8 =	vgt.u32 v7, $0xFFFFFFFD;
	vm7 =	vmor vm7, vm6;
	v9 =	vmax.f32 v8, v9  }
0x88: {  	s28 =	sadd.s32 $0xE100, s28;
	v10 =	vld [tilespmem:$0x90];
	vm7 =	vmor vm7, vm8;
	v9 =	vsel vm6, v8, v9  }
0x89: {  	[tilespmem:s28+$0x0] =	vst v9;
	v9 =	vsel vm7, $0xFFFFFFFF, v7;
	_ =	sdelay $0x1  }
0x8a: {  	vm9 =	vmand vm4, vm3  }
0x8b: {  	s29 =	simm.s32 $0x0;
	s31 =	sadd.s32 $0x10, s0;
	s30 =	sadd.s32 $0x10, s3;
	v11 =	vsel vm9, $0xFF800000, v8  }
0x8c: {  	s0 =	sadd.s32 $0x10, s28;
	s3 =	sadd.s32 $0x10, s20;
	vm4 =	vmor vm5, vm6;
	v7 =	vsel vm6, v8, v10;
	v8 =	vshift.insert v11, v0, s19;
	(ifvalue) =	ssetifvalue $0xFFFFFFFF  }
.LBB2_8:
0x8d: {  	[hbm4b:s1+s14] =	stream.indirect_vreg.scatter [tilespmem:s28], [sflag:$0x2], $0x1, v9, vm0, $0x4038;
	[tilespmem:$0x12120] =	vst v63  }
0x8e: {  	s29 =	sadd.s32 $0x10, s29;
	s28 =	smov.u32 s0;
	v9 =	vld [tilespmem:s31+$0x0]  }
0x8f: {  	p2 =	slt.u32 s29, $0x1FF0;
	v10 =	vld [tilespmem:s30+$0x0];
	_ =	sdelay $0x4  }
0x90: {  	vm5 =	vne.s32 v9, $0xFFFFFFFF;
	v8 =	vmax.f32 v10, v8  }
0x91: {  	(xrf0) =	vmax.seg.scan.f32 vm5, v8;
	_ =	sdelay $0x1  }
0x92: {  	v8 =	vld [tilespmem:s3+$0x0]  }
0x93: {  	vm6 =	veq.s32 v9, v4;
	vm7 =	veq.s32 v9, v6  }
0x94: {  	vm8 =	vgt.u32 v9, $0xFFFFFFFD;
	vm4 =	vmor vm4, vm6;
	vm7 =	vmor vm7, vm6  }
0x95: {  	vm7 =	vmor vm7, vm8  }
.Ltmp6:
0x96: {  	vm5 =	vmand vm5, vm3;
	v9 =	vsel vm7, $0xFFFFFFFF, v9;
	v10, _, _ =	vpop (xrf0);
	(pc) =	sbr.rel @p2 .LBB2_8-.Ltmp6, $4  }
0x97: {  	v7 =	vsel vm6, v10, v7;
	v8 =	vmax.f32 v10, v8;
	v11 =	vsel vm5, $0xFF800000, v10  }
0x98: {  	v10 =	vsel vm6, v10, v8;
	v8 =	vshift.insert v11, v0, s19  }
0x99: {  	s31 =	sadd.s32 $0x10, s31;
	s30 =	sadd.s32 $0x10, s30;
	[tilespmem:s0+$0x0] =	vst v10  }
0x9a: {  	s3 =	sadd.s32 $0x10, s3;
	s0 =	sadd.s32 $0x10, s0;
	(ifvalue) =	ssetifvalue $0xFFFFFFFF  }
0x9b: {  	_ =	sdelay $0x3  }
0x9c: {  	[hbm4b:s1+s14] =	stream.indirect_vreg.scatter [tilespmem:s28], [sflag:$0x2], $0x1, v9, vm0, $0x4038;
	[tilespmem:$0x12120] =	vst v63  }
0x9d: {  	v4 =	vld [tilespmem:s26+$0x100F0];
	_ =	sdelay $0x4  }
0x9e: {  	v4 =	vshift.insert v4, v3, s19  }
0x9f: {  	s0 =	simm.s32 $0x30  }
0xa0: {  	[tilespmem:s0+$0x0] =	vst.msk $0x1, v4  }
0xa1: {  	v4 =	vsel vm4, $0x1, v1;
	[tilespmem:$0x90] =	vst v7  }
0xa2: {  	s0 =	sadd.s32 @!p1 $0x100FF, s26;
	[tilespmem:$0xA0] =	vst v4  }
0xa3: {  	[spmem:s12] =	stream.linear.scatter @!p1 [tilespmem:s0], [sflag:$0x1], $0x1, $0x38;
	[tilespmem:$0x12120] =	vst v63  }
0xa4: {  	s0 =	simm.s32 @!p1 $0x1  }
0xa5: {  	v4 =	vmctz.xlane @!p1 vm4;
	_ =	swait.ge @!p1 [sflag:s0], $0x1  }
0xa6: {  	(v2sf) =	vpush @!p1 v5, $0x0  }
0xa7: {  	(v2sf) =	vpush @!p1 v4, $0x0;
	_ =	sdelay $0xd  }
0xa8: {  	s3 =	spop @!p1 (v2sf)  }
0xa9: {  	s20 =	spop @!p1 (v2sf)  }
0xaa: {  	p2 =	sne.s32 @!p1 s25, s3;
	p3 =	slt.s32 @!p1 s20, $0xF  }
0xab: {  	[sflag:s0] =	ssyncset.done @!p1 $0x0;
	p2 =	por p2, p1;
	p3 =	por !p3, p1  }
0xac: {  	[sflag:s0] =	ssyncadd.s32 @!p1 $0xFFFFFFFF;
	v4 =	vimm.s32 @!p2 $0xFFFFFFFF;
	s20 =	simm.s32 @p3 $0xF  }
0xad: {  	[tilespmem:$0x80] =	vst @!p2 v4;
	s3 =	sadd.s32 @!p1 $0x90, s20  }
0xae: {  	[spmem:s9] =	stream.linear.scatter @!p1 [tilespmem:s3], [sflag:$0x1], $0x1, $0x38;
	[tilespmem:$0x12120] =	vst v63  }
0xaf: {  	_ =	swait.ge @!p1 [sflag:s0], $0x1  }
0xb0: {  	[sflag:s0] =	ssyncset.done @!p1 $0x0  }
0xb1: {  	s3 =	simm.s32 @!p1 $0x80;
	[sflag:s0] =	ssyncadd.s32 @!p1 $0xFFFFFFFF  }
0xb2: {  	[spmem:s13] =	stream.linear.scatter @!p1 [tilespmem:s3], [sflag:$0x1], $0x1, $0x38;
	[tilespmem:$0x12120] =	vst v63  }
0xb3: {  	_ =	swait.ge @!p1 [sflag:s0], $0x1  }
0xb4: {  	[sflag:s0] =	ssyncset.done @!p1 $0x0  }
0xb5: {  	[sflag:s0] =	ssyncadd.s32 @!p1 $0xFFFFFFFF;
	(ifvalue) =	ssetifvalue $0xFFFFFFFF;
	v4 =	vld [tilespmem:s23+$0x10];
	_ =	sdelay $0x3  }
.Ltmp7:
0xb6: {  	_ = 	snop;
	(pc) =	sbr.rel .LBB2_10-.Ltmp7, $3  }
0xb7: {  	_ =	sdelay $0x1  }
0xb8: {  	(ifvalue) =	ssetifvalue $0xFFFFFFFF  }
0xb9: {  	[hbm4b:s1+s14] =	stream.indirect_vreg.scatter [tilespmem:s24], [sflag:$0x9], $0x1, v4, vm0, $0x4038;
	[tilespmem:$0x12120] =	vst v63  }
.LBB2_11:
0xba: {  	_ =	sfence.sel $0x180000  }
0xbb: {  	s0 =	simm.s32 $0x7;
	[bflag:$0x0] =	sbarrier.arrive $0xFFFF  }
0xbc: {  	s26 =	simm.s32 $0x8;
	[sflag:s0] =	ssyncpa.u1 $0x1  }
0xbd: {  	s28 =	simm.s32 $0x9;
	[sflag:s26] =	ssyncpa.u1 $0x1  }
0xbe: {  	[sflag:s28] =	ssyncpa.u1 $0x1  }
0xbf: {  	_ =	sfence.stream.spmem  }
0xc0: {  	s29 =	simm.s32 $0x3;
	[bflag:$0x0] =	sbarrier.arrive $0xFFFF  }
0xc1: {  	s30 =	simm.s32 $0x4;
	[sflag:s29] =	ssyncpa.u1 $0x1  }
0xc2: {  	s31 =	simm.s32 $0x3C;
	s2 =	stileid.u32;
	[sflag:s30] =	ssyncpa.u1 $0x1  }
0xc3: {  	p0 =	sne.s32 s2, $0x0;
	[sflag:s31] =	ssyncpa.u1 $0x1  }
0xc4: {  	s0 =	simm.s32 @p0 $0x1;
	_ =	sfence @p0  }
0xc5: {  	[sflag:s0] =	ssyncpa.u1 @p0 $0x1;
	s0 =	simm.s32 @p0 $0x2  }
0xc6: {  	[sflag:s0] =	ssyncpa.u1 @p0 $0x1  }
0xc7: {  	_ =	strace @p0 $0x9000004A  }
0xc8: {  	[bflag:$0x2] =	sbarrier.arrive @p0 $0xFFFF  }
0xc9: {  	_ =	shalt @p0  }
.LBB2_12:
0xca: {  	_ =	sfence.stream.spmem;
	s0 =	simm.s32 $0x5  }
0xcb: {  	s2 =	simm.s32 $0x80;
	s3 =	simm.s32 $0xC0;
	[sflag:s0] =	ssyncpa.u1 $0x0  }
0xcc: {  	[tilespmem:s3], [sflag:$0x5] =	stream.linear.gather [spmem:s2], $0x20, $0x38;
	[tilespmem:$0x12120] =	vst v63  }
0xcd: {  	s30 =	simm.s32 $0xE0;
	s2 =	simm.s32 $0x0  }
0xce: {  	[tilespmem:s30], [sflag:$0x5] =	stream.linear.gather [spmem:s2], $0x20, $0x38;
	[tilespmem:$0x12120] =	vst v63  }
.Ltmp8:
0xcf: {  	_ = 	snop;
	(pc) =	sbr.rel .LBB2_13-.Ltmp8, $4  }
0xd0: {  	_ =	swait.ge [sflag:s0], $0x40  }
0xd1: {  	[sflag:s0] =	ssyncset.done $0x0  }
0xd2: {  	s31 =	simm.s32 $0x6;
	[sflag:s0] =	ssyncadd.s32 $0xFFFFFFC0  }
0xd3: {  	s3 =	simm.s32 $0x0;
	[sflag:s31] =	ssyncpa.u1 $0x0  }
.LBB2_18:
0xd4: {  	p0 =	sgt.u32 s4, $0xF43FF  }
0xd5: {  	s0 =	sshrl.u32 @!p0 s4, $0x3  }
0xd6: {  	s4 =	sand.u32 @!p0 $0x7, s4;
	s5 =	simm.s32 @!p0 $0xB0;
	s0 =	sadd.s32 @!p0 s1, s0  }
0xd7: {  	[tilespmem:s5], [sflag:$0x6] =	stream.linear.gather @!p0 [hbm4b:s0+s4], $0x1, $0x38;
	[tilespmem:$0x12120] =	vst v63  }
0xd8: {  	s0 =	simm.s32 @!p0 $0x6  }
0xd9: {  	_ =	swait.ge @!p0 [sflag:s0], $0x1  }
0xda: {  	[sflag:s0] =	ssyncset.done @!p0 $0x0  }
0xdb: {  	[sflag:s0] =	ssyncadd.s32 @!p0 $0xFFFFFFFF  }
0xdc: {  	v1 =	vld.msk @!p0 [tilespmem:$0xB0], $0x1  }
0xdd: {  	v2 =	vld.msk @!p0 [tilespmem:s3+$0xE0], $0x1;
	_ =	sdelay $0x4  }
0xde: {  	v1 =	vmax.f32 @!p0 v2, v1  }
0xdf: {  	[tilespmem:s3+$0xE0] =	vst.msk @!p0 $0x1, v1  }
0xe0: {  	[tilespmem:s2+$0xC0] =	vst.msk $0x1, v0  }
0xe1: {  	v0 =	vld.msk [tilespmem:s3+$0xE0], $0x1;
	_ =	sdelay $0x4  }
0xe2: {  	[tilespmem:s2+$0xE0] =	vst.msk $0x1, v0;
	s2 =	sadd.s32 $0x1, s2  }
.LBB2_20:
0xe3: {  	s3 =	sadd.s32 $0x1, s3  }
0xe4: {  	p0 =	sne.s32 s3, $0x20  }
.Ltmp9:
0xe5: {  	_ = 	snop;
	(pc) =	sbr.rel @!p0 .LBB2_21-.Ltmp9, $1  }
0xe6: {  	_ =	sdelay $0x3  }
.LBB2_13:
0xe7: {  	v0 =	vld.msk [tilespmem:s3+$0xC0], $0x1;
	_ =	sdelay $0x4  }
0xe8: {  	(v2sf) =	vpush v0, $0x0;
	_ =	sdelay $0xe  }
0xe9: {  	s4 =	spop (v2sf)  }
0xea: {  	p0 =	seq.s32 s4, $0xFFFFFFFF  }
.Ltmp10:
0xeb: {  	_ = 	snop;
	(pc) =	sbr.rel @p0 .LBB2_20-.Ltmp10, $1  }
0xec: {  	_ =	sdelay $0x3  }
0xed: {  	p0 =	slt.s32 s2, $0x1  }
.Ltmp11:
0xee: {  	_ = 	snop;
	(pc) =	sbr.rel @p0 .LBB2_18-.Ltmp11, $1  }
0xef: {  	_ =	sdelay $0x3  }
0xf0: {  	s5 =	simm.s32 $0xC0;
	p0 =	por $0x0, $0x0  }
0xf1: {  	v1 =	vld.msk @!p0 [tilespmem:s5+$0x0], $0x1;
	_ =	sdelay $0x4  }
0xf2: {  	(v2sf) =	vpush @!p0 v1, $0x0;
	_ =	sdelay $0xd  }
0xf3: {  	p2 =	sne.s32 s2, $0x1  }
.Ltmp12:
0xf4: {  	s0 =	spop @!p0 (v2sf);
	(pc) =	sbr.rel @!p2 .LBB2_17-.Ltmp12, $4  }
0xf5: {  	p1 =	seq.s32 @!p0 s4, s0  }
0xf6: {  	s6 =	simm.s32 $0x0;
	p1 =	por !p1, p0  }
0xf7: {  	s7 =	simm.s32 $0xFFFFFFFF;
	s6 =	simm.s32 @p1 $0xFFFFFFFF  }
0xf8: {  	s0 =	simm.s32 $0x1;
	s6 =	smov.u32 @p0 s7  }
.LBB2_16:
0xf9: {  	s7 =	smov.u32 s6;
	p0 =	sne.s32 s6, $0xFFFFFFFF  }
0xfa: {  	s5 =	sadd.s32 $0x1, s5;
	s6 =	smov.u32 s0;
	s0 =	sadd.s32 $0x1, s0  }
0xfb: {  	p1 =	sne.s32 s2, s0;
	v1 =	vld.msk @!p0 [tilespmem:s5+$0x0], $0x1;
	_ =	sdelay $0x4  }
0xfc: {  	(v2sf) =	vpush @!p0 v1, $0x0;
	_ =	sdelay $0xe  }
.Ltmp13:
0xfd: {  	s8 =	spop @!p0 (v2sf);
	(pc) =	sbr.rel @p1 .LBB2_16-.Ltmp13, $4  }
0xfe: {  	p2 =	seq.s32 @!p0 s4, s8  }
0xff: {  	p2 =	por !p2, p0  }
0x100: {  	s6 =	simm.s32 @p2 $0xFFFFFFFF  }
0x101: {  	s6 =	smov.u32 @p0 s7  }
.LBB2_17:
0x102: {  	p0 =	sne.s32 s6, $0xFFFFFFFF  }
.Ltmp14:
0x103: {  	_ = 	snop;
	(pc) =	sbr.rel @!p0 .LBB2_18-.Ltmp14, $1  }
0x104: {  	_ =	sdelay $0x3  }
0x105: {  	v0 =	vld.msk [tilespmem:s3+$0xE0], $0x1  }
0x106: {  	v1 =	vld.msk [tilespmem:s6+$0xE0], $0x1;
	_ =	sdelay $0x1  }
.Ltmp15:
0x107: {  	_ = 	snop;
	(pc) =	sbr.rel .LBB2_20-.Ltmp15, $3  }
0x108: {  	_ =	sdelay $0x1  }
0x109: {  	v0 =	vmax.f32 v1, v0  }
0x10a: {  	[tilespmem:s6+$0xE0] =	vst.msk $0x1, v0  }
.LBB2_21:
0x10b: {  	p0 =	slt.s32 s2, $0x1  }
.Ltmp16:
0x10c: {  	_ = 	snop;
	(pc) =	sbr.rel @p0 .LBB2_25-.Ltmp16, $3  }
0x10d: {  	_ =	sdelay $0x1  }
0x10e: {  	s0 =	simm.s32 $0x6  }
0x10f: {  	s3 =	simm.s32 $0x0;
	[sflag:s0] =	ssyncpa.u1 $0x1  }
0x110: {  	s0 =	simm.s32 $0xC0  }
0x111: {  	v0 =	vld.msk [tilespmem:s0+$0x0], $0x1;
	_ =	sdelay $0x4  }
0x112: {  	(v2sf) =	vpush v0, $0x0;
	_ =	sdelay $0xe  }
0x113: {  	s0 =	sadd.s32 $0xFFFFFFFF, s2;
	s5 =	spop (v2sf)  }
0x114: {  	p1 =	sne.s32 s0, $0x0;
	p0 =	sgt.u32 s5, $0xF43FF  }
.Ltmp17:
0x115: {  	s6 =	sshrl.u32 @!p0 s5, $0x3;
	(pc) =	sbr.rel @!p1 .LBB2_24-.Ltmp17, $4  }
0x116: {  	s4 =	simm.s32 $0xE0;
	s5 =	sand.u32 @!p0 $0x7, s5;
	s2 =	sadd.s32 @!p0 s1, s6  }
0x117: {  	[hbm4b:s2+s5] =	stream.linear.scatter @!p0 [tilespmem:s4], [sflag:$0x5], $0x1, $0x38;
	[tilespmem:$0x12120] =	vst v63  }
0x118: {  	s5 =	simm.s32 $0x0  }
0x119: {  	s2 =	simm.s32 $0xC1;
	s5 =	simm.s32 @!p0 $0x4  }
.LBB2_23:
0x11a: {  	v0 =	vld.msk [tilespmem:s2+$0x0], $0x1;
	s0 =	sadd.s32 $0xFFFFFFFF, s0;
	s3 =	sadd.s32 s3, s5  }
0x11b: {  	p0 =	sne.s32 s0, $0x0;
	_ =	sdelay $0x3  }
0x11c: {  	(v2sf) =	vpush v0, $0x0;
	_ =	sdelay $0xe  }
.Ltmp18:
0x11d: {  	s6 =	spop (v2sf);
	(pc) =	sbr.rel @p0 .LBB2_23-.Ltmp18, $4  }
0x11e: {  	s5 =	simm.s32 $0x0;
	p1 =	sgt.u32 s6, $0xF43FF  }
0x11f: {  	s4 =	sadd.s32 $0x1, s4;
	s5 =	simm.s32 @!p1 $0x4;
	s7 =	sshrl.u32 @!p1 s6, $0x3  }
0x120: {  	s2 =	sadd.s32 $0x1, s2;
	s6 =	sand.u32 @!p1 $0x7, s6;
	s7 =	sadd.s32 @!p1 s1, s7  }
0x121: {  	[hbm4b:s7+s6] =	stream.linear.scatter @!p1 [tilespmem:s4], [sflag:$0x5], $0x1, $0x38;
	[tilespmem:$0x12120] =	vst v63  }
.LBB2_24:
0x122: {  	s0 =	sadd.s32 s3, s5  }
0x123: {  	s3 =	sshrl.u32 s0, $0x2  }
.LBB2_25:
0x124: {  	s0 =	simm.s32 $0x5  }
0x125: {  	_ =	swait.ge [sflag:s0], s3  }
0x126: {  	s1 =	ssub.s32 $0x0, s3;
	[sflag:s0] =	ssyncset.done $0x0  }
0x127: {  	[sflag:s0] =	ssyncadd.s32 s1  }
0x128: {  	[sflag:s0] =	ssyncpa.u1 $0x1  }
0x129: {  	s29 =	simm.s32 $0x1;
	_ =	sfence  }
0x12a: {  	s30 =	simm.s32 $0x2;
	[sflag:s29] =	ssyncpa.u1 $0x1  }
0x12b: {  	[sflag:s30] =	ssyncpa.u1 $0x1  }
0x12c: {  	_ =	strace $0x9000004A  }
0x12d: {  	[bflag:$0x2] =	sbarrier.arrive $0xFFFF  }
0x12e: {  	s31 =	rddreg [dreg:$0x2]  }
0x12f: {  	s0 =	sadd.s32 $0x100000, s31  }
0x130: {  	[sflag:s0] =	ssyncadd.tile.s32 $0x1;
	_ =	shalt  }
.Lfunc_end2:
_tile_overlayer_lowered:
.L_overlay_start_2:
0x131: {  	(tag) =	ssettag $0x2  }
0x132: {  	s0 =	rddreg [dreg:$0x0];
	s2 =	stileid.u32  }
0x133: {  	s1 =	rddreg [dreg:$0x1];
	p0 =	sne.s32 s2, $0x0  }
0x134: {  	s3 =	rddreg [dreg:$0x2];
	[bflag:$0x3] =	sbarrier.arrive $0xFFFF;
	s2 =	simm.s32 @!p0 $0x1C01  }
0x135: {  	[timem:s3], [sflag:s2] =	dma.local @!p0 [hbm:s0], s1  }
0x136: {  	s0 =	simm.s32 @!p0 $0x1  }
0x137: {  	_ =	swait.ge @!p0 [sflag:s0], s1  }
0x138: {  	s1 =	ssub.s32 @!p0 $0x0, s1;
	[sflag:s0] =	ssyncset.done @!p0 $0x0  }
0x139: {  	[sflag:s0] =	ssyncadd.s32 @!p0 s1  }
0x13a: {  	[bflag:$0x3] =	sbarrier.arrive $0xFFFF  }
0x13b: {  	_ =	shalt  }

</sc_bundles>
